<compile_context>
chip_gen: v7x
topology: tpu7x:2x2x1
jax: 0.10.2.dev20260603
libtpu: 0.0.44.dev20260713+nightly
codegen_flags: <defaults>
</compile_context>

<pallas_src>
import functools

import jax
import jax.numpy as jnp
from jax import lax
from jax.experimental import pallas as pl
from jax.experimental.pallas import tpu as pltpu
from jax.experimental.pallas import tpu_sc as plsc

N = 10000
E = 320000
D = 128
NC = 2
NS = 16
NPAD = 10240
TRASH = N
EPT = E // (NC * NS)
K = 80
CHUNKS = EPT // K
RPT = NPAD // NS

_mesh = plsc.VectorSubcoreMesh(
    core_axis_name="c", subcore_axis_name="s", num_cores=NC, num_subcores=NS
)




def _copy_chunk(src_all, dst, off):
    for j in range(K // 16):
        dst[pl.ds(j * 16, 16)] = src_all[pl.ds(off + j * 16, 16)]


@functools.partial(
    pl.kernel,
    out_type=jax.ShapeDtypeStruct((NC, NPAD, D), jnp.float32),
    mesh=_mesh,
    scratch_types=[
        pltpu.VMEM((K,), jnp.int32),
        pltpu.VMEM((K,), jnp.int32),
        pltpu.VMEM((K,), jnp.int32),
        pltpu.VMEM((K,), jnp.int32),
        pltpu.VMEM((EPT,), jnp.int32),
        pltpu.VMEM((EPT,), jnp.int32),
        pltpu.VMEM((K, D), jnp.float32),
        pltpu.VMEM((K, D), jnp.float32),
        pltpu.VMEM_SHARED((NPAD, D), jnp.float32),
        pltpu.SemaphoreType.DMA,
        pltpu.SemaphoreType.DMA,
    ],
)
def _sc_agg(zp, row, colp, zeros, out, rowbufA, colbufA, rowbufB, colbufB,
            row_all, colp_all, msgA, msgB, acc, semA, semB):
    c = lax.axis_index("c")
    s = lax.axis_index("s")
    base = s * RPT
    pltpu.sync_copy(zeros.at[pl.ds(base, RPT)], acc.at[pl.ds(base, RPT)])
    ebase = (c * NS + s) * EPT
    pltpu.sync_copy(row.at[pl.ds(ebase, EPT)], row_all)
    pltpu.sync_copy(colp.at[pl.ds(ebase, EPT)], colp_all)
    plsc.subcore_barrier()

    def _stage(g, rb, cb):
        _copy_chunk(row_all, rb, g * K)
        _copy_chunk(colp_all, cb, g * K)

    def _scat(mb, cb):
        pltpu.sync_copy(mb, acc.at[cb], add=True)

    _stage(0, rowbufA, colbufA)
    pltpu.async_copy(zp.at[rowbufA], msgA, semA).wait()

    def _body(st, carry):
        g = 2 * st
        _stage(g + 1, rowbufB, colbufB)
        dB = pltpu.async_copy(zp.at[rowbufB], msgB, semB)
        _scat(msgA, colbufA)
        dB.wait()
        _stage(g + 2, rowbufA, colbufA)
        dA = pltpu.async_copy(zp.at[rowbufA], msgA, semA)
        _scat(msgB, colbufB)
        dA.wait()
        return carry

    lax.fori_loop(0, (CHUNKS - 1) // 2, _body, 0)
    _scat(msgA, colbufA)

    plsc.subcore_barrier()
    pltpu.sync_copy(acc.at[pl.ds(base, RPT)], out.at[c, pl.ds(base, RPT)])


@functools.partial(
    pl.kernel,
    out_type=jax.ShapeDtypeStruct((NC, NPAD, D), jnp.float32),
    mesh=_mesh,
    scratch_types=[
        pltpu.VMEM((K,), jnp.int32),
        pltpu.VMEM((K,), jnp.int32),
        pltpu.VMEM((EPT,), jnp.int32),
        pltpu.VMEM((K, D), jnp.float32),
        pltpu.VMEM_SHARED((NPAD, D), jnp.float32),
        pltpu.SemaphoreType.DMA,
        pltpu.SemaphoreType.DMA,
    ],
)
def _sc_deg(colp, zeros, ones, out, colbufA, colbufB, colp_all, buf, acc,
            semA, semB):
    c = lax.axis_index("c")
    s = lax.axis_index("s")
    base = s * RPT
    pltpu.sync_copy(zeros.at[pl.ds(base, RPT)], acc.at[pl.ds(base, RPT)])
    pltpu.sync_copy(ones, buf)
    ebase = (c * NS + s) * EPT
    pltpu.sync_copy(colp.at[pl.ds(ebase, EPT)], colp_all)
    plsc.subcore_barrier()

    def _body(st, carry):
        g = 2 * st
        _copy_chunk(colp_all, colbufA, g * K)
        dA = pltpu.async_copy(buf, acc.at[colbufA], semA, add=True)
        _copy_chunk(colp_all, colbufB, (g + 1) * K)
        dB = pltpu.async_copy(buf, acc.at[colbufB], semB, add=True)
        dA.wait()
        dB.wait()
        return carry

    lax.fori_loop(0, CHUNKS // 2, _body, 0)
    _copy_chunk(colp_all, colbufA, (CHUNKS - 1) * K)
    pltpu.sync_copy(buf, acc.at[colbufA], add=True)
    plsc.subcore_barrier()
    pltpu.sync_copy(acc.at[pl.ds(base, RPT)], out.at[c, pl.ds(base, RPT)])



_RB = 400
_GRID = N // _RB
_BE = 6400


def _tc_prep_body(e_ref, colp_ref):
    r = e_ref[0:1, :]
    c = e_ref[1:2, :]
    colp_ref[...] = jnp.where(r == c, TRASH, c)


_tc_prep = pl.pallas_call(
    _tc_prep_body,
    grid=(E // _BE,),
    in_specs=[pl.BlockSpec((2, _BE), lambda i: (0, i))],
    out_specs=pl.BlockSpec((1, _BE), lambda i: (0, i)),
    out_shape=jax.ShapeDtypeStruct((1, E), jnp.int32),
)


def _row_spec(width):
    return pl.BlockSpec((_RB, width), lambda i: (i, 0))


def _tc_first_body(x_ref, w_ref, d0_ref, d1_ref, zp_ref, dis_ref):
    deg = d0_ref[:, :1] + d1_ref[:, :1] + 1.0
    dis = lax.rsqrt(deg)
    z = jnp.dot(x_ref[...], w_ref[...], preferred_element_type=jnp.float32)
    zp_ref[...] = dis * z
    dis_ref[...] = jnp.broadcast_to(dis, (_RB, 16))


_tc_first = pl.pallas_call(
    _tc_first_body,
    grid=(_GRID,),
    in_specs=[
        _row_spec(D),
        pl.BlockSpec((D, D), lambda i: (0, 0)),
        _row_spec(D),
        _row_spec(D),
    ],
    out_specs=[_row_spec(D), _row_spec(16)],
    out_shape=[
        jax.ShapeDtypeStruct((N, D), jnp.float32),
        jax.ShapeDtypeStruct((N, 16), jnp.float32),
    ],
)


def _tc_mid_body(a0_ref, a1_ref, zp_ref, dis_ref, b_ref, w_ref, out_ref):
    dis = dis_ref[:, :1]
    h = dis * (a0_ref[...] + a1_ref[...] + zp_ref[...]) + b_ref[...]
    h = jnp.maximum(h, 0.0)
    out_ref[...] = dis * jnp.dot(
        h, w_ref[...], preferred_element_type=jnp.float32
    )


_tc_mid = pl.pallas_call(
    _tc_mid_body,
    grid=(_GRID,),
    in_specs=[
        _row_spec(D),
        _row_spec(D),
        _row_spec(D),
        _row_spec(16),
        pl.BlockSpec((1, D), lambda i: (0, 0)),
        pl.BlockSpec((D, D), lambda i: (0, 0)),
    ],
    out_specs=_row_spec(D),
    out_shape=jax.ShapeDtypeStruct((N, D), jnp.float32),
)


def _tc_last_body(a0_ref, a1_ref, zp_ref, dis_ref, b_ref, out_ref):
    dis = dis_ref[:, :1]
    out_ref[...] = dis * (a0_ref[...] + a1_ref[...] + zp_ref[...]) + b_ref[...]


_tc_last = pl.pallas_call(
    _tc_last_body,
    grid=(_GRID,),
    in_specs=[
        _row_spec(D),
        _row_spec(D),
        _row_spec(D),
        _row_spec(16),
        pl.BlockSpec((1, D), lambda i: (0, 0)),
    ],
    out_specs=_row_spec(D),
    out_shape=jax.ShapeDtypeStruct((N, D), jnp.float32),
)


def kernel(x, edge_index, W1, b1, W2, b2, W3, b3):
    row = edge_index[0]
    colp = _tc_prep(edge_index)[0]
    zeros = jnp.zeros((NPAD, D), jnp.float32)
    ones = jnp.ones((K, D), jnp.float32)

    degp = _sc_deg(colp, zeros, ones)
    z1p, dis16 = _tc_first(x, W1, degp[0, :N], degp[1, :N])

    a1 = _sc_agg(z1p, row, colp, zeros)
    z2p = _tc_mid(a1[0, :N], a1[1, :N], z1p, dis16, b1.reshape(1, D), W2)

    a2 = _sc_agg(z2p, row, colp, zeros)
    z3p = _tc_mid(a2[0, :N], a2[1, :N], z2p, dis16, b2.reshape(1, D), W3)

    a3 = _sc_agg(z3p, row, colp, zeros)
    return _tc_last(a3[0, :N], a3[1, :N], z3p, dis16, b3.reshape(1, D))

# --- scband reference (transcript-rebuilt; emitter-appended) ---
"""Pipeline reference for scband-neo-gnn-3023656976871 (READ-ONLY COPY).

The authoritative reference and input builder live on the scoring server;
editing this copy changes nothing except your own understanding.
"""

import jax, jax.numpy as jnp
import numpy as np

N = 10000
E = 320000
D_IN = 128
D_HID = 128
D_OUT = 128


def _glorot(key, shape):
    fan_in, fan_out = shape[0], shape[1]
    limit = np.sqrt(6.0 / (fan_in + fan_out))
    return jax.random.uniform(key, shape, dtype=jnp.float32, minval=-limit, maxval=limit)


def setup_inputs(seed: int = 0) -> dict:
    key = jax.random.key(seed)
    ks = jax.random.split(key, 8)
    x = jax.random.normal(ks[0], (N, D_IN), dtype=jnp.float32)
    edge_index = jax.random.randint(ks[1], (2, E), 0, N, dtype=jnp.int32)
    W1 = _glorot(ks[2], (D_IN, D_HID))
    b1 = jnp.zeros((D_HID,), dtype=jnp.float32)
    W2 = _glorot(ks[3], (D_HID, D_HID))
    b2 = jnp.zeros((D_HID,), dtype=jnp.float32)
    W3 = _glorot(ks[4], (D_HID, D_OUT))
    b3 = jnp.zeros((D_OUT,), dtype=jnp.float32)
    return {"x": x, "edge_index": edge_index, "W1": W1, "b1": b1, "W2": W2, "b2": b2, "W3": W3, "b3": b3}


def gcn_norm(edge_index, num_nodes):
    # add_remaining_self_loops with fill_value=1.0 and unit edge weights:
    # existing self-loops get weight 0 (their weight is replaced by fill_value anyway),
    # then append one self-loop per node with weight 1.
    row, col = edge_index[0], edge_index[1]
    mask = row != col
    base_weight = jnp.where(mask, 1.0, 0.0).astype(jnp.float32)
    loop = jnp.arange(num_nodes, dtype=edge_index.dtype)
    row = jnp.concatenate([row, loop])
    col = jnp.concatenate([col, loop])
    edge_weight = jnp.concatenate([base_weight, jnp.ones((num_nodes,), dtype=jnp.float32)])
    deg = jnp.zeros((num_nodes,), dtype=jnp.float32).at[col].add(edge_weight)
    deg_inv_sqrt = jnp.power(deg, -0.5)
    deg_inv_sqrt = jnp.where(jnp.isinf(deg_inv_sqrt), 0.0, deg_inv_sqrt)
    norm = deg_inv_sqrt[row] * edge_weight * deg_inv_sqrt[col]
    return row, col, norm


def gcn_conv(x, row, col, norm, W, b, num_nodes):
    xw = x @ W
    # message: norm * x_j (x_j gathered from source=row), aggregated (add) at target=col
    msg = norm[:, None] * jnp.take(xw, row, axis=0)
    out = jnp.zeros((num_nodes, xw.shape[1]), dtype=xw.dtype).at[col].add(msg)
    return out + b


def reference(x, edge_index, W1, b1, W2, b2, W3, b3):
    row, col, norm = gcn_norm(edge_index, N)
    h = gcn_conv(x, row, col, norm, W1, b1, N)
    h = jax.nn.relu(h)
    # dropout=0.0 / eval mode -> identity
    h = gcn_conv(h, row, col, norm, W2, b2, N)
    h = jax.nn.relu(h)
    out = gcn_conv(h, row, col, norm, W3, b3, N)
    return out

if __name__ == "__main__":
    import jax
    _d = setup_inputs()
    print(jax.jit(kernel)(*tuple(_d.values())))

</pallas_src>

<mosaic_0001>
#map = affine_map<(d0, d1) -> (0, 0)>
#map1 = affine_map<(d0, d1) -> (0)>
#map2 = affine_map<(d0, d1) -> (0, 0, 0)>
module attributes {stable_mosaic.version = 14 : i64} {
  func.func @_sc_agg(%arg0: i32, %arg1: i32, %arg2: memref<10000x128xf32, #tpu.memory_space<hbm>>, %arg3: memref<320000xi32, #tpu.memory_space<hbm>>, %arg4: memref<320000xi32, #tpu.memory_space<hbm>>, %arg5: memref<10240x128xf32, #tpu.memory_space<hbm>>, %arg6: memref<2x10240x128xf32, #tpu.memory_space<hbm>>, %arg7: memref<80xi32, #tpu.memory_space<vmem>>, %arg8: memref<80xi32, #tpu.memory_space<vmem>>, %arg9: memref<80xi32, #tpu.memory_space<vmem>>, %arg10: memref<80xi32, #tpu.memory_space<vmem>>, %arg11: memref<10000xi32, #tpu.memory_space<vmem>>, %arg12: memref<10000xi32, #tpu.memory_space<vmem>>, %arg13: memref<80x128xf32, #tpu.memory_space<vmem>>, %arg14: memref<80x128xf32, #tpu.memory_space<vmem>>, %arg15: memref<10240x128xf32, #tpu.memory_space<vmem_shared>>, %arg16: memref<!tpu.dma_semaphore, #tpu.memory_space<semaphore_mem>>, %arg17: memref<!tpu.dma_semaphore, #tpu.memory_space<semaphore_mem>>) attributes {dimension_semantics = [#tpu.dimension_semantics<core_parallel>, #tpu.dimension_semantics<subcore_parallel>], iteration_bounds = array<i64: 2, 16>, scalar_prefetch = 0 : i64, scratch_operands = 11 : i64, tpu.core_type = #tpu.core_type<sc_vector_subcore>, window_params = [{transform_indices = #map}, {transform_indices = #map1}, {transform_indices = #map1}, {transform_indices = #map}, {transform_indices = #map2}]} {
    %mul3A = arith.constant 640 : i32
    %mul3A_0 = arith.muli %arg1, %mul3A : i32
    "tpu.region"() ({
      %run_scoped3A = tpu.sem_alloc : memref<!tpu.dma_semaphore, #tpu.memory_space<semaphore_mem>>
      %dma_start3A_83 = arith.constant 0 : i32
      %dma_start3A_84 = tpu.memref_slice %arg15[%mul3A_0, %dma_start3A_83] : memref<10240x128xf32, #tpu.memory_space<vmem_shared>> -> memref<640x128xf32, #tpu.memory_space<vmem_shared>>
      %dma_start3A_85 = arith.constant 0 : i32
      %dma_start3A_86 = tpu.memref_slice %arg5[%mul3A_0, %dma_start3A_85] : memref<10240x128xf32, #tpu.memory_space<hbm>> -> memref<640x128xf32, #tpu.memory_space<hbm>>
      tpu.enqueue_dma source(%dma_start3A_86 : memref<640x128xf32, #tpu.memory_space<hbm>>) target(%dma_start3A_84 : memref<640x128xf32, #tpu.memory_space<vmem_shared>>) target_semaphore(%run_scoped3A : memref<!tpu.dma_semaphore, #tpu.memory_space<semaphore_mem>>)
      %dma_wait3A_87 = arith.constant 0 : i32
      %dma_wait3A_88 = tpu.memref_slice %arg15[%mul3A_0, %dma_wait3A_87] : memref<10240x128xf32, #tpu.memory_space<vmem_shared>> -> memref<640x128xf32, #tpu.memory_space<vmem_shared>>
      %dma_wait3A_89 = arith.constant 0 : i32
      %dma_wait3A_90 = tpu.memref_slice %arg5[%mul3A_0, %dma_wait3A_89] : memref<10240x128xf32, #tpu.memory_space<hbm>> -> memref<640x128xf32, #tpu.memory_space<hbm>>
      tpu.wait_dma2 semaphore(%run_scoped3A : memref<!tpu.dma_semaphore, #tpu.memory_space<semaphore_mem>>) src(%dma_wait3A_90 : memref<640x128xf32, #tpu.memory_space<hbm>>) dst(%dma_wait3A_88 : memref<640x128xf32, #tpu.memory_space<vmem_shared>>)
      tpu.yield
    }) : () -> ()
    %mul3A_1 = arith.constant 16 : i32
    %mul3A_2 = arith.muli %arg0, %mul3A_1 : i32
    %add3A = arith.addi %mul3A_2, %arg1 : i32
    %mul3A_3 = arith.constant 10000 : i32
    %mul3A_4 = arith.muli %add3A, %mul3A_3 : i32
    "tpu.region"() ({
      %run_scoped3A = tpu.sem_alloc : memref<!tpu.dma_semaphore, #tpu.memory_space<semaphore_mem>>
      %dma_start3A_83 = tpu.memref_slice %arg3[%mul3A_4] : memref<320000xi32, #tpu.memory_space<hbm>> -> memref<10000xi32, #tpu.memory_space<hbm>>
      %dma_start3A_84 = tpu.memref_slice %arg3[%mul3A_4] : memref<320000xi32, #tpu.memory_space<hbm>> -> memref<10000xi32, #tpu.memory_space<hbm>>
      tpu.enqueue_dma source(%dma_start3A_84 : memref<10000xi32, #tpu.memory_space<hbm>>) target(%arg11 : memref<10000xi32, #tpu.memory_space<vmem>>) target_semaphore(%run_scoped3A : memref<!tpu.dma_semaphore, #tpu.memory_space<semaphore_mem>>)
      %dma_wait3A_85 = tpu.memref_slice %arg3[%mul3A_4] : memref<320000xi32, #tpu.memory_space<hbm>> -> memref<10000xi32, #tpu.memory_space<hbm>>
      %dma_wait3A_86 = tpu.memref_slice %arg3[%mul3A_4] : memref<320000xi32, #tpu.memory_space<hbm>> -> memref<10000xi32, #tpu.memory_space<hbm>>
      tpu.wait_dma2 semaphore(%run_scoped3A : memref<!tpu.dma_semaphore, #tpu.memory_space<semaphore_mem>>) src(%dma_wait3A_86 : memref<10000xi32, #tpu.memory_space<hbm>>) dst(%arg11 : memref<10000xi32, #tpu.memory_space<vmem>>)
      tpu.yield
    }) : () -> ()
    "tpu.region"() ({
      %run_scoped3A = tpu.sem_alloc : memref<!tpu.dma_semaphore, #tpu.memory_space<semaphore_mem>>
      %dma_start3A_83 = tpu.memref_slice %arg4[%mul3A_4] : memref<320000xi32, #tpu.memory_space<hbm>> -> memref<10000xi32, #tpu.memory_space<hbm>>
      %dma_start3A_84 = tpu.memref_slice %arg4[%mul3A_4] : memref<320000xi32, #tpu.memory_space<hbm>> -> memref<10000xi32, #tpu.memory_space<hbm>>
      tpu.enqueue_dma source(%dma_start3A_84 : memref<10000xi32, #tpu.memory_space<hbm>>) target(%arg12 : memref<10000xi32, #tpu.memory_space<vmem>>) target_semaphore(%run_scoped3A : memref<!tpu.dma_semaphore, #tpu.memory_space<semaphore_mem>>)
      %dma_wait3A_85 = tpu.memref_slice %arg4[%mul3A_4] : memref<320000xi32, #tpu.memory_space<hbm>> -> memref<10000xi32, #tpu.memory_space<hbm>>
      %dma_wait3A_86 = tpu.memref_slice %arg4[%mul3A_4] : memref<320000xi32, #tpu.memory_space<hbm>> -> memref<10000xi32, #tpu.memory_space<hbm>>
      tpu.wait_dma2 semaphore(%run_scoped3A : memref<!tpu.dma_semaphore, #tpu.memory_space<semaphore_mem>>) src(%dma_wait3A_86 : memref<10000xi32, #tpu.memory_space<hbm>>) dst(%arg12 : memref<10000xi32, #tpu.memory_space<vmem>>)
      tpu.yield
    }) : () -> ()
    %barrier3A = arith.constant 0 : index
    tpu.barrier barrier_id(%barrier3A)
    %get3A = arith.constant 0 : index
    %get3A_5 = tpu.vector_load %arg11[%get3A] {strides = array<i32>} : memref<10000xi32, #tpu.memory_space<vmem>>, vector<16xi32>,
    %get3A_6 = vector.shape_cast %get3A_5 : vector<16xi32> to vector<16xi32>
    %swap3A = arith.constant 0 : index
    %swap3A_7 = tpu.vector_load %arg7[%swap3A] {strides = array<i32>} : memref<80xi32, #tpu.memory_space<vmem>>, vector<16xi32>,
    %swap3A_8 = vector.shape_cast %swap3A_7 : vector<16xi32> to vector<16xi32>
    %swap3A_9 = vector.shape_cast %get3A_6 : vector<16xi32> to vector<16xi32>
    tpu.vector_store %arg7[%swap3A], %swap3A_9 {strides = array<i32>} : memref<80xi32, #tpu.memory_space<vmem>>, vector<16xi32>,
    %get3A_10 = arith.constant 16 : index
    %get3A_11 = tpu.vector_load %arg11[%get3A_10] {strides = array<i32>} : memref<10000xi32, #tpu.memory_space<vmem>>, vector<16xi32>,
    %get3A_12 = vector.shape_cast %get3A_11 : vector<16xi32> to vector<16xi32>
    %swap3A_13 = arith.constant 16 : index
    %swap3A_14 = tpu.vector_load %arg7[%swap3A_13] {strides = array<i32>} : memref<80xi32, #tpu.memory_space<vmem>>, vector<16xi32>,
    %swap3A_15 = vector.shape_cast %swap3A_14 : vector<16xi32> to vector<16xi32>
    %swap3A_16 = vector.shape_cast %get3A_12 : vector<16xi32> to vector<16xi32>
    tpu.vector_store %arg7[%swap3A_13], %swap3A_16 {strides = array<i32>} : memref<80xi32, #tpu.memory_space<vmem>>, vector<16xi32>,
    %get3A_17 = arith.constant 32 : index
    %get3A_18 = tpu.vector_load %arg11[%get3A_17] {strides = array<i32>} : memref<10000xi32, #tpu.memory_space<vmem>>, vector<16xi32>,
    %get3A_19 = vector.shape_cast %get3A_18 : vector<16xi32> to vector<16xi32>
    %swap3A_20 = arith.constant 32 : index
    %swap3A_21 = tpu.vector_load %arg7[%swap3A_20] {strides = array<i32>} : memref<80xi32, #tpu.memory_space<vmem>>, vector<16xi32>,
    %swap3A_22 = vector.shape_cast %swap3A_21 : vector<16xi32> to vector<16xi32>
    %swap3A_23 = vector.shape_cast %get3A_19 : vector<16xi32> to vector<16xi32>
    tpu.vector_store %arg7[%swap3A_20], %swap3A_23 {strides = array<i32>} : memref<80xi32, #tpu.memory_space<vmem>>, vector<16xi32>,
    %get3A_24 = arith.constant 48 : index
    %get3A_25 = tpu.vector_load %arg11[%get3A_24] {strides = array<i32>} : memref<10000xi32, #tpu.memory_space<vmem>>, vector<16xi32>,
    %get3A_26 = vector.shape_cast %get3A_25 : vector<16xi32> to vector<16xi32>
    %swap3A_27 = arith.constant 48 : index
    %swap3A_28 = tpu.vector_load %arg7[%swap3A_27] {strides = array<i32>} : memref<80xi32, #tpu.memory_space<vmem>>, vector<16xi32>,
    %swap3A_29 = vector.shape_cast %swap3A_28 : vector<16xi32> to vector<16xi32>
    %swap3A_30 = vector.shape_cast %get3A_26 : vector<16xi32> to vector<16xi32>
    tpu.vector_store %arg7[%swap3A_27], %swap3A_30 {strides = array<i32>} : memref<80xi32, #tpu.memory_space<vmem>>, vector<16xi32>,
    %get3A_31 = arith.constant 64 : index
    %get3A_32 = tpu.vector_load %arg11[%get3A_31] {strides = array<i32>} : memref<10000xi32, #tpu.memory_space<vmem>>, vector<16xi32>,
    %get3A_33 = vector.shape_cast %get3A_32 : vector<16xi32> to vector<16xi32>
    %swap3A_34 = arith.constant 64 : index
    %swap3A_35 = tpu.vector_load %arg7[%swap3A_34] {strides = array<i32>} : memref<80xi32, #tpu.memory_space<vmem>>, vector<16xi32>,
    %swap3A_36 = vector.shape_cast %swap3A_35 : vector<16xi32> to vector<16xi32>
    %swap3A_37 = vector.shape_cast %get3A_33 : vector<16xi32> to vector<16xi32>
    tpu.vector_store %arg7[%swap3A_34], %swap3A_37 {strides = array<i32>} : memref<80xi32, #tpu.memory_space<vmem>>, vector<16xi32>,
    %get3A_38 = arith.constant 0 : index
    %get3A_39 = tpu.vector_load %arg12[%get3A_38] {strides = array<i32>} : memref<10000xi32, #tpu.memory_space<vmem>>, vector<16xi32>,
    %get3A_40 = vector.shape_cast %get3A_39 : vector<16xi32> to vector<16xi32>
    %swap3A_41 = arith.constant 0 : index
    %swap3A_42 = tpu.vector_load %arg8[%swap3A_41] {strides = array<i32>} : memref<80xi32, #tpu.memory_space<vmem>>, vector<16xi32>,
    %swap3A_43 = vector.shape_cast %swap3A_42 : vector<16xi32> to vector<16xi32>
    %swap3A_44 = vector.shape_cast %get3A_40 : vector<16xi32> to vector<16xi32>
    tpu.vector_store %arg8[%swap3A_41], %swap3A_44 {strides = array<i32>} : memref<80xi32, #tpu.memory_space<vmem>>, vector<16xi32>,
    %get3A_45 = arith.constant 16 : index
    %get3A_46 = tpu.vector_load %arg12[%get3A_45] {strides = array<i32>} : memref<10000xi32, #tpu.memory_space<vmem>>, vector<16xi32>,
    %get3A_47 = vector.shape_cast %get3A_46 : vector<16xi32> to vector<16xi32>
    %swap3A_48 = arith.constant 16 : index
    %swap3A_49 = tpu.vector_load %arg8[%swap3A_48] {strides = array<i32>} : memref<80xi32, #tpu.memory_space<vmem>>, vector<16xi32>,
    %swap3A_50 = vector.shape_cast %swap3A_49 : vector<16xi32> to vector<16xi32>
    %swap3A_51 = vector.shape_cast %get3A_47 : vector<16xi32> to vector<16xi32>
    tpu.vector_store %arg8[%swap3A_48], %swap3A_51 {strides = array<i32>} : memref<80xi32, #tpu.memory_space<vmem>>, vector<16xi32>,
    %get3A_52 = arith.constant 32 : index
    %get3A_53 = tpu.vector_load %arg12[%get3A_52] {strides = array<i32>} : memref<10000xi32, #tpu.memory_space<vmem>>, vector<16xi32>,
    %get3A_54 = vector.shape_cast %get3A_53 : vector<16xi32> to vector<16xi32>
    %swap3A_55 = arith.constant 32 : index
    %swap3A_56 = tpu.vector_load %arg8[%swap3A_55] {strides = array<i32>} : memref<80xi32, #tpu.memory_space<vmem>>, vector<16xi32>,
    %swap3A_57 = vector.shape_cast %swap3A_56 : vector<16xi32> to vector<16xi32>
    %swap3A_58 = vector.shape_cast %get3A_54 : vector<16xi32> to vector<16xi32>
    tpu.vector_store %arg8[%swap3A_55], %swap3A_58 {strides = array<i32>} : memref<80xi32, #tpu.memory_space<vmem>>, vector<16xi32>,
    %get3A_59 = arith.constant 48 : index
    %get3A_60 = tpu.vector_load %arg12[%get3A_59] {strides = array<i32>} : memref<10000xi32, #tpu.memory_space<vmem>>, vector<16xi32>,
    %get3A_61 = vector.shape_cast %get3A_60 : vector<16xi32> to vector<16xi32>
    %swap3A_62 = arith.constant 48 : index
    %swap3A_63 = tpu.vector_load %arg8[%swap3A_62] {strides = array<i32>} : memref<80xi32, #tpu.memory_space<vmem>>, vector<16xi32>,
    %swap3A_64 = vector.shape_cast %swap3A_63 : vector<16xi32> to vector<16xi32>
    %swap3A_65 = vector.shape_cast %get3A_61 : vector<16xi32> to vector<16xi32>
    tpu.vector_store %arg8[%swap3A_62], %swap3A_65 {strides = array<i32>} : memref<80xi32, #tpu.memory_space<vmem>>, vector<16xi32>,
    %get3A_66 = arith.constant 64 : index
    %get3A_67 = tpu.vector_load %arg12[%get3A_66] {strides = array<i32>} : memref<10000xi32, #tpu.memory_space<vmem>>, vector<16xi32>,
    %get3A_68 = vector.shape_cast %get3A_67 : vector<16xi32> to vector<16xi32>
    %swap3A_69 = arith.constant 64 : index
    %swap3A_70 = tpu.vector_load %arg8[%swap3A_69] {strides = array<i32>} : memref<80xi32, #tpu.memory_space<vmem>>, vector<16xi32>,
    %swap3A_71 = vector.shape_cast %swap3A_70 : vector<16xi32> to vector<16xi32>
    %swap3A_72 = vector.shape_cast %get3A_68 : vector<16xi32> to vector<16xi32>
    tpu.vector_store %arg8[%swap3A_69], %swap3A_72 {strides = array<i32>} : memref<80xi32, #tpu.memory_space<vmem>>, vector<16xi32>,
    %dma_start3A = arith.constant 0 : i32
    %dma_start3A_73 = arith.constant 0 : i32
    %dma_start3A_74 = tpu.memref_slice %arg2[%dma_start3A, %dma_start3A_73] : memref<10000x128xf32, #tpu.memory_space<hbm>> -> memref<10000x128xf32, #tpu.memory_space<hbm>>
    tpu.enqueue_indirect_dma source(%dma_start3A_74 : memref<10000x128xf32, #tpu.memory_space<hbm>>) target(%arg13 : memref<80x128xf32, #tpu.memory_space<vmem>>) offsets(%arg7 : memref<80xi32, #tpu.memory_space<vmem>>) semaphore(%arg16 : memref<!tpu.dma_semaphore, #tpu.memory_space<semaphore_mem>>)
    %dma_wait3A = arith.constant 0 : i32
    %dma_wait3A_75 = arith.constant 0 : i32
    %dma_wait3A_76 = tpu.memref_slice %arg2[%dma_wait3A, %dma_wait3A_75] : memref<10000x128xf32, #tpu.memory_space<hbm>> -> memref<10000x128xf32, #tpu.memory_space<hbm>>
    tpu.wait_indirect_dma semaphore(%arg16 : memref<!tpu.dma_semaphore, #tpu.memory_space<semaphore_mem>>) src(%dma_wait3A_76 : memref<10000x128xf32, #tpu.memory_space<hbm>>) dst(%arg13 : memref<80x128xf32, #tpu.memory_space<vmem>>)
    %scan3A = arith.constant 0 : i32
    %scan3A_77 = arith.constant 0 : i32
    %scan3A_78 = arith.constant 62 : i32
    %scan3A_79 = arith.addi %scan3A_77, %scan3A_78 : i32
    %scan3A_80 = arith.constant 1 : i32
    scf.for %scan3A_83 = %scan3A_77 to %scan3A_79 step %scan3A_80  : i32 {
      %mul3A_84 = arith.constant 2 : i32
      %mul3A_85 = arith.muli %mul3A_84, %scan3A_83 : i32
      %add3A_86 = arith.constant 1 : i32
      %add3A_87 = arith.addi %mul3A_85, %add3A_86 : i32
      %mul3A_88 = arith.constant 80 : i32
      %mul3A_89 = arith.muli %add3A_87, %mul3A_88 : i32
      %add3A_90 = arith.constant 0 : i32
      %add3A_91 = arith.addi %mul3A_89, %add3A_90 : i32
      %get3A_92 = arith.index_cast %add3A_91 : i32 to index
      %get3A_93 = tpu.vector_load %arg11[%get3A_92] {strides = array<i32>} : memref<10000xi32, #tpu.memory_space<vmem>>, vector<16xi32>,
      %get3A_94 = vector.shape_cast %get3A_93 : vector<16xi32> to vector<16xi32>
      %swap3A_95 = arith.constant 0 : index
      %swap3A_96 = tpu.vector_load %arg9[%swap3A_95] {strides = array<i32>} : memref<80xi32, #tpu.memory_space<vmem>>, vector<16xi32>,
      %swap3A_97 = vector.shape_cast %swap3A_96 : vector<16xi32> to vector<16xi32>
      %swap3A_98 = vector.shape_cast %get3A_94 : vector<16xi32> to vector<16xi32>
      tpu.vector_store %arg9[%swap3A_95], %swap3A_98 {strides = array<i32>} : memref<80xi32, #tpu.memory_space<vmem>>, vector<16xi32>,
      %add3A_99 = arith.constant 16 : i32
      %add3A_100 = arith.addi %mul3A_89, %add3A_99 : i32
      %get3A_101 = arith.index_cast %add3A_100 : i32 to index
      %get3A_102 = tpu.vector_load %arg11[%get3A_101] {strides = array<i32>} : memref<10000xi32, #tpu.memory_space<vmem>>, vector<16xi32>,
      %get3A_103 = vector.shape_cast %get3A_102 : vector<16xi32> to vector<16xi32>
      %swap3A_104 = arith.constant 16 : index
      %swap3A_105 = tpu.vector_load %arg9[%swap3A_104] {strides = array<i32>} : memref<80xi32, #tpu.memory_space<vmem>>, vector<16xi32>,
      %swap3A_106 = vector.shape_cast %swap3A_105 : vector<16xi32> to vector<16xi32>
      %swap3A_107 = vector.shape_cast %get3A_103 : vector<16xi32> to vector<16xi32>
      tpu.vector_store %arg9[%swap3A_104], %swap3A_107 {strides = array<i32>} : memref<80xi32, #tpu.memory_space<vmem>>, vector<16xi32>,
      %add3A_108 = arith.constant 32 : i32
      %add3A_109 = arith.addi %mul3A_89, %add3A_108 : i32
      %get3A_110 = arith.index_cast %add3A_109 : i32 to index
      %get3A_111 = tpu.vector_load %arg11[%get3A_110] {strides = array<i32>} : memref<10000xi32, #tpu.memory_space<vmem>>, vector<16xi32>,
      %get3A_112 = vector.shape_cast %get3A_111 : vector<16xi32> to vector<16xi32>
      %swap3A_113 = arith.constant 32 : index
      %swap3A_114 = tpu.vector_load %arg9[%swap3A_113] {strides = array<i32>} : memref<80xi32, #tpu.memory_space<vmem>>, vector<16xi32>,
      %swap3A_115 = vector.shape_cast %swap3A_114 : vector<16xi32> to vector<16xi32>
      %swap3A_116 = vector.shape_cast %get3A_112 : vector<16xi32> to vector<16xi32>
      tpu.vector_store %arg9[%swap3A_113], %swap3A_116 {strides = array<i32>} : memref<80xi32, #tpu.memory_space<vmem>>, vector<16xi32>,
      %add3A_117 = arith.constant 48 : i32
      %add3A_118 = arith.addi %mul3A_89, %add3A_117 : i32
      %get3A_119 = arith.index_cast %add3A_118 : i32 to index
      %get3A_120 = tpu.vector_load %arg11[%get3A_119] {strides = array<i32>} : memref<10000xi32, #tpu.memory_space<vmem>>, vector<16xi32>,
      %get3A_121 = vector.shape_cast %get3A_120 : vector<16xi32> to vector<16xi32>
      %swap3A_122 = arith.constant 48 : index
      %swap3A_123 = tpu.vector_load %arg9[%swap3A_122] {strides = array<i32>} : memref<80xi32, #tpu.memory_space<vmem>>, vector<16xi32>,
      %swap3A_124 = vector.shape_cast %swap3A_123 : vector<16xi32> to vector<16xi32>
      %swap3A_125 = vector.shape_cast %get3A_121 : vector<16xi32> to vector<16xi32>
      tpu.vector_store %arg9[%swap3A_122], %swap3A_125 {strides = array<i32>} : memref<80xi32, #tpu.memory_space<vmem>>, vector<16xi32>,
      %add3A_126 = arith.constant 64 : i32
      %add3A_127 = arith.addi %mul3A_89, %add3A_126 : i32
      %get3A_128 = arith.index_cast %add3A_127 : i32 to index
      %get3A_129 = tpu.vector_load %arg11[%get3A_128] {strides = array<i32>} : memref<10000xi32, #tpu.memory_space<vmem>>, vector<16xi32>,
      %get3A_130 = vector.shape_cast %get3A_129 : vector<16xi32> to vector<16xi32>
      %swap3A_131 = arith.constant 64 : index
      %swap3A_132 = tpu.vector_load %arg9[%swap3A_131] {strides = array<i32>} : memref<80xi32, #tpu.memory_space<vmem>>, vector<16xi32>,
      %swap3A_133 = vector.shape_cast %swap3A_132 : vector<16xi32> to vector<16xi32>
      %swap3A_134 = vector.shape_cast %get3A_130 : vector<16xi32> to vector<16xi32>
      tpu.vector_store %arg9[%swap3A_131], %swap3A_134 {strides = array<i32>} : memref<80xi32, #tpu.memory_space<vmem>>, vector<16xi32>,
      %mul3A_135 = arith.constant 80 : i32
      %mul3A_136 = arith.muli %add3A_87, %mul3A_135 : i32
      %add3A_137 = arith.constant 0 : i32
      %add3A_138 = arith.addi %mul3A_136, %add3A_137 : i32
      %get3A_139 = arith.index_cast %add3A_138 : i32 to index
      %get3A_140 = tpu.vector_load %arg12[%get3A_139] {strides = array<i32>} : memref<10000xi32, #tpu.memory_space<vmem>>, vector<16xi32>,
      %get3A_141 = vector.shape_cast %get3A_140 : vector<16xi32> to vector<16xi32>
      %swap3A_142 = arith.constant 0 : index
      %swap3A_143 = tpu.vector_load %arg10[%swap3A_142] {strides = array<i32>} : memref<80xi32, #tpu.memory_space<vmem>>, vector<16xi32>,
      %swap3A_144 = vector.shape_cast %swap3A_143 : vector<16xi32> to vector<16xi32>
      %swap3A_145 = vector.shape_cast %get3A_141 : vector<16xi32> to vector<16xi32>
      tpu.vector_store %arg10[%swap3A_142], %swap3A_145 {strides = array<i32>} : memref<80xi32, #tpu.memory_space<vmem>>, vector<16xi32>,
      %add3A_146 = arith.constant 16 : i32
      %add3A_147 = arith.addi %mul3A_136, %add3A_146 : i32
      %get3A_148 = arith.index_cast %add3A_147 : i32 to index
      %get3A_149 = tpu.vector_load %arg12[%get3A_148] {strides = array<i32>} : memref<10000xi32, #tpu.memory_space<vmem>>, vector<16xi32>,
      %get3A_150 = vector.shape_cast %get3A_149 : vector<16xi32> to vector<16xi32>
      %swap3A_151 = arith.constant 16 : index
      %swap3A_152 = tpu.vector_load %arg10[%swap3A_151] {strides = array<i32>} : memref<80xi32, #tpu.memory_space<vmem>>, vector<16xi32>,
      %swap3A_153 = vector.shape_cast %swap3A_152 : vector<16xi32> to vector<16xi32>
      %swap3A_154 = vector.shape_cast %get3A_150 : vector<16xi32> to vector<16xi32>
      tpu.vector_store %arg10[%swap3A_151], %swap3A_154 {strides = array<i32>} : memref<80xi32, #tpu.memory_space<vmem>>, vector<16xi32>,
      %add3A_155 = arith.constant 32 : i32
      %add3A_156 = arith.addi %mul3A_136, %add3A_155 : i32
      %get3A_157 = arith.index_cast %add3A_156 : i32 to index
      %get3A_158 = tpu.vector_load %arg12[%get3A_157] {strides = array<i32>} : memref<10000xi32, #tpu.memory_space<vmem>>, vector<16xi32>,
      %get3A_159 = vector.shape_cast %get3A_158 : vector<16xi32> to vector<16xi32>
      %swap3A_160 = arith.constant 32 : index
      %swap3A_161 = tpu.vector_load %arg10[%swap3A_160] {strides = array<i32>} : memref<80xi32, #tpu.memory_space<vmem>>, vector<16xi32>,
      %swap3A_162 = vector.shape_cast %swap3A_161 : vector<16xi32> to vector<16xi32>
      %swap3A_163 = vector.shape_cast %get3A_159 : vector<16xi32> to vector<16xi32>
      tpu.vector_store %arg10[%swap3A_160], %swap3A_163 {strides = array<i32>} : memref<80xi32, #tpu.memory_space<vmem>>, vector<16xi32>,
      %add3A_164 = arith.constant 48 : i32
      %add3A_165 = arith.addi %mul3A_136, %add3A_164 : i32
      %get3A_166 = arith.index_cast %add3A_165 : i32 to index
      %get3A_167 = tpu.vector_load %arg12[%get3A_166] {strides = array<i32>} : memref<10000xi32, #tpu.memory_space<vmem>>, vector<16xi32>,
      %get3A_168 = vector.shape_cast %get3A_167 : vector<16xi32> to vector<16xi32>
      %swap3A_169 = arith.constant 48 : index
      %swap3A_170 = tpu.vector_load %arg10[%swap3A_169] {strides = array<i32>} : memref<80xi32, #tpu.memory_space<vmem>>, vector<16xi32>,
      %swap3A_171 = vector.shape_cast %swap3A_170 : vector<16xi32> to vector<16xi32>
      %swap3A_172 = vector.shape_cast %get3A_168 : vector<16xi32> to vector<16xi32>
      tpu.vector_store %arg10[%swap3A_169], %swap3A_172 {strides = array<i32>} : memref<80xi32, #tpu.memory_space<vmem>>, vector<16xi32>,
      %add3A_173 = arith.constant 64 : i32
      %add3A_174 = arith.addi %mul3A_136, %add3A_173 : i32
      %get3A_175 = arith.index_cast %add3A_174 : i32 to index
      %get3A_176 = tpu.vector_load %arg12[%get3A_175] {strides = array<i32>} : memref<10000xi32, #tpu.memory_space<vmem>>, vector<16xi32>,
      %get3A_177 = vector.shape_cast %get3A_176 : vector<16xi32> to vector<16xi32>
      %swap3A_178 = arith.constant 64 : index
      %swap3A_179 = tpu.vector_load %arg10[%swap3A_178] {strides = array<i32>} : memref<80xi32, #tpu.memory_space<vmem>>, vector<16xi32>,
      %swap3A_180 = vector.shape_cast %swap3A_179 : vector<16xi32> to vector<16xi32>
      %swap3A_181 = vector.shape_cast %get3A_177 : vector<16xi32> to vector<16xi32>
      tpu.vector_store %arg10[%swap3A_178], %swap3A_181 {strides = array<i32>} : memref<80xi32, #tpu.memory_space<vmem>>, vector<16xi32>,
      %dma_start3A_182 = arith.constant 0 : i32
      %dma_start3A_183 = arith.constant 0 : i32
      %dma_start3A_184 = tpu.memref_slice %arg2[%dma_start3A_182, %dma_start3A_183] : memref<10000x128xf32, #tpu.memory_space<hbm>> -> memref<10000x128xf32, #tpu.memory_space<hbm>>
      tpu.enqueue_indirect_dma source(%dma_start3A_184 : memref<10000x128xf32, #tpu.memory_space<hbm>>) target(%arg14 : memref<80x128xf32, #tpu.memory_space<vmem>>) offsets(%arg9 : memref<80xi32, #tpu.memory_space<vmem>>) semaphore(%arg17 : memref<!tpu.dma_semaphore, #tpu.memory_space<semaphore_mem>>)
      "tpu.region"() ({
        %run_scoped3A = tpu.sem_alloc : memref<!tpu.dma_semaphore, #tpu.memory_space<semaphore_mem>>
        %dma_start3A_290 = arith.constant 0 : i32
        %dma_start3A_291 = arith.constant 0 : i32
        %dma_start3A_292 = tpu.memref_slice %arg15[%dma_start3A_290, %dma_start3A_291] : memref<10240x128xf32, #tpu.memory_space<vmem_shared>> -> memref<10240x128xf32, #tpu.memory_space<vmem_shared>>
        tpu.enqueue_indirect_dma source(%arg13 : memref<80x128xf32, #tpu.memory_space<vmem>>) target(%dma_start3A_292 : memref<10240x128xf32, #tpu.memory_space<vmem_shared>>) offsets(%arg8 : memref<80xi32, #tpu.memory_space<vmem>>) semaphore(%run_scoped3A : memref<!tpu.dma_semaphore, #tpu.memory_space<semaphore_mem>>) {add = true}
        %dma_wait3A_293 = arith.constant 0 : i32
        %dma_wait3A_294 = arith.constant 0 : i32
        %dma_wait3A_295 = tpu.memref_slice %arg15[%dma_wait3A_293, %dma_wait3A_294] : memref<10240x128xf32, #tpu.memory_space<vmem_shared>> -> memref<10240x128xf32, #tpu.memory_space<vmem_shared>>
        tpu.wait_indirect_dma semaphore(%run_scoped3A : memref<!tpu.dma_semaphore, #tpu.memory_space<semaphore_mem>>) src(%arg13 : memref<80x128xf32, #tpu.memory_space<vmem>>) dst(%dma_wait3A_295 : memref<10240x128xf32, #tpu.memory_space<vmem_shared>>)
        tpu.yield
      }) : () -> ()
      %dma_wait3A_185 = arith.constant 0 : i32
      %dma_wait3A_186 = arith.constant 0 : i32
      %dma_wait3A_187 = tpu.memref_slice %arg2[%dma_wait3A_185, %dma_wait3A_186] : memref<10000x128xf32, #tpu.memory_space<hbm>> -> memref<10000x128xf32, #tpu.memory_space<hbm>>
      tpu.wait_indirect_dma semaphore(%arg17 : memref<!tpu.dma_semaphore, #tpu.memory_space<semaphore_mem>>) src(%dma_wait3A_187 : memref<10000x128xf32, #tpu.memory_space<hbm>>) dst(%arg14 : memref<80x128xf32, #tpu.memory_space<vmem>>)
      %add3A_188 = arith.constant 2 : i32
      %add3A_189 = arith.addi %mul3A_85, %add3A_188 : i32
      %mul3A_190 = arith.constant 80 : i32
      %mul3A_191 = arith.muli %add3A_189, %mul3A_190 : i32
      %add3A_192 = arith.constant 0 : i32
      %add3A_193 = arith.addi %mul3A_191, %add3A_192 : i32
      %get3A_194 = arith.index_cast %add3A_193 : i32 to index
      %get3A_195 = tpu.vector_load %arg11[%get3A_194] {strides = array<i32>} : memref<10000xi32, #tpu.memory_space<vmem>>, vector<16xi32>,
      %get3A_196 = vector.shape_cast %get3A_195 : vector<16xi32> to vector<16xi32>
      %swap3A_197 = arith.constant 0 : index
      %swap3A_198 = tpu.vector_load %arg7[%swap3A_197] {strides = array<i32>} : memref<80xi32, #tpu.memory_space<vmem>>, vector<16xi32>,
      %swap3A_199 = vector.shape_cast %swap3A_198 : vector<16xi32> to vector<16xi32>
      %swap3A_200 = vector.shape_cast %get3A_196 : vector<16xi32> to vector<16xi32>
      tpu.vector_store %arg7[%swap3A_197], %swap3A_200 {strides = array<i32>} : memref<80xi32, #tpu.memory_space<vmem>>, vector<16xi32>,
      %add3A_201 = arith.constant 16 : i32
      %add3A_202 = arith.addi %mul3A_191, %add3A_201 : i32
      %get3A_203 = arith.index_cast %add3A_202 : i32 to index
      %get3A_204 = tpu.vector_load %arg11[%get3A_203] {strides = array<i32>} : memref<10000xi32, #tpu.memory_space<vmem>>, vector<16xi32>,
      %get3A_205 = vector.shape_cast %get3A_204 : vector<16xi32> to vector<16xi32>
      %swap3A_206 = arith.constant 16 : index
      %swap3A_207 = tpu.vector_load %arg7[%swap3A_206] {strides = array<i32>} : memref<80xi32, #tpu.memory_space<vmem>>, vector<16xi32>,
      %swap3A_208 = vector.shape_cast %swap3A_207 : vector<16xi32> to vector<16xi32>
      %swap3A_209 = vector.shape_cast %get3A_205 : vector<16xi32> to vector<16xi32>
      tpu.vector_store %arg7[%swap3A_206], %swap3A_209 {strides = array<i32>} : memref<80xi32, #tpu.memory_space<vmem>>, vector<16xi32>,
      %add3A_210 = arith.constant 32 : i32
      %add3A_211 = arith.addi %mul3A_191, %add3A_210 : i32
      %get3A_212 = arith.index_cast %add3A_211 : i32 to index
      %get3A_213 = tpu.vector_load %arg11[%get3A_212] {strides = array<i32>} : memref<10000xi32, #tpu.memory_space<vmem>>, vector<16xi32>,
      %get3A_214 = vector.shape_cast %get3A_213 : vector<16xi32> to vector<16xi32>
      %swap3A_215 = arith.constant 32 : index
      %swap3A_216 = tpu.vector_load %arg7[%swap3A_215] {strides = array<i32>} : memref<80xi32, #tpu.memory_space<vmem>>, vector<16xi32>,
      %swap3A_217 = vector.shape_cast %swap3A_216 : vector<16xi32> to vector<16xi32>
      %swap3A_218 = vector.shape_cast %get3A_214 : vector<16xi32> to vector<16xi32>
      tpu.vector_store %arg7[%swap3A_215], %swap3A_218 {strides = array<i32>} : memref<80xi32, #tpu.memory_space<vmem>>, vector<16xi32>,
      %add3A_219 = arith.constant 48 : i32
      %add3A_220 = arith.addi %mul3A_191, %add3A_219 : i32
      %get3A_221 = arith.index_cast %add3A_220 : i32 to index
      %get3A_222 = tpu.vector_load %arg11[%get3A_221] {strides = array<i32>} : memref<10000xi32, #tpu.memory_space<vmem>>, vector<16xi32>,
      %get3A_223 = vector.shape_cast %get3A_222 : vector<16xi32> to vector<16xi32>
      %swap3A_224 = arith.constant 48 : index
      %swap3A_225 = tpu.vector_load %arg7[%swap3A_224] {strides = array<i32>} : memref<80xi32, #tpu.memory_space<vmem>>, vector<16xi32>,
      %swap3A_226 = vector.shape_cast %swap3A_225 : vector<16xi32> to vector<16xi32>
      %swap3A_227 = vector.shape_cast %get3A_223 : vector<16xi32> to vector<16xi32>
      tpu.vector_store %arg7[%swap3A_224], %swap3A_227 {strides = array<i32>} : memref<80xi32, #tpu.memory_space<vmem>>, vector<16xi32>,
      %add3A_228 = arith.constant 64 : i32
      %add3A_229 = arith.addi %mul3A_191, %add3A_228 : i32
      %get3A_230 = arith.index_cast %add3A_229 : i32 to index
      %get3A_231 = tpu.vector_load %arg11[%get3A_230] {strides = array<i32>} : memref<10000xi32, #tpu.memory_space<vmem>>, vector<16xi32>,
      %get3A_232 = vector.shape_cast %get3A_231 : vector<16xi32> to vector<16xi32>
      %swap3A_233 = arith.constant 64 : index
      %swap3A_234 = tpu.vector_load %arg7[%swap3A_233] {strides = array<i32>} : memref<80xi32, #tpu.memory_space<vmem>>, vector<16xi32>,
      %swap3A_235 = vector.shape_cast %swap3A_234 : vector<16xi32> to vector<16xi32>
      %swap3A_236 = vector.shape_cast %get3A_232 : vector<16xi32> to vector<16xi32>
      tpu.vector_store %arg7[%swap3A_233], %swap3A_236 {strides = array<i32>} : memref<80xi32, #tpu.memory_space<vmem>>, vector<16xi32>,
      %mul3A_237 = arith.constant 80 : i32
      %mul3A_238 = arith.muli %add3A_189, %mul3A_237 : i32
      %add3A_239 = arith.constant 0 : i32
      %add3A_240 = arith.addi %mul3A_238, %add3A_239 : i32
      %get3A_241 = arith.index_cast %add3A_240 : i32 to index
      %get3A_242 = tpu.vector_load %arg12[%get3A_241] {strides = array<i32>} : memref<10000xi32, #tpu.memory_space<vmem>>, vector<16xi32>,
      %get3A_243 = vector.shape_cast %get3A_242 : vector<16xi32> to vector<16xi32>
      %swap3A_244 = arith.constant 0 : index
      %swap3A_245 = tpu.vector_load %arg8[%swap3A_244] {strides = array<i32>} : memref<80xi32, #tpu.memory_space<vmem>>, vector<16xi32>,
      %swap3A_246 = vector.shape_cast %swap3A_245 : vector<16xi32> to vector<16xi32>
      %swap3A_247 = vector.shape_cast %get3A_243 : vector<16xi32> to vector<16xi32>
      tpu.vector_store %arg8[%swap3A_244], %swap3A_247 {strides = array<i32>} : memref<80xi32, #tpu.memory_space<vmem>>, vector<16xi32>,
      %add3A_248 = arith.constant 16 : i32
      %add3A_249 = arith.addi %mul3A_238, %add3A_248 : i32
      %get3A_250 = arith.index_cast %add3A_249 : i32 to index
      %get3A_251 = tpu.vector_load %arg12[%get3A_250] {strides = array<i32>} : memref<10000xi32, #tpu.memory_space<vmem>>, vector<16xi32>,
      %get3A_252 = vector.shape_cast %get3A_251 : vector<16xi32> to vector<16xi32>
      %swap3A_253 = arith.constant 16 : index
      %swap3A_254 = tpu.vector_load %arg8[%swap3A_253] {strides = array<i32>} : memref<80xi32, #tpu.memory_space<vmem>>, vector<16xi32>,
      %swap3A_255 = vector.shape_cast %swap3A_254 : vector<16xi32> to vector<16xi32>
      %swap3A_256 = vector.shape_cast %get3A_252 : vector<16xi32> to vector<16xi32>
      tpu.vector_store %arg8[%swap3A_253], %swap3A_256 {strides = array<i32>} : memref<80xi32, #tpu.memory_space<vmem>>, vector<16xi32>,
      %add3A_257 = arith.constant 32 : i32
      %add3A_258 = arith.addi %mul3A_238, %add3A_257 : i32
      %get3A_259 = arith.index_cast %add3A_258 : i32 to index
      %get3A_260 = tpu.vector_load %arg12[%get3A_259] {strides = array<i32>} : memref<10000xi32, #tpu.memory_space<vmem>>, vector<16xi32>,
      %get3A_261 = vector.shape_cast %get3A_260 : vector<16xi32> to vector<16xi32>
      %swap3A_262 = arith.constant 32 : index
      %swap3A_263 = tpu.vector_load %arg8[%swap3A_262] {strides = array<i32>} : memref<80xi32, #tpu.memory_space<vmem>>, vector<16xi32>,
      %swap3A_264 = vector.shape_cast %swap3A_263 : vector<16xi32> to vector<16xi32>
      %swap3A_265 = vector.shape_cast %get3A_261 : vector<16xi32> to vector<16xi32>
      tpu.vector_store %arg8[%swap3A_262], %swap3A_265 {strides = array<i32>} : memref<80xi32, #tpu.memory_space<vmem>>, vector<16xi32>,
      %add3A_266 = arith.constant 48 : i32
      %add3A_267 = arith.addi %mul3A_238, %add3A_266 : i32
      %get3A_268 = arith.index_cast %add3A_267 : i32 to index
      %get3A_269 = tpu.vector_load %arg12[%get3A_268] {strides = array<i32>} : memref<10000xi32, #tpu.memory_space<vmem>>, vector<16xi32>,
      %get3A_270 = vector.shape_cast %get3A_269 : vector<16xi32> to vector<16xi32>
      %swap3A_271 = arith.constant 48 : index
      %swap3A_272 = tpu.vector_load %arg8[%swap3A_271] {strides = array<i32>} : memref<80xi32, #tpu.memory_space<vmem>>, vector<16xi32>,
      %swap3A_273 = vector.shape_cast %swap3A_272 : vector<16xi32> to vector<16xi32>
      %swap3A_274 = vector.shape_cast %get3A_270 : vector<16xi32> to vector<16xi32>
      tpu.vector_store %arg8[%swap3A_271], %swap3A_274 {strides = array<i32>} : memref<80xi32, #tpu.memory_space<vmem>>, vector<16xi32>,
      %add3A_275 = arith.constant 64 : i32
      %add3A_276 = arith.addi %mul3A_238, %add3A_275 : i32
      %get3A_277 = arith.index_cast %add3A_276 : i32 to index
      %get3A_278 = tpu.vector_load %arg12[%get3A_277] {strides = array<i32>} : memref<10000xi32, #tpu.memory_space<vmem>>, vector<16xi32>,
      %get3A_279 = vector.shape_cast %get3A_278 : vector<16xi32> to vector<16xi32>
      %swap3A_280 = arith.constant 64 : index
      %swap3A_281 = tpu.vector_load %arg8[%swap3A_280] {strides = array<i32>} : memref<80xi32, #tpu.memory_space<vmem>>, vector<16xi32>,
      %swap3A_282 = vector.shape_cast %swap3A_281 : vector<16xi32> to vector<16xi32>
      %swap3A_283 = vector.shape_cast %get3A_279 : vector<16xi32> to vector<16xi32>
      tpu.vector_store %arg8[%swap3A_280], %swap3A_283 {strides = array<i32>} : memref<80xi32, #tpu.memory_space<vmem>>, vector<16xi32>,
      %dma_start3A_284 = arith.constant 0 : i32
      %dma_start3A_285 = arith.constant 0 : i32
      %dma_start3A_286 = tpu.memref_slice %arg2[%dma_start3A_284, %dma_start3A_285] : memref<10000x128xf32, #tpu.memory_space<hbm>> -> memref<10000x128xf32, #tpu.memory_space<hbm>>
      tpu.enqueue_indirect_dma source(%dma_start3A_286 : memref<10000x128xf32, #tpu.memory_space<hbm>>) target(%arg13 : memref<80x128xf32, #tpu.memory_space<vmem>>) offsets(%arg7 : memref<80xi32, #tpu.memory_space<vmem>>) semaphore(%arg16 : memref<!tpu.dma_semaphore, #tpu.memory_space<semaphore_mem>>)
      "tpu.region"() ({
        %run_scoped3A = tpu.sem_alloc : memref<!tpu.dma_semaphore, #tpu.memory_space<semaphore_mem>>
        %dma_start3A_290 = arith.constant 0 : i32
        %dma_start3A_291 = arith.constant 0 : i32
        %dma_start3A_292 = tpu.memref_slice %arg15[%dma_start3A_290, %dma_start3A_291] : memref<10240x128xf32, #tpu.memory_space<vmem_shared>> -> memref<10240x128xf32, #tpu.memory_space<vmem_shared>>
        tpu.enqueue_indirect_dma source(%arg14 : memref<80x128xf32, #tpu.memory_space<vmem>>) target(%dma_start3A_292 : memref<10240x128xf32, #tpu.memory_space<vmem_shared>>) offsets(%arg10 : memref<80xi32, #tpu.memory_space<vmem>>) semaphore(%run_scoped3A : memref<!tpu.dma_semaphore, #tpu.memory_space<semaphore_mem>>) {add = true}
        %dma_wait3A_293 = arith.constant 0 : i32
        %dma_wait3A_294 = arith.constant 0 : i32
        %dma_wait3A_295 = tpu.memref_slice %arg15[%dma_wait3A_293, %dma_wait3A_294] : memref<10240x128xf32, #tpu.memory_space<vmem_shared>> -> memref<10240x128xf32, #tpu.memory_space<vmem_shared>>
        tpu.wait_indirect_dma semaphore(%run_scoped3A : memref<!tpu.dma_semaphore, #tpu.memory_space<semaphore_mem>>) src(%arg14 : memref<80x128xf32, #tpu.memory_space<vmem>>) dst(%dma_wait3A_295 : memref<10240x128xf32, #tpu.memory_space<vmem_shared>>)
        tpu.yield
      }) : () -> ()
      %dma_wait3A_287 = arith.constant 0 : i32
      %dma_wait3A_288 = arith.constant 0 : i32
      %dma_wait3A_289 = tpu.memref_slice %arg2[%dma_wait3A_287, %dma_wait3A_288] : memref<10000x128xf32, #tpu.memory_space<hbm>> -> memref<10000x128xf32, #tpu.memory_space<hbm>>
      tpu.wait_indirect_dma semaphore(%arg16 : memref<!tpu.dma_semaphore, #tpu.memory_space<semaphore_mem>>) src(%dma_wait3A_289 : memref<10000x128xf32, #tpu.memory_space<hbm>>) dst(%arg13 : memref<80x128xf32, #tpu.memory_space<vmem>>)
    }
    %scan3A_81 = arith.constant 62 : i32
    "tpu.region"() ({
      %run_scoped3A = tpu.sem_alloc : memref<!tpu.dma_semaphore, #tpu.memory_space<semaphore_mem>>
      %dma_start3A_83 = arith.constant 0 : i32
      %dma_start3A_84 = arith.constant 0 : i32
      %dma_start3A_85 = tpu.memref_slice %arg15[%dma_start3A_83, %dma_start3A_84] : memref<10240x128xf32, #tpu.memory_space<vmem_shared>> -> memref<10240x128xf32, #tpu.memory_space<vmem_shared>>
      tpu.enqueue_indirect_dma source(%arg13 : memref<80x128xf32, #tpu.memory_space<vmem>>) target(%dma_start3A_85 : memref<10240x128xf32, #tpu.memory_space<vmem_shared>>) offsets(%arg8 : memref<80xi32, #tpu.memory_space<vmem>>) semaphore(%run_scoped3A : memref<!tpu.dma_semaphore, #tpu.memory_space<semaphore_mem>>) {add = true}
      %dma_wait3A_86 = arith.constant 0 : i32
      %dma_wait3A_87 = arith.constant 0 : i32
      %dma_wait3A_88 = tpu.memref_slice %arg15[%dma_wait3A_86, %dma_wait3A_87] : memref<10240x128xf32, #tpu.memory_space<vmem_shared>> -> memref<10240x128xf32, #tpu.memory_space<vmem_shared>>
      tpu.wait_indirect_dma semaphore(%run_scoped3A : memref<!tpu.dma_semaphore, #tpu.memory_space<semaphore_mem>>) src(%arg13 : memref<80x128xf32, #tpu.memory_space<vmem>>) dst(%dma_wait3A_88 : memref<10240x128xf32, #tpu.memory_space<vmem_shared>>)
      tpu.yield
    }) : () -> ()
    %barrier3A_82 = arith.constant 0 : index
    tpu.barrier barrier_id(%barrier3A_82)
    "tpu.region"() ({
      %run_scoped3A = tpu.sem_alloc : memref<!tpu.dma_semaphore, #tpu.memory_space<semaphore_mem>>
      %dma_start3A_83 = arith.constant 0 : i32
      %dma_start3A_84 = tpu.memref_slice %arg6[%arg0, %mul3A_0, %dma_start3A_83] : memref<2x10240x128xf32, #tpu.memory_space<hbm>> -> memref<1x640x128xf32, #tpu.memory_space<hbm>>
      %dma_start3A_85 = tpu.memref_squeeze %dma_start3A_84 : memref<1x640x128xf32, #tpu.memory_space<hbm>> -> memref<640x128xf32, #tpu.memory_space<hbm>>
      %dma_start3A_86 = arith.constant 0 : i32
      %dma_start3A_87 = tpu.memref_slice %arg15[%mul3A_0, %dma_start3A_86] : memref<10240x128xf32, #tpu.memory_space<vmem_shared>> -> memref<640x128xf32, #tpu.memory_space<vmem_shared>>
      tpu.enqueue_dma source(%dma_start3A_87 : memref<640x128xf32, #tpu.memory_space<vmem_shared>>) target(%dma_start3A_85 : memref<640x128xf32, #tpu.memory_space<hbm>>) target_semaphore(%run_scoped3A : memref<!tpu.dma_semaphore, #tpu.memory_space<semaphore_mem>>)
      %dma_wait3A_88 = arith.constant 0 : i32
      %dma_wait3A_89 = tpu.memref_slice %arg6[%arg0, %mul3A_0, %dma_wait3A_88] : memref<2x10240x128xf32, #tpu.memory_space<hbm>> -> memref<1x640x128xf32, #tpu.memory_space<hbm>>
      %dma_wait3A_90 = tpu.memref_squeeze %dma_wait3A_89 : memref<1x640x128xf32, #tpu.memory_space<hbm>> -> memref<640x128xf32, #tpu.memory_space<hbm>>
      %dma_wait3A_91 = arith.constant 0 : i32
      %dma_wait3A_92 = tpu.memref_slice %arg15[%mul3A_0, %dma_wait3A_91] : memref<10240x128xf32, #tpu.memory_space<vmem_shared>> -> memref<640x128xf32, #tpu.memory_space<vmem_shared>>
      tpu.wait_dma2 semaphore(%run_scoped3A : memref<!tpu.dma_semaphore, #tpu.memory_space<semaphore_mem>>) src(%dma_wait3A_92 : memref<640x128xf32, #tpu.memory_space<vmem_shared>>) dst(%dma_wait3A_90 : memref<640x128xf32, #tpu.memory_space<hbm>>)
      tpu.yield
    }) : () -> ()
    return
  }
}

#map = affine_map<(d0, d1) -> (0, 0)>
#map1 = affine_map<(d0, d1) -> (0)>
#map2 = affine_map<(d0, d1) -> (0, 0, 0)>
module attributes {stable_mosaic.version = 14 : i64} {
  func.func @_sc_agg(%arg0: i32, %arg1: i32, %arg2: memref<10000x128xf32, #tpu.memory_space<hbm>>, %arg3: memref<320000xi32, #tpu.memory_space<hbm>>, %arg4: memref<320000xi32, #tpu.memory_space<hbm>>, %arg5: memref<10240x128xf32, #tpu.memory_space<hbm>>, %arg6: memref<2x10240x128xf32, #tpu.memory_space<hbm>>, %arg7: memref<80xi32, #tpu.memory_space<vmem>>, %arg8: memref<80xi32, #tpu.memory_space<vmem>>, %arg9: memref<80xi32, #tpu.memory_space<vmem>>, %arg10: memref<80xi32, #tpu.memory_space<vmem>>, %arg11: memref<10000xi32, #tpu.memory_space<vmem>>, %arg12: memref<10000xi32, #tpu.memory_space<vmem>>, %arg13: memref<80x128xf32, #tpu.memory_space<vmem>>, %arg14: memref<80x128xf32, #tpu.memory_space<vmem>>, %arg15: memref<10240x128xf32, #tpu.memory_space<vmem_shared>>, %arg16: memref<!tpu.dma_semaphore, #tpu.memory_space<semaphore_mem>>, %arg17: memref<!tpu.dma_semaphore, #tpu.memory_space<semaphore_mem>>) attributes {dimension_semantics = [#tpu.dimension_semantics<core_parallel>, #tpu.dimension_semantics<subcore_parallel>], iteration_bounds = array<i64: 2, 16>, scalar_prefetch = 0 : i64, scratch_operands = 11 : i64, tpu.core_type = #tpu.core_type<sc_vector_subcore>, window_params = [{transform_indices = #map}, {transform_indices = #map1}, {transform_indices = #map1}, {transform_indices = #map}, {transform_indices = #map2}]} {
    %mul3A = arith.constant 640 : i32
    %mul3A_0 = arith.muli %arg1, %mul3A : i32
    "tpu.region"() ({
      %run_scoped3A = tpu.sem_alloc : memref<!tpu.dma_semaphore, #tpu.memory_space<semaphore_mem>>
      %dma_start3A_83 = arith.constant 0 : i32
      %dma_start3A_84 = tpu.memref_slice %arg15[%mul3A_0, %dma_start3A_83] : memref<10240x128xf32, #tpu.memory_space<vmem_shared>> -> memref<640x128xf32, #tpu.memory_space<vmem_shared>>
      %dma_start3A_85 = arith.constant 0 : i32
      %dma_start3A_86 = tpu.memref_slice %arg5[%mul3A_0, %dma_start3A_85] : memref<10240x128xf32, #tpu.memory_space<hbm>> -> memref<640x128xf32, #tpu.memory_space<hbm>>
      tpu.enqueue_dma source(%dma_start3A_86 : memref<640x128xf32, #tpu.memory_space<hbm>>) target(%dma_start3A_84 : memref<640x128xf32, #tpu.memory_space<vmem_shared>>) target_semaphore(%run_scoped3A : memref<!tpu.dma_semaphore, #tpu.memory_space<semaphore_mem>>)
      %dma_wait3A_87 = arith.constant 0 : i32
      %dma_wait3A_88 = tpu.memref_slice %arg15[%mul3A_0, %dma_wait3A_87] : memref<10240x128xf32, #tpu.memory_space<vmem_shared>> -> memref<640x128xf32, #tpu.memory_space<vmem_shared>>
      %dma_wait3A_89 = arith.constant 0 : i32
      %dma_wait3A_90 = tpu.memref_slice %arg5[%mul3A_0, %dma_wait3A_89] : memref<10240x128xf32, #tpu.memory_space<hbm>> -> memref<640x128xf32, #tpu.memory_space<hbm>>
      tpu.wait_dma2 semaphore(%run_scoped3A : memref<!tpu.dma_semaphore, #tpu.memory_space<semaphore_mem>>) src(%dma_wait3A_90 : memref<640x128xf32, #tpu.memory_space<hbm>>) dst(%dma_wait3A_88 : memref<640x128xf32, #tpu.memory_space<vmem_shared>>)
      tpu.yield
    }) : () -> ()
    %mul3A_1 = arith.constant 16 : i32
    %mul3A_2 = arith.muli %arg0, %mul3A_1 : i32
    %add3A = arith.addi %mul3A_2, %arg1 : i32
    %mul3A_3 = arith.constant 10000 : i32
    %mul3A_4 = arith.muli %add3A, %mul3A_3 : i32
    "tpu.region"() ({
      %run_scoped3A = tpu.sem_alloc : memref<!tpu.dma_semaphore, #tpu.memory_space<semaphore_mem>>
      %dma_start3A_83 = tpu.memref_slice %arg3[%mul3A_4] : memref<320000xi32, #tpu.memory_space<hbm>> -> memref<10000xi32, #tpu.memory_space<hbm>>
      %dma_start3A_84 = tpu.memref_slice %arg3[%mul3A_4] : memref<320000xi32, #tpu.memory_space<hbm>> -> memref<10000xi32, #tpu.memory_space<hbm>>
      tpu.enqueue_dma source(%dma_start3A_84 : memref<10000xi32, #tpu.memory_space<hbm>>) target(%arg11 : memref<10000xi32, #tpu.memory_space<vmem>>) target_semaphore(%run_scoped3A : memref<!tpu.dma_semaphore, #tpu.memory_space<semaphore_mem>>)
      %dma_wait3A_85 = tpu.memref_slice %arg3[%mul3A_4] : memref<320000xi32, #tpu.memory_space<hbm>> -> memref<10000xi32, #tpu.memory_space<hbm>>
      %dma_wait3A_86 = tpu.memref_slice %arg3[%mul3A_4] : memref<320000xi32, #tpu.memory_space<hbm>> -> memref<10000xi32, #tpu.memory_space<hbm>>
      tpu.wait_dma2 semaphore(%run_scoped3A : memref<!tpu.dma_semaphore, #tpu.memory_space<semaphore_mem>>) src(%dma_wait3A_86 : memref<10000xi32, #tpu.memory_space<hbm>>) dst(%arg11 : memref<10000xi32, #tpu.memory_space<vmem>>)
      tpu.yield
    }) : () -> ()
    "tpu.region"() ({
      %run_scoped3A = tpu.sem_alloc : memref<!tpu.dma_semaphore, #tpu.memory_space<semaphore_mem>>
      %dma_start3A_83 = tpu.memref_slice %arg4[%mul3A_4] : memref<320000xi32, #tpu.memory_space<hbm>> -> memref<10000xi32, #tpu.memory_space<hbm>>
      %dma_start3A_84 = tpu.memref_slice %arg4[%mul3A_4] : memref<320000xi32, #tpu.memory_space<hbm>> -> memref<10000xi32, #tpu.memory_space<hbm>>
      tpu.enqueue_dma source(%dma_start3A_84 : memref<10000xi32, #tpu.memory_space<hbm>>) target(%arg12 : memref<10000xi32, #tpu.memory_space<vmem>>) target_semaphore(%run_scoped3A : memref<!tpu.dma_semaphore, #tpu.memory_space<semaphore_mem>>)
      %dma_wait3A_85 = tpu.memref_slice %arg4[%mul3A_4] : memref<320000xi32, #tpu.memory_space<hbm>> -> memref<10000xi32, #tpu.memory_space<hbm>>
      %dma_wait3A_86 = tpu.memref_slice %arg4[%mul3A_4] : memref<320000xi32, #tpu.memory_space<hbm>> -> memref<10000xi32, #tpu.memory_space<hbm>>
      tpu.wait_dma2 semaphore(%run_scoped3A : memref<!tpu.dma_semaphore, #tpu.memory_space<semaphore_mem>>) src(%dma_wait3A_86 : memref<10000xi32, #tpu.memory_space<hbm>>) dst(%arg12 : memref<10000xi32, #tpu.memory_space<vmem>>)
      tpu.yield
    }) : () -> ()
    %barrier3A = arith.constant 0 : index
    tpu.barrier barrier_id(%barrier3A)
    %get3A = arith.constant 0 : index
    %get3A_5 = tpu.vector_load %arg11[%get3A] {strides = array<i32>} : memref<10000xi32, #tpu.memory_space<vmem>>, vector<16xi32>,
    %get3A_6 = vector.shape_cast %get3A_5 : vector<16xi32> to vector<16xi32>
    %swap3A = arith.constant 0 : index
    %swap3A_7 = tpu.vector_load %arg7[%swap3A] {strides = array<i32>} : memref<80xi32, #tpu.memory_space<vmem>>, vector<16xi32>,
    %swap3A_8 = vector.shape_cast %swap3A_7 : vector<16xi32> to vector<16xi32>
    %swap3A_9 = vector.shape_cast %get3A_6 : vector<16xi32> to vector<16xi32>
    tpu.vector_store %arg7[%swap3A], %swap3A_9 {strides = array<i32>} : memref<80xi32, #tpu.memory_space<vmem>>, vector<16xi32>,
    %get3A_10 = arith.constant 16 : index
    %get3A_11 = tpu.vector_load %arg11[%get3A_10] {strides = array<i32>} : memref<10000xi32, #tpu.memory_space<vmem>>, vector<16xi32>,
    %get3A_12 = vector.shape_cast %get3A_11 : vector<16xi32> to vector<16xi32>
    %swap3A_13 = arith.constant 16 : index
    %swap3A_14 = tpu.vector_load %arg7[%swap3A_13] {strides = array<i32>} : memref<80xi32, #tpu.memory_space<vmem>>, vector<16xi32>,
    %swap3A_15 = vector.shape_cast %swap3A_14 : vector<16xi32> to vector<16xi32>
    %swap3A_16 = vector.shape_cast %get3A_12 : vector<16xi32> to vector<16xi32>
    tpu.vector_store %arg7[%swap3A_13], %swap3A_16 {strides = array<i32>} : memref<80xi32, #tpu.memory_space<vmem>>, vector<16xi32>,
    %get3A_17 = arith.constant 32 : index
    %get3A_18 = tpu.vector_load %arg11[%get3A_17] {strides = array<i32>} : memref<10000xi32, #tpu.memory_space<vmem>>, vector<16xi32>,
    %get3A_19 = vector.shape_cast %get3A_18 : vector<16xi32> to vector<16xi32>
    %swap3A_20 = arith.constant 32 : index
    %swap3A_21 = tpu.vector_load %arg7[%swap3A_20] {strides = array<i32>} : memref<80xi32, #tpu.memory_space<vmem>>, vector<16xi32>,
    %swap3A_22 = vector.shape_cast %swap3A_21 : vector<16xi32> to vector<16xi32>
    %swap3A_23 = vector.shape_cast %get3A_19 : vector<16xi32> to vector<16xi32>
    tpu.vector_store %arg7[%swap3A_20], %swap3A_23 {strides = array<i32>} : memref<80xi32, #tpu.memory_space<vmem>>, vector<16xi32>,
    %get3A_24 = arith.constant 48 : index
    %get3A_25 = tpu.vector_load %arg11[%get3A_24] {strides = array<i32>} : memref<10000xi32, #tpu.memory_space<vmem>>, vector<16xi32>,
    %get3A_26 = vector.shape_cast %get3A_25 : vector<16xi32> to vector<16xi32>
    %swap3A_27 = arith.constant 48 : index
    %swap3A_28 = tpu.vector_load %arg7[%swap3A_27] {strides = array<i32>} : memref<80xi32, #tpu.memory_space<vmem>>, vector<16xi32>,
    %swap3A_29 = vector.shape_cast %swap3A_28 : vector<16xi32> to vector<16xi32>
    %swap3A_30 = vector.shape_cast %get3A_26 : vector<16xi32> to vector<16xi32>
    tpu.vector_store %arg7[%swap3A_27], %swap3A_30 {strides = array<i32>} : memref<80xi32, #tpu.memory_space<vmem>>, vector<16xi32>,
    %get3A_31 = arith.constant 64 : index
    %get3A_32 = tpu.vector_load %arg11[%get3A_31] {strides = array<i32>} : memref<10000xi32, #tpu.memory_space<vmem>>, vector<16xi32>,
    %get3A_33 = vector.shape_cast %get3A_32 : vector<16xi32> to vector<16xi32>
    %swap3A_34 = arith.constant 64 : index
    %swap3A_35 = tpu.vector_load %arg7[%swap3A_34] {strides = array<i32>} : memref<80xi32, #tpu.memory_space<vmem>>, vector<16xi32>,
    %swap3A_36 = vector.shape_cast %swap3A_35 : vector<16xi32> to vector<16xi32>
    %swap3A_37 = vector.shape_cast %get3A_33 : vector<16xi32> to vector<16xi32>
    tpu.vector_store %arg7[%swap3A_34], %swap3A_37 {strides = array<i32>} : memref<80xi32, #tpu.memory_space<vmem>>, vector<16xi32>,
    %get3A_38 = arith.constant 0 : index
    %get3A_39 = tpu.vector_load %arg12[%get3A_38] {strides = array<i32>} : memref<10000xi32, #tpu.memory_space<vmem>>, vector<16xi32>,
    %get3A_40 = vector.shape_cast %get3A_39 : vector<16xi32> to vector<16xi32>
    %swap3A_41 = arith.constant 0 : index
    %swap3A_42 = tpu.vector_load %arg8[%swap3A_41] {strides = array<i32>} : memref<80xi32, #tpu.memory_space<vmem>>, vector<16xi32>,
    %swap3A_43 = vector.shape_cast %swap3A_42 : vector<16xi32> to vector<16xi32>
    %swap3A_44 = vector.shape_cast %get3A_40 : vector<16xi32> to vector<16xi32>
    tpu.vector_store %arg8[%swap3A_41], %swap3A_44 {strides = array<i32>} : memref<80xi32, #tpu.memory_space<vmem>>, vector<16xi32>,
    %get3A_45 = arith.constant 16 : index
    %get3A_46 = tpu.vector_load %arg12[%get3A_45] {strides = array<i32>} : memref<10000xi32, #tpu.memory_space<vmem>>, vector<16xi32>,
    %get3A_47 = vector.shape_cast %get3A_46 : vector<16xi32> to vector<16xi32>
    %swap3A_48 = arith.constant 16 : index
    %swap3A_49 = tpu.vector_load %arg8[%swap3A_48] {strides = array<i32>} : memref<80xi32, #tpu.memory_space<vmem>>, vector<16xi32>,
    %swap3A_50 = vector.shape_cast %swap3A_49 : vector<16xi32> to vector<16xi32>
    %swap3A_51 = vector.shape_cast %get3A_47 : vector<16xi32> to vector<16xi32>
    tpu.vector_store %arg8[%swap3A_48], %swap3A_51 {strides = array<i32>} : memref<80xi32, #tpu.memory_space<vmem>>, vector<16xi32>,
    %get3A_52 = arith.constant 32 : index
    %get3A_53 = tpu.vector_load %arg12[%get3A_52] {strides = array<i32>} : memref<10000xi32, #tpu.memory_space<vmem>>, vector<16xi32>,
    %get3A_54 = vector.shape_cast %get3A_53 : vector<16xi32> to vector<16xi32>
    %swap3A_55 = arith.constant 32 : index
    %swap3A_56 = tpu.vector_load %arg8[%swap3A_55] {strides = array<i32>} : memref<80xi32, #tpu.memory_space<vmem>>, vector<16xi32>,
    %swap3A_57 = vector.shape_cast %swap3A_56 : vector<16xi32> to vector<16xi32>
    %swap3A_58 = vector.shape_cast %get3A_54 : vector<16xi32> to vector<16xi32>
    tpu.vector_store %arg8[%swap3A_55], %swap3A_58 {strides = array<i32>} : memref<80xi32, #tpu.memory_space<vmem>>, vector<16xi32>,
    %get3A_59 = arith.constant 48 : index
    %get3A_60 = tpu.vector_load %arg12[%get3A_59] {strides = array<i32>} : memref<10000xi32, #tpu.memory_space<vmem>>, vector<16xi32>,
    %get3A_61 = vector.shape_cast %get3A_60 : vector<16xi32> to vector<16xi32>
    %swap3A_62 = arith.constant 48 : index
    %swap3A_63 = tpu.vector_load %arg8[%swap3A_62] {strides = array<i32>} : memref<80xi32, #tpu.memory_space<vmem>>, vector<16xi32>,
    %swap3A_64 = vector.shape_cast %swap3A_63 : vector<16xi32> to vector<16xi32>
    %swap3A_65 = vector.shape_cast %get3A_61 : vector<16xi32> to vector<16xi32>
    tpu.vector_store %arg8[%swap3A_62], %swap3A_65 {strides = array<i32>} : memref<80xi32, #tpu.memory_space<vmem>>, vector<16xi32>,
    %get3A_66 = arith.constant 64 : index
    %get3A_67 = tpu.vector_load %arg12[%get3A_66] {strides = array<i32>} : memref<10000xi32, #tpu.memory_space<vmem>>, vector<16xi32>,
    %get3A_68 = vector.shape_cast %get3A_67 : vector<16xi32> to vector<16xi32>
    %swap3A_69 = arith.constant 64 : index
    %swap3A_70 = tpu.vector_load %arg8[%swap3A_69] {strides = array<i32>} : memref<80xi32, #tpu.memory_space<vmem>>, vector<16xi32>,
    %swap3A_71 = vector.shape_cast %swap3A_70 : vector<16xi32> to vector<16xi32>
    %swap3A_72 = vector.shape_cast %get3A_68 : vector<16xi32> to vector<16xi32>
    tpu.vector_store %arg8[%swap3A_69], %swap3A_72 {strides = array<i32>} : memref<80xi32, #tpu.memory_space<vmem>>, vector<16xi32>,
    %dma_start3A = arith.constant 0 : i32
    %dma_start3A_73 = arith.constant 0 : i32
    %dma_start3A_74 = tpu.memref_slice %arg2[%dma_start3A, %dma_start3A_73] : memref<10000x128xf32, #tpu.memory_space<hbm>> -> memref<10000x128xf32, #tpu.memory_space<hbm>>
    tpu.enqueue_indirect_dma source(%dma_start3A_74 : memref<10000x128xf32, #tpu.memory_space<hbm>>) target(%arg13 : memref<80x128xf32, #tpu.memory_space<vmem>>) offsets(%arg7 : memref<80xi32, #tpu.memory_space<vmem>>) semaphore(%arg16 : memref<!tpu.dma_semaphore, #tpu.memory_space<semaphore_mem>>)
    %dma_wait3A = arith.constant 0 : i32
    %dma_wait3A_75 = arith.constant 0 : i32
    %dma_wait3A_76 = tpu.memref_slice %arg2[%dma_wait3A, %dma_wait3A_75] : memref<10000x128xf32, #tpu.memory_space<hbm>> -> memref<10000x128xf32, #tpu.memory_space<hbm>>
    tpu.wait_indirect_dma semaphore(%arg16 : memref<!tpu.dma_semaphore, #tpu.memory_space<semaphore_mem>>) src(%dma_wait3A_76 : memref<10000x128xf32, #tpu.memory_space<hbm>>) dst(%arg13 : memref<80x128xf32, #tpu.memory_space<vmem>>)
    %scan3A = arith.constant 0 : i32
    %scan3A_77 = arith.constant 0 : i32
    %scan3A_78 = arith.constant 62 : i32
    %scan3A_79 = arith.addi %scan3A_77, %scan3A_78 : i32
    %scan3A_80 = arith.constant 1 : i32
    scf.for %scan3A_83 = %scan3A_77 to %scan3A_79 step %scan3A_80  : i32 {
      %mul3A_84 = arith.constant 2 : i32
      %mul3A_85 = arith.muli %mul3A_84, %scan3A_83 : i32
      %add3A_86 = arith.constant 1 : i32
      %add3A_87 = arith.addi %mul3A_85, %add3A_86 : i32
      %mul3A_88 = arith.constant 80 : i32
      %mul3A_89 = arith.muli %add3A_87, %mul3A_88 : i32
      %add3A_90 = arith.constant 0 : i32
      %add3A_91 = arith.addi %mul3A_89, %add3A_90 : i32
      %get3A_92 = arith.index_cast %add3A_91 : i32 to index
      %get3A_93 = tpu.vector_load %arg11[%get3A_92] {strides = array<i32>} : memref<10000xi32, #tpu.memory_space<vmem>>, vector<16xi32>,
      %get3A_94 = vector.shape_cast %get3A_93 : vector<16xi32> to vector<16xi32>
      %swap3A_95 = arith.constant 0 : index
      %swap3A_96 = tpu.vector_load %arg9[%swap3A_95] {strides = array<i32>} : memref<80xi32, #tpu.memory_space<vmem>>, vector<16xi32>,
      %swap3A_97 = vector.shape_cast %swap3A_96 : vector<16xi32> to vector<16xi32>
      %swap3A_98 = vector.shape_cast %get3A_94 : vector<16xi32> to vector<16xi32>
      tpu.vector_store %arg9[%swap3A_95], %swap3A_98 {strides = array<i32>} : memref<80xi32, #tpu.memory_space<vmem>>, vector<16xi32>,
      %add3A_99 = arith.constant 16 : i32
      %add3A_100 = arith.addi %mul3A_89, %add3A_99 : i32
      %get3A_101 = arith.index_cast %add3A_100 : i32 to index
      %get3A_102 = tpu.vector_load %arg11[%get3A_101] {strides = array<i32>} : memref<10000xi32, #tpu.memory_space<vmem>>, vector<16xi32>,
      %get3A_103 = vector.shape_cast %get3A_102 : vector<16xi32> to vector<16xi32>
      %swap3A_104 = arith.constant 16 : index
      %swap3A_105 = tpu.vector_load %arg9[%swap3A_104] {strides = array<i32>} : memref<80xi32, #tpu.memory_space<vmem>>, vector<16xi32>,
      %swap3A_106 = vector.shape_cast %swap3A_105 : vector<16xi32> to vector<16xi32>
      %swap3A_107 = vector.shape_cast %get3A_103 : vector<16xi32> to vector<16xi32>
      tpu.vector_store %arg9[%swap3A_104], %swap3A_107 {strides = array<i32>} : memref<80xi32, #tpu.memory_space<vmem>>, vector<16xi32>,
      %add3A_108 = arith.constant 32 : i32
      %add3A_109 = arith.addi %mul3A_89, %add3A_108 : i32
      %get3A_110 = arith.index_cast %add3A_109 : i32 to index
      %get3A_111 = tpu.vector_load %arg11[%get3A_110] {strides = array<i32>} : memref<10000xi32, #tpu.memory_space<vmem>>, vector<16xi32>,
      %get3A_112 = vector.shape_cast %get3A_111 : vector<16xi32> to vector<16xi32>
      %swap3A_113 = arith.constant 32 : index
      %swap3A_114 = tpu.vector_load %arg9[%swap3A_113] {strides = array<i32>} : memref<80xi32, #tpu.memory_space<vmem>>, vector<16xi32>,
      %swap3A_115 = vector.shape_cast %swap3A_114 : vector<16xi32> to vector<16xi32>
      %swap3A_116 = vector.shape_cast %get3A_112 : vector<16xi32> to vector<16xi32>
      tpu.vector_store %arg9[%swap3A_113], %swap3A_116 {strides = array<i32>} : memref<80xi32, #tpu.memory_space<vmem>>, vector<16xi32>,
      %add3A_117 = arith.constant 48 : i32
      %add3A_118 = arith.addi %mul3A_89, %add3A_117 : i32
      %get3A_119 = arith.index_cast %add3A_118 : i32 to index
      %get3A_120 = tpu.vector_load %arg11[%get3A_119] {strides = array<i32>} : memref<10000xi32, #tpu.memory_space<vmem>>, vector<16xi32>,
      %get3A_121 = vector.shape_cast %get3A_120 : vector<16xi32> to vector<16xi32>
      %swap3A_122 = arith.constant 48 : index
      %swap3A_123 = tpu.vector_load %arg9[%swap3A_122] {strides = array<i32>} : memref<80xi32, #tpu.memory_space<vmem>>, vector<16xi32>,
      %swap3A_124 = vector.shape_cast %swap3A_123 : vector<16xi32> to vector<16xi32>
      %swap3A_125 = vector.shape_cast %get3A_121 : vector<16xi32> to vector<16xi32>
      tpu.vector_store %arg9[%swap3A_122], %swap3A_125 {strides = array<i32>} : memref<80xi32, #tpu.memory_space<vmem>>, vector<16xi32>,
      %add3A_126 = arith.constant 64 : i32
      %add3A_127 = arith.addi %mul3A_89, %add3A_126 : i32
      %get3A_128 = arith.index_cast %add3A_127 : i32 to index
      %get3A_129 = tpu.vector_load %arg11[%get3A_128] {strides = array<i32>} : memref<10000xi32, #tpu.memory_space<vmem>>, vector<16xi32>,
      %get3A_130 = vector.shape_cast %get3A_129 : vector<16xi32> to vector<16xi32>
      %swap3A_131 = arith.constant 64 : index
      %swap3A_132 = tpu.vector_load %arg9[%swap3A_131] {strides = array<i32>} : memref<80xi32, #tpu.memory_space<vmem>>, vector<16xi32>,
      %swap3A_133 = vector.shape_cast %swap3A_132 : vector<16xi32> to vector<16xi32>
      %swap3A_134 = vector.shape_cast %get3A_130 : vector<16xi32> to vector<16xi32>
      tpu.vector_store %arg9[%swap3A_131], %swap3A_134 {strides = array<i32>} : memref<80xi32, #tpu.memory_space<vmem>>, vector<16xi32>,
      %mul3A_135 = arith.constant 80 : i32
      %mul3A_136 = arith.muli %add3A_87, %mul3A_135 : i32
      %add3A_137 = arith.constant 0 : i32
      %add3A_138 = arith.addi %mul3A_136, %add3A_137 : i32
      %get3A_139 = arith.index_cast %add3A_138 : i32 to index
      %get3A_140 = tpu.vector_load %arg12[%get3A_139] {strides = array<i32>} : memref<10000xi32, #tpu.memory_space<vmem>>, vector<16xi32>,
      %get3A_141 = vector.shape_cast %get3A_140 : vector<16xi32> to vector<16xi32>
      %swap3A_142 = arith.constant 0 : index
      %swap3A_143 = tpu.vector_load %arg10[%swap3A_142] {strides = array<i32>} : memref<80xi32, #tpu.memory_space<vmem>>, vector<16xi32>,
      %swap3A_144 = vector.shape_cast %swap3A_143 : vector<16xi32> to vector<16xi32>
      %swap3A_145 = vector.shape_cast %get3A_141 : vector<16xi32> to vector<16xi32>
      tpu.vector_store %arg10[%swap3A_142], %swap3A_145 {strides = array<i32>} : memref<80xi32, #tpu.memory_space<vmem>>, vector<16xi32>,
      %add3A_146 = arith.constant 16 : i32
      %add3A_147 = arith.addi %mul3A_136, %add3A_146 : i32
      %get3A_148 = arith.index_cast %add3A_147 : i32 to index
      %get3A_149 = tpu.vector_load %arg12[%get3A_148] {strides = array<i32>} : memref<10000xi32, #tpu.memory_space<vmem>>, vector<16xi32>,
      %get3A_150 = vector.shape_cast %get3A_149 : vector<16xi32> to vector<16xi32>
      %swap3A_151 = arith.constant 16 : index
      %swap3A_152 = tpu.vector_load %arg10[%swap3A_151] {strides = array<i32>} : memref<80xi32, #tpu.memory_space<vmem>>, vector<16xi32>,
      %swap3A_153 = vector.shape_cast %swap3A_152 : vector<16xi32> to vector<16xi32>
      %swap3A_154 = vector.shape_cast %get3A_150 : vector<16xi32> to vector<16xi32>
      tpu.vector_store %arg10[%swap3A_151], %swap3A_154 {strides = array<i32>} : memref<80xi32, #tpu.memory_space<vmem>>, vector<16xi32>,
      %add3A_155 = arith.constant 32 : i32
      %add3A_156 = arith.addi %mul3A_136, %add3A_155 : i32
      %get3A_157 = arith.index_cast %add3A_156 : i32 to index
      %get3A_158 = tpu.vector_load %arg12[%get3A_157] {strides = array<i32>} : memref<10000xi32, #tpu.memory_space<vmem>>, vector<16xi32>,
      %get3A_159 = vector.shape_cast %get3A_158 : vector<16xi32> to vector<16xi32>
      %swap3A_160 = arith.constant 32 : index
      %swap3A_161 = tpu.vector_load %arg10[%swap3A_160] {strides = array<i32>} : memref<80xi32, #tpu.memory_space<vmem>>, vector<16xi32>,
      %swap3A_162 = vector.shape_cast %swap3A_161 : vector<16xi32> to vector<16xi32>
      %swap3A_163 = vector.shape_cast %get3A_159 : vector<16xi32> to vector<16xi32>
      tpu.vector_store %arg10[%swap3A_160], %swap3A_163 {strides = array<i32>} : memref<80xi32, #tpu.memory_space<vmem>>, vector<16xi32>,
      %add3A_164 = arith.constant 48 : i32
      %add3A_165 = arith.addi %mul3A_136, %add3A_164 : i32
      %get3A_166 = arith.index_cast %add3A_165 : i32 to index
      %get3A_167 = tpu.vector_load %arg12[%get3A_166] {strides = array<i32>} : memref<10000xi32, #tpu.memory_space<vmem>>, vector<16xi32>,
      %get3A_168 = vector.shape_cast %get3A_167 : vector<16xi32> to vector<16xi32>
      %swap3A_169 = arith.constant 48 : index
      %swap3A_170 = tpu.vector_load %arg10[%swap3A_169] {strides = array<i32>} : memref<80xi32, #tpu.memory_space<vmem>>, vector<16xi32>,
      %swap3A_171 = vector.shape_cast %swap3A_170 : vector<16xi32> to vector<16xi32>
      %swap3A_172 = vector.shape_cast %get3A_168 : vector<16xi32> to vector<16xi32>
      tpu.vector_store %arg10[%swap3A_169], %swap3A_172 {strides = array<i32>} : memref<80xi32, #tpu.memory_space<vmem>>, vector<16xi32>,
      %add3A_173 = arith.constant 64 : i32
      %add3A_174 = arith.addi %mul3A_136, %add3A_173 : i32
      %get3A_175 = arith.index_cast %add3A_174 : i32 to index
      %get3A_176 = tpu.vector_load %arg12[%get3A_175] {strides = array<i32>} : memref<10000xi32, #tpu.memory_space<vmem>>, vector<16xi32>,
      %get3A_177 = vector.shape_cast %get3A_176 : vector<16xi32> to vector<16xi32>
      %swap3A_178 = arith.constant 64 : index
      %swap3A_179 = tpu.vector_load %arg10[%swap3A_178] {strides = array<i32>} : memref<80xi32, #tpu.memory_space<vmem>>, vector<16xi32>,
      %swap3A_180 = vector.shape_cast %swap3A_179 : vector<16xi32> to vector<16xi32>
      %swap3A_181 = vector.shape_cast %get3A_177 : vector<16xi32> to vector<16xi32>
      tpu.vector_store %arg10[%swap3A_178], %swap3A_181 {strides = array<i32>} : memref<80xi32, #tpu.memory_space<vmem>>, vector<16xi32>,
      %dma_start3A_182 = arith.constant 0 : i32
      %dma_start3A_183 = arith.constant 0 : i32
      %dma_start3A_184 = tpu.memref_slice %arg2[%dma_start3A_182, %dma_start3A_183] : memref<10000x128xf32, #tpu.memory_space<hbm>> -> memref<10000x128xf32, #tpu.memory_space<hbm>>
      tpu.enqueue_indirect_dma source(%dma_start3A_184 : memref<10000x128xf32, #tpu.memory_space<hbm>>) target(%arg14 : memref<80x128xf32, #tpu.memory_space<vmem>>) offsets(%arg9 : memref<80xi32, #tpu.memory_space<vmem>>) semaphore(%arg17 : memref<!tpu.dma_semaphore, #tpu.memory_space<semaphore_mem>>)
      "tpu.region"() ({
        %run_scoped3A = tpu.sem_alloc : memref<!tpu.dma_semaphore, #tpu.memory_space<semaphore_mem>>
        %dma_start3A_290 = arith.constant 0 : i32
        %dma_start3A_291 = arith.constant 0 : i32
        %dma_start3A_292 = tpu.memref_slice %arg15[%dma_start3A_290, %dma_start3A_291] : memref<10240x128xf32, #tpu.memory_space<vmem_shared>> -> memref<10240x128xf32, #tpu.memory_space<vmem_shared>>
        tpu.enqueue_indirect_dma source(%arg13 : memref<80x128xf32, #tpu.memory_space<vmem>>) target(%dma_start3A_292 : memref<10240x128xf32, #tpu.memory_space<vmem_shared>>) offsets(%arg8 : memref<80xi32, #tpu.memory_space<vmem>>) semaphore(%run_scoped3A : memref<!tpu.dma_semaphore, #tpu.memory_space<semaphore_mem>>) {add = true}
        %dma_wait3A_293 = arith.constant 0 : i32
        %dma_wait3A_294 = arith.constant 0 : i32
        %dma_wait3A_295 = tpu.memref_slice %arg15[%dma_wait3A_293, %dma_wait3A_294] : memref<10240x128xf32, #tpu.memory_space<vmem_shared>> -> memref<10240x128xf32, #tpu.memory_space<vmem_shared>>
        tpu.wait_indirect_dma semaphore(%run_scoped3A : memref<!tpu.dma_semaphore, #tpu.memory_space<semaphore_mem>>) src(%arg13 : memref<80x128xf32, #tpu.memory_space<vmem>>) dst(%dma_wait3A_295 : memref<10240x128xf32, #tpu.memory_space<vmem_shared>>)
        tpu.yield
      }) : () -> ()
      %dma_wait3A_185 = arith.constant 0 : i32
      %dma_wait3A_186 = arith.constant 0 : i32
      %dma_wait3A_187 = tpu.memref_slice %arg2[%dma_wait3A_185, %dma_wait3A_186] : memref<10000x128xf32, #tpu.memory_space<hbm>> -> memref<10000x128xf32, #tpu.memory_space<hbm>>
      tpu.wait_indirect_dma semaphore(%arg17 : memref<!tpu.dma_semaphore, #tpu.memory_space<semaphore_mem>>) src(%dma_wait3A_187 : memref<10000x128xf32, #tpu.memory_space<hbm>>) dst(%arg14 : memref<80x128xf32, #tpu.memory_space<vmem>>)
      %add3A_188 = arith.constant 2 : i32
      %add3A_189 = arith.addi %mul3A_85, %add3A_188 : i32
      %mul3A_190 = arith.constant 80 : i32
      %mul3A_191 = arith.muli %add3A_189, %mul3A_190 : i32
      %add3A_192 = arith.constant 0 : i32
      %add3A_193 = arith.addi %mul3A_191, %add3A_192 : i32
      %get3A_194 = arith.index_cast %add3A_193 : i32 to index
      %get3A_195 = tpu.vector_load %arg11[%get3A_194] {strides = array<i32>} : memref<10000xi32, #tpu.memory_space<vmem>>, vector<16xi32>,
      %get3A_196 = vector.shape_cast %get3A_195 : vector<16xi32> to vector<16xi32>
      %swap3A_197 = arith.constant 0 : index
      %swap3A_198 = tpu.vector_load %arg7[%swap3A_197] {strides = array<i32>} : memref<80xi32, #tpu.memory_space<vmem>>, vector<16xi32>,
      %swap3A_199 = vector.shape_cast %swap3A_198 : vector<16xi32> to vector<16xi32>
      %swap3A_200 = vector.shape_cast %get3A_196 : vector<16xi32> to vector<16xi32>
      tpu.vector_store %arg7[%swap3A_197], %swap3A_200 {strides = array<i32>} : memref<80xi32, #tpu.memory_space<vmem>>, vector<16xi32>,
      %add3A_201 = arith.constant 16 : i32
      %add3A_202 = arith.addi %mul3A_191, %add3A_201 : i32
      %get3A_203 = arith.index_cast %add3A_202 : i32 to index
      %get3A_204 = tpu.vector_load %arg11[%get3A_203] {strides = array<i32>} : memref<10000xi32, #tpu.memory_space<vmem>>, vector<16xi32>,
      %get3A_205 = vector.shape_cast %get3A_204 : vector<16xi32> to vector<16xi32>
      %swap3A_206 = arith.constant 16 : index
      %swap3A_207 = tpu.vector_load %arg7[%swap3A_206] {strides = array<i32>} : memref<80xi32, #tpu.memory_space<vmem>>, vector<16xi32>,
      %swap3A_208 = vector.shape_cast %swap3A_207 : vector<16xi32> to vector<16xi32>
      %swap3A_209 = vector.shape_cast %get3A_205 : vector<16xi32> to vector<16xi32>
      tpu.vector_store %arg7[%swap3A_206], %swap3A_209 {strides = array<i32>} : memref<80xi32, #tpu.memory_space<vmem>>, vector<16xi32>,
      %add3A_210 = arith.constant 32 : i32
      %add3A_211 = arith.addi %mul3A_191, %add3A_210 : i32
      %get3A_212 = arith.index_cast %add3A_211 : i32 to index
      %get3A_213 = tpu.vector_load %arg11[%get3A_212] {strides = array<i32>} : memref<10000xi32, #tpu.memory_space<vmem>>, vector<16xi32>,
      %get3A_214 = vector.shape_cast %get3A_213 : vector<16xi32> to vector<16xi32>
      %swap3A_215 = arith.constant 32 : index
      %swap3A_216 = tpu.vector_load %arg7[%swap3A_215] {strides = array<i32>} : memref<80xi32, #tpu.memory_space<vmem>>, vector<16xi32>,
      %swap3A_217 = vector.shape_cast %swap3A_216 : vector<16xi32> to vector<16xi32>
      %swap3A_218 = vector.shape_cast %get3A_214 : vector<16xi32> to vector<16xi32>
      tpu.vector_store %arg7[%swap3A_215], %swap3A_218 {strides = array<i32>} : memref<80xi32, #tpu.memory_space<vmem>>, vector<16xi32>,
      %add3A_219 = arith.constant 48 : i32
      %add3A_220 = arith.addi %mul3A_191, %add3A_219 : i32
      %get3A_221 = arith.index_cast %add3A_220 : i32 to index
      %get3A_222 = tpu.vector_load %arg11[%get3A_221] {strides = array<i32>} : memref<10000xi32, #tpu.memory_space<vmem>>, vector<16xi32>,
      %get3A_223 = vector.shape_cast %get3A_222 : vector<16xi32> to vector<16xi32>
      %swap3A_224 = arith.constant 48 : index
      %swap3A_225 = tpu.vector_load %arg7[%swap3A_224] {strides = array<i32>} : memref<80xi32, #tpu.memory_space<vmem>>, vector<16xi32>,
      %swap3A_226 = vector.shape_cast %swap3A_225 : vector<16xi32> to vector<16xi32>
      %swap3A_227 = vector.shape_cast %get3A_223 : vector<16xi32> to vector<16xi32>
      tpu.vector_store %arg7[%swap3A_224], %swap3A_227 {strides = array<i32>} : memref<80xi32, #tpu.memory_space<vmem>>, vector<16xi32>,
      %add3A_228 = arith.constant 64 : i32
      %add3A_229 = arith.addi %mul3A_191, %add3A_228 : i32
      %get3A_230 = arith.index_cast %add3A_229 : i32 to index
      %get3A_231 = tpu.vector_load %arg11[%get3A_230] {strides = array<i32>} : memref<10000xi32, #tpu.memory_space<vmem>>, vector<16xi32>,
      %get3A_232 = vector.shape_cast %get3A_231 : vector<16xi32> to vector<16xi32>
      %swap3A_233 = arith.constant 64 : index
      %swap3A_234 = tpu.vector_load %arg7[%swap3A_233] {strides = array<i32>} : memref<80xi32, #tpu.memory_space<vmem>>, vector<16xi32>,
      %swap3A_235 = vector.shape_cast %swap3A_234 : vector<16xi32> to vector<16xi32>
      %swap3A_236 = vector.shape_cast %get3A_232 : vector<16xi32> to vector<16xi32>
      tpu.vector_store %arg7[%swap3A_233], %swap3A_236 {strides = array<i32>} : memref<80xi32, #tpu.memory_space<vmem>>, vector<16xi32>,
      %mul3A_237 = arith.constant 80 : i32
      %mul3A_238 = arith.muli %add3A_189, %mul3A_237 : i32
      %add3A_239 = arith.constant 0 : i32
      %add3A_240 = arith.addi %mul3A_238, %add3A_239 : i32
      %get3A_241 = arith.index_cast %add3A_240 : i32 to index
      %get3A_242 = tpu.vector_load %arg12[%get3A_241] {strides = array<i32>} : memref<10000xi32, #tpu.memory_space<vmem>>, vector<16xi32>,
      %get3A_243 = vector.shape_cast %get3A_242 : vector<16xi32> to vector<16xi32>
      %swap3A_244 = arith.constant 0 : index
      %swap3A_245 = tpu.vector_load %arg8[%swap3A_244] {strides = array<i32>} : memref<80xi32, #tpu.memory_space<vmem>>, vector<16xi32>,
      %swap3A_246 = vector.shape_cast %swap3A_245 : vector<16xi32> to vector<16xi32>
      %swap3A_247 = vector.shape_cast %get3A_243 : vector<16xi32> to vector<16xi32>
      tpu.vector_store %arg8[%swap3A_244], %swap3A_247 {strides = array<i32>} : memref<80xi32, #tpu.memory_space<vmem>>, vector<16xi32>,
      %add3A_248 = arith.constant 16 : i32
      %add3A_249 = arith.addi %mul3A_238, %add3A_248 : i32
      %get3A_250 = arith.index_cast %add3A_249 : i32 to index
      %get3A_251 = tpu.vector_load %arg12[%get3A_250] {strides = array<i32>} : memref<10000xi32, #tpu.memory_space<vmem>>, vector<16xi32>,
      %get3A_252 = vector.shape_cast %get3A_251 : vector<16xi32> to vector<16xi32>
      %swap3A_253 = arith.constant 16 : index
      %swap3A_254 = tpu.vector_load %arg8[%swap3A_253] {strides = array<i32>} : memref<80xi32, #tpu.memory_space<vmem>>, vector<16xi32>,
      %swap3A_255 = vector.shape_cast %swap3A_254 : vector<16xi32> to vector<16xi32>
      %swap3A_256 = vector.shape_cast %get3A_252 : vector<16xi32> to vector<16xi32>
      tpu.vector_store %arg8[%swap3A_253], %swap3A_256 {strides = array<i32>} : memref<80xi32, #tpu.memory_space<vmem>>, vector<16xi32>,
      %add3A_257 = arith.constant 32 : i32
      %add3A_258 = arith.addi %mul3A_238, %add3A_257 : i32
      %get3A_259 = arith.index_cast %add3A_258 : i32 to index
      %get3A_260 = tpu.vector_load %arg12[%get3A_259] {strides = array<i32>} : memref<10000xi32, #tpu.memory_space<vmem>>, vector<16xi32>,
      %get3A_261 = vector.shape_cast %get3A_260 : vector<16xi32> to vector<16xi32>
      %swap3A_262 = arith.constant 32 : index
      %swap3A_263 = tpu.vector_load %arg8[%swap3A_262] {strides = array<i32>} : memref<80xi32, #tpu.memory_space<vmem>>, vector<16xi32>,
      %swap3A_264 = vector.shape_cast %swap3A_263 : vector<16xi32> to vector<16xi32>
      %swap3A_265 = vector.shape_cast %get3A_261 : vector<16xi32> to vector<16xi32>
      tpu.vector_store %arg8[%swap3A_262], %swap3A_265 {strides = array<i32>} : memref<80xi32, #tpu.memory_space<vmem>>, vector<16xi32>,
      %add3A_266 = arith.constant 48 : i32
      %add3A_267 = arith.addi %mul3A_238, %add3A_266 : i32
      %get3A_268 = arith.index_cast %add3A_267 : i32 to index
      %get3A_269 = tpu.vector_load %arg12[%get3A_268] {strides = array<i32>} : memref<10000xi32, #tpu.memory_space<vmem>>, vector<16xi32>,
      %get3A_270 = vector.shape_cast %get3A_269 : vector<16xi32> to vector<16xi32>
      %swap3A_271 = arith.constant 48 : index
      %swap3A_272 = tpu.vector_load %arg8[%swap3A_271] {strides = array<i32>} : memref<80xi32, #tpu.memory_space<vmem>>, vector<16xi32>,
      %swap3A_273 = vector.shape_cast %swap3A_272 : vector<16xi32> to vector<16xi32>
      %swap3A_274 = vector.shape_cast %get3A_270 : vector<16xi32> to vector<16xi32>
      tpu.vector_store %arg8[%swap3A_271], %swap3A_274 {strides = array<i32>} : memref<80xi32, #tpu.memory_space<vmem>>, vector<16xi32>,
      %add3A_275 = arith.constant 64 : i32
      %add3A_276 = arith.addi %mul3A_238, %add3A_275 : i32
      %get3A_277 = arith.index_cast %add3A_276 : i32 to index
      %get3A_278 = tpu.vector_load %arg12[%get3A_277] {strides = array<i32>} : memref<10000xi32, #tpu.memory_space<vmem>>, vector<16xi32>,
      %get3A_279 = vector.shape_cast %get3A_278 : vector<16xi32> to vector<16xi32>
      %swap3A_280 = arith.constant 64 : index
      %swap3A_281 = tpu.vector_load %arg8[%swap3A_280] {strides = array<i32>} : memref<80xi32, #tpu.memory_space<vmem>>, vector<16xi32>,
      %swap3A_282 = vector.shape_cast %swap3A_281 : vector<16xi32> to vector<16xi32>
      %swap3A_283 = vector.shape_cast %get3A_279 : vector<16xi32> to vector<16xi32>
      tpu.vector_store %arg8[%swap3A_280], %swap3A_283 {strides = array<i32>} : memref<80xi32, #tpu.memory_space<vmem>>, vector<16xi32>,
      %dma_start3A_284 = arith.constant 0 : i32
      %dma_start3A_285 = arith.constant 0 : i32
      %dma_start3A_286 = tpu.memref_slice %arg2[%dma_start3A_284, %dma_start3A_285] : memref<10000x128xf32, #tpu.memory_space<hbm>> -> memref<10000x128xf32, #tpu.memory_space<hbm>>
      tpu.enqueue_indirect_dma source(%dma_start3A_286 : memref<10000x128xf32, #tpu.memory_space<hbm>>) target(%arg13 : memref<80x128xf32, #tpu.memory_space<vmem>>) offsets(%arg7 : memref<80xi32, #tpu.memory_space<vmem>>) semaphore(%arg16 : memref<!tpu.dma_semaphore, #tpu.memory_space<semaphore_mem>>)
      "tpu.region"() ({
        %run_scoped3A = tpu.sem_alloc : memref<!tpu.dma_semaphore, #tpu.memory_space<semaphore_mem>>
        %dma_start3A_290 = arith.constant 0 : i32
        %dma_start3A_291 = arith.constant 0 : i32
        %dma_start3A_292 = tpu.memref_slice %arg15[%dma_start3A_290, %dma_start3A_291] : memref<10240x128xf32, #tpu.memory_space<vmem_shared>> -> memref<10240x128xf32, #tpu.memory_space<vmem_shared>>
        tpu.enqueue_indirect_dma source(%arg14 : memref<80x128xf32, #tpu.memory_space<vmem>>) target(%dma_start3A_292 : memref<10240x128xf32, #tpu.memory_space<vmem_shared>>) offsets(%arg10 : memref<80xi32, #tpu.memory_space<vmem>>) semaphore(%run_scoped3A : memref<!tpu.dma_semaphore, #tpu.memory_space<semaphore_mem>>) {add = true}
        %dma_wait3A_293 = arith.constant 0 : i32
        %dma_wait3A_294 = arith.constant 0 : i32
        %dma_wait3A_295 = tpu.memref_slice %arg15[%dma_wait3A_293, %dma_wait3A_294] : memref<10240x128xf32, #tpu.memory_space<vmem_shared>> -> memref<10240x128xf32, #tpu.memory_space<vmem_shared>>
        tpu.wait_indirect_dma semaphore(%run_scoped3A : memref<!tpu.dma_semaphore, #tpu.memory_space<semaphore_mem>>) src(%arg14 : memref<80x128xf32, #tpu.memory_space<vmem>>) dst(%dma_wait3A_295 : memref<10240x128xf32, #tpu.memory_space<vmem_shared>>)
        tpu.yield
      }) : () -> ()
      %dma_wait3A_287 = arith.constant 0 : i32
      %dma_wait3A_288 = arith.constant 0 : i32
      %dma_wait3A_289 = tpu.memref_slice %arg2[%dma_wait3A_287, %dma_wait3A_288] : memref<10000x128xf32, #tpu.memory_space<hbm>> -> memref<10000x128xf32, #tpu.memory_space<hbm>>
      tpu.wait_indirect_dma semaphore(%arg16 : memref<!tpu.dma_semaphore, #tpu.memory_space<semaphore_mem>>) src(%dma_wait3A_289 : memref<10000x128xf32, #tpu.memory_space<hbm>>) dst(%arg13 : memref<80x128xf32, #tpu.memory_space<vmem>>)
    }
    %scan3A_81 = arith.constant 62 : i32
    "tpu.region"() ({
      %run_scoped3A = tpu.sem_alloc : memref<!tpu.dma_semaphore, #tpu.memory_space<semaphore_mem>>
      %dma_start3A_83 = arith.constant 0 : i32
      %dma_start3A_84 = arith.constant 0 : i32
      %dma_start3A_85 = tpu.memref_slice %arg15[%dma_start3A_83, %dma_start3A_84] : memref<10240x128xf32, #tpu.memory_space<vmem_shared>> -> memref<10240x128xf32, #tpu.memory_space<vmem_shared>>
      tpu.enqueue_indirect_dma source(%arg13 : memref<80x128xf32, #tpu.memory_space<vmem>>) target(%dma_start3A_85 : memref<10240x128xf32, #tpu.memory_space<vmem_shared>>) offsets(%arg8 : memref<80xi32, #tpu.memory_space<vmem>>) semaphore(%run_scoped3A : memref<!tpu.dma_semaphore, #tpu.memory_space<semaphore_mem>>) {add = true}
      %dma_wait3A_86 = arith.constant 0 : i32
      %dma_wait3A_87 = arith.constant 0 : i32
      %dma_wait3A_88 = tpu.memref_slice %arg15[%dma_wait3A_86, %dma_wait3A_87] : memref<10240x128xf32, #tpu.memory_space<vmem_shared>> -> memref<10240x128xf32, #tpu.memory_space<vmem_shared>>
      tpu.wait_indirect_dma semaphore(%run_scoped3A : memref<!tpu.dma_semaphore, #tpu.memory_space<semaphore_mem>>) src(%arg13 : memref<80x128xf32, #tpu.memory_space<vmem>>) dst(%dma_wait3A_88 : memref<10240x128xf32, #tpu.memory_space<vmem_shared>>)
      tpu.yield
    }) : () -> ()
    %barrier3A_82 = arith.constant 0 : index
    tpu.barrier barrier_id(%barrier3A_82)
    "tpu.region"() ({
      %run_scoped3A = tpu.sem_alloc : memref<!tpu.dma_semaphore, #tpu.memory_space<semaphore_mem>>
      %dma_start3A_83 = arith.constant 0 : i32
      %dma_start3A_84 = tpu.memref_slice %arg6[%arg0, %mul3A_0, %dma_start3A_83] : memref<2x10240x128xf32, #tpu.memory_space<hbm>> -> memref<1x640x128xf32, #tpu.memory_space<hbm>>
      %dma_start3A_85 = tpu.memref_squeeze %dma_start3A_84 : memref<1x640x128xf32, #tpu.memory_space<hbm>> -> memref<640x128xf32, #tpu.memory_space<hbm>>
      %dma_start3A_86 = arith.constant 0 : i32
      %dma_start3A_87 = tpu.memref_slice %arg15[%mul3A_0, %dma_start3A_86] : memref<10240x128xf32, #tpu.memory_space<vmem_shared>> -> memref<640x128xf32, #tpu.memory_space<vmem_shared>>
      tpu.enqueue_dma source(%dma_start3A_87 : memref<640x128xf32, #tpu.memory_space<vmem_shared>>) target(%dma_start3A_85 : memref<640x128xf32, #tpu.memory_space<hbm>>) target_semaphore(%run_scoped3A : memref<!tpu.dma_semaphore, #tpu.memory_space<semaphore_mem>>)
      %dma_wait3A_88 = arith.constant 0 : i32
      %dma_wait3A_89 = tpu.memref_slice %arg6[%arg0, %mul3A_0, %dma_wait3A_88] : memref<2x10240x128xf32, #tpu.memory_space<hbm>> -> memref<1x640x128xf32, #tpu.memory_space<hbm>>
      %dma_wait3A_90 = tpu.memref_squeeze %dma_wait3A_89 : memref<1x640x128xf32, #tpu.memory_space<hbm>> -> memref<640x128xf32, #tpu.memory_space<hbm>>
      %dma_wait3A_91 = arith.constant 0 : i32
      %dma_wait3A_92 = tpu.memref_slice %arg15[%mul3A_0, %dma_wait3A_91] : memref<10240x128xf32, #tpu.memory_space<vmem_shared>> -> memref<640x128xf32, #tpu.memory_space<vmem_shared>>
      tpu.wait_dma2 semaphore(%run_scoped3A : memref<!tpu.dma_semaphore, #tpu.memory_space<semaphore_mem>>) src(%dma_wait3A_92 : memref<640x128xf32, #tpu.memory_space<vmem_shared>>) dst(%dma_wait3A_90 : memref<640x128xf32, #tpu.memory_space<hbm>>)
      tpu.yield
    }) : () -> ()
    return
  }
}

#map = affine_map<(d0, d1) -> (0)>
#map1 = affine_map<(d0, d1) -> (0, 0)>
#map2 = affine_map<(d0, d1) -> (0, 0, 0)>
module attributes {stable_mosaic.version = 14 : i64} {
  func.func @_sc_deg(%arg0: i32, %arg1: i32, %arg2: memref<320000xi32, #tpu.memory_space<hbm>>, %arg3: memref<10240x128xf32, #tpu.memory_space<hbm>>, %arg4: memref<80x128xf32, #tpu.memory_space<hbm>>, %arg5: memref<2x10240x128xf32, #tpu.memory_space<hbm>>, %arg6: memref<80xi32, #tpu.memory_space<vmem>>, %arg7: memref<80xi32, #tpu.memory_space<vmem>>, %arg8: memref<10000xi32, #tpu.memory_space<vmem>>, %arg9: memref<80x128xf32, #tpu.memory_space<vmem>>, %arg10: memref<10240x128xf32, #tpu.memory_space<vmem_shared>>, %arg11: memref<!tpu.dma_semaphore, #tpu.memory_space<semaphore_mem>>, %arg12: memref<!tpu.dma_semaphore, #tpu.memory_space<semaphore_mem>>) attributes {dimension_semantics = [#tpu.dimension_semantics<core_parallel>, #tpu.dimension_semantics<subcore_parallel>], iteration_bounds = array<i64: 2, 16>, scalar_prefetch = 0 : i64, scratch_operands = 7 : i64, tpu.core_type = #tpu.core_type<sc_vector_subcore>, window_params = [{transform_indices = #map}, {transform_indices = #map1}, {transform_indices = #map1}, {transform_indices = #map2}]} {
    %mul3A = arith.constant 640 : i32
    %mul3A_0 = arith.muli %arg1, %mul3A : i32
    "tpu.region"() ({
      %run_scoped3A = tpu.sem_alloc : memref<!tpu.dma_semaphore, #tpu.memory_space<semaphore_mem>>
      %dma_start3A = arith.constant 0 : i32
      %dma_start3A_44 = tpu.memref_slice %arg10[%mul3A_0, %dma_start3A] : memref<10240x128xf32, #tpu.memory_space<vmem_shared>> -> memref<640x128xf32, #tpu.memory_space<vmem_shared>>
      %dma_start3A_45 = arith.constant 0 : i32
      %dma_start3A_46 = tpu.memref_slice %arg3[%mul3A_0, %dma_start3A_45] : memref<10240x128xf32, #tpu.memory_space<hbm>> -> memref<640x128xf32, #tpu.memory_space<hbm>>
      tpu.enqueue_dma source(%dma_start3A_46 : memref<640x128xf32, #tpu.memory_space<hbm>>) target(%dma_start3A_44 : memref<640x128xf32, #tpu.memory_space<vmem_shared>>) target_semaphore(%run_scoped3A : memref<!tpu.dma_semaphore, #tpu.memory_space<semaphore_mem>>)
      %dma_wait3A = arith.constant 0 : i32
      %dma_wait3A_47 = tpu.memref_slice %arg10[%mul3A_0, %dma_wait3A] : memref<10240x128xf32, #tpu.memory_space<vmem_shared>> -> memref<640x128xf32, #tpu.memory_space<vmem_shared>>
      %dma_wait3A_48 = arith.constant 0 : i32
      %dma_wait3A_49 = tpu.memref_slice %arg3[%mul3A_0, %dma_wait3A_48] : memref<10240x128xf32, #tpu.memory_space<hbm>> -> memref<640x128xf32, #tpu.memory_space<hbm>>
      tpu.wait_dma2 semaphore(%run_scoped3A : memref<!tpu.dma_semaphore, #tpu.memory_space<semaphore_mem>>) src(%dma_wait3A_49 : memref<640x128xf32, #tpu.memory_space<hbm>>) dst(%dma_wait3A_47 : memref<640x128xf32, #tpu.memory_space<vmem_shared>>)
      tpu.yield
    }) : () -> ()
    "tpu.region"() ({
      %run_scoped3A = tpu.sem_alloc : memref<!tpu.dma_semaphore, #tpu.memory_space<semaphore_mem>>
      tpu.enqueue_dma source(%arg4 : memref<80x128xf32, #tpu.memory_space<hbm>>) target(%arg9 : memref<80x128xf32, #tpu.memory_space<vmem>>) target_semaphore(%run_scoped3A : memref<!tpu.dma_semaphore, #tpu.memory_space<semaphore_mem>>)
      tpu.wait_dma2 semaphore(%run_scoped3A : memref<!tpu.dma_semaphore, #tpu.memory_space<semaphore_mem>>) src(%arg4 : memref<80x128xf32, #tpu.memory_space<hbm>>) dst(%arg9 : memref<80x128xf32, #tpu.memory_space<vmem>>)
      tpu.yield
    }) : () -> ()
    %mul3A_1 = arith.constant 16 : i32
    %mul3A_2 = arith.muli %arg0, %mul3A_1 : i32
    %add3A = arith.addi %mul3A_2, %arg1 : i32
    %mul3A_3 = arith.constant 10000 : i32
    %mul3A_4 = arith.muli %add3A, %mul3A_3 : i32
    "tpu.region"() ({
      %run_scoped3A = tpu.sem_alloc : memref<!tpu.dma_semaphore, #tpu.memory_space<semaphore_mem>>
      %dma_start3A = tpu.memref_slice %arg2[%mul3A_4] : memref<320000xi32, #tpu.memory_space<hbm>> -> memref<10000xi32, #tpu.memory_space<hbm>>
      %dma_start3A_44 = tpu.memref_slice %arg2[%mul3A_4] : memref<320000xi32, #tpu.memory_space<hbm>> -> memref<10000xi32, #tpu.memory_space<hbm>>
      tpu.enqueue_dma source(%dma_start3A_44 : memref<10000xi32, #tpu.memory_space<hbm>>) target(%arg8 : memref<10000xi32, #tpu.memory_space<vmem>>) target_semaphore(%run_scoped3A : memref<!tpu.dma_semaphore, #tpu.memory_space<semaphore_mem>>)
      %dma_wait3A = tpu.memref_slice %arg2[%mul3A_4] : memref<320000xi32, #tpu.memory_space<hbm>> -> memref<10000xi32, #tpu.memory_space<hbm>>
      %dma_wait3A_45 = tpu.memref_slice %arg2[%mul3A_4] : memref<320000xi32, #tpu.memory_space<hbm>> -> memref<10000xi32, #tpu.memory_space<hbm>>
      tpu.wait_dma2 semaphore(%run_scoped3A : memref<!tpu.dma_semaphore, #tpu.memory_space<semaphore_mem>>) src(%dma_wait3A_45 : memref<10000xi32, #tpu.memory_space<hbm>>) dst(%arg8 : memref<10000xi32, #tpu.memory_space<vmem>>)
      tpu.yield
    }) : () -> ()
    %barrier3A = arith.constant 0 : index
    tpu.barrier barrier_id(%barrier3A)
    %scan3A = arith.constant 0 : i32
    %scan3A_5 = arith.constant 0 : i32
    %scan3A_6 = arith.constant 62 : i32
    %scan3A_7 = arith.addi %scan3A_5, %scan3A_6 : i32
    %scan3A_8 = arith.constant 1 : i32
    scf.for %scan3A_44 = %scan3A_5 to %scan3A_7 step %scan3A_8  : i32 {
      %mul3A_45 = arith.constant 2 : i32
      %mul3A_46 = arith.muli %mul3A_45, %scan3A_44 : i32
      %mul3A_47 = arith.constant 80 : i32
      %mul3A_48 = arith.muli %mul3A_46, %mul3A_47 : i32
      %add3A_49 = arith.constant 0 : i32
      %add3A_50 = arith.addi %mul3A_48, %add3A_49 : i32
      %get3A_51 = arith.index_cast %add3A_50 : i32 to index
      %get3A_52 = tpu.vector_load %arg8[%get3A_51] {strides = array<i32>} : memref<10000xi32, #tpu.memory_space<vmem>>, vector<16xi32>,
      %get3A_53 = vector.shape_cast %get3A_52 : vector<16xi32> to vector<16xi32>
      %swap3A_54 = arith.constant 0 : index
      %swap3A_55 = tpu.vector_load %arg6[%swap3A_54] {strides = array<i32>} : memref<80xi32, #tpu.memory_space<vmem>>, vector<16xi32>,
      %swap3A_56 = vector.shape_cast %swap3A_55 : vector<16xi32> to vector<16xi32>
      %swap3A_57 = vector.shape_cast %get3A_53 : vector<16xi32> to vector<16xi32>
      tpu.vector_store %arg6[%swap3A_54], %swap3A_57 {strides = array<i32>} : memref<80xi32, #tpu.memory_space<vmem>>, vector<16xi32>,
      %add3A_58 = arith.constant 16 : i32
      %add3A_59 = arith.addi %mul3A_48, %add3A_58 : i32
      %get3A_60 = arith.index_cast %add3A_59 : i32 to index
      %get3A_61 = tpu.vector_load %arg8[%get3A_60] {strides = array<i32>} : memref<10000xi32, #tpu.memory_space<vmem>>, vector<16xi32>,
      %get3A_62 = vector.shape_cast %get3A_61 : vector<16xi32> to vector<16xi32>
      %swap3A_63 = arith.constant 16 : index
      %swap3A_64 = tpu.vector_load %arg6[%swap3A_63] {strides = array<i32>} : memref<80xi32, #tpu.memory_space<vmem>>, vector<16xi32>,
      %swap3A_65 = vector.shape_cast %swap3A_64 : vector<16xi32> to vector<16xi32>
      %swap3A_66 = vector.shape_cast %get3A_62 : vector<16xi32> to vector<16xi32>
      tpu.vector_store %arg6[%swap3A_63], %swap3A_66 {strides = array<i32>} : memref<80xi32, #tpu.memory_space<vmem>>, vector<16xi32>,
      %add3A_67 = arith.constant 32 : i32
      %add3A_68 = arith.addi %mul3A_48, %add3A_67 : i32
      %get3A_69 = arith.index_cast %add3A_68 : i32 to index
      %get3A_70 = tpu.vector_load %arg8[%get3A_69] {strides = array<i32>} : memref<10000xi32, #tpu.memory_space<vmem>>, vector<16xi32>,
      %get3A_71 = vector.shape_cast %get3A_70 : vector<16xi32> to vector<16xi32>
      %swap3A_72 = arith.constant 32 : index
      %swap3A_73 = tpu.vector_load %arg6[%swap3A_72] {strides = array<i32>} : memref<80xi32, #tpu.memory_space<vmem>>, vector<16xi32>,
      %swap3A_74 = vector.shape_cast %swap3A_73 : vector<16xi32> to vector<16xi32>
      %swap3A_75 = vector.shape_cast %get3A_71 : vector<16xi32> to vector<16xi32>
      tpu.vector_store %arg6[%swap3A_72], %swap3A_75 {strides = array<i32>} : memref<80xi32, #tpu.memory_space<vmem>>, vector<16xi32>,
      %add3A_76 = arith.constant 48 : i32
      %add3A_77 = arith.addi %mul3A_48, %add3A_76 : i32
      %get3A_78 = arith.index_cast %add3A_77 : i32 to index
      %get3A_79 = tpu.vector_load %arg8[%get3A_78] {strides = array<i32>} : memref<10000xi32, #tpu.memory_space<vmem>>, vector<16xi32>,
      %get3A_80 = vector.shape_cast %get3A_79 : vector<16xi32> to vector<16xi32>
      %swap3A_81 = arith.constant 48 : index
      %swap3A_82 = tpu.vector_load %arg6[%swap3A_81] {strides = array<i32>} : memref<80xi32, #tpu.memory_space<vmem>>, vector<16xi32>,
      %swap3A_83 = vector.shape_cast %swap3A_82 : vector<16xi32> to vector<16xi32>
      %swap3A_84 = vector.shape_cast %get3A_80 : vector<16xi32> to vector<16xi32>
      tpu.vector_store %arg6[%swap3A_81], %swap3A_84 {strides = array<i32>} : memref<80xi32, #tpu.memory_space<vmem>>, vector<16xi32>,
      %add3A_85 = arith.constant 64 : i32
      %add3A_86 = arith.addi %mul3A_48, %add3A_85 : i32
      %get3A_87 = arith.index_cast %add3A_86 : i32 to index
      %get3A_88 = tpu.vector_load %arg8[%get3A_87] {strides = array<i32>} : memref<10000xi32, #tpu.memory_space<vmem>>, vector<16xi32>,
      %get3A_89 = vector.shape_cast %get3A_88 : vector<16xi32> to vector<16xi32>
      %swap3A_90 = arith.constant 64 : index
      %swap3A_91 = tpu.vector_load %arg6[%swap3A_90] {strides = array<i32>} : memref<80xi32, #tpu.memory_space<vmem>>, vector<16xi32>,
      %swap3A_92 = vector.shape_cast %swap3A_91 : vector<16xi32> to vector<16xi32>
      %swap3A_93 = vector.shape_cast %get3A_89 : vector<16xi32> to vector<16xi32>
      tpu.vector_store %arg6[%swap3A_90], %swap3A_93 {strides = array<i32>} : memref<80xi32, #tpu.memory_space<vmem>>, vector<16xi32>,
      %dma_start3A = arith.constant 0 : i32
      %dma_start3A_94 = arith.constant 0 : i32
      %dma_start3A_95 = tpu.memref_slice %arg10[%dma_start3A, %dma_start3A_94] : memref<10240x128xf32, #tpu.memory_space<vmem_shared>> -> memref<10240x128xf32, #tpu.memory_space<vmem_shared>>
      tpu.enqueue_indirect_dma source(%arg9 : memref<80x128xf32, #tpu.memory_space<vmem>>) target(%dma_start3A_95 : memref<10240x128xf32, #tpu.memory_space<vmem_shared>>) offsets(%arg6 : memref<80xi32, #tpu.memory_space<vmem>>) semaphore(%arg11 : memref<!tpu.dma_semaphore, #tpu.memory_space<semaphore_mem>>) {add = true}
      %add3A_96 = arith.constant 1 : i32
      %add3A_97 = arith.addi %mul3A_46, %add3A_96 : i32
      %mul3A_98 = arith.constant 80 : i32
      %mul3A_99 = arith.muli %add3A_97, %mul3A_98 : i32
      %add3A_100 = arith.constant 0 : i32
      %add3A_101 = arith.addi %mul3A_99, %add3A_100 : i32
      %get3A_102 = arith.index_cast %add3A_101 : i32 to index
      %get3A_103 = tpu.vector_load %arg8[%get3A_102] {strides = array<i32>} : memref<10000xi32, #tpu.memory_space<vmem>>, vector<16xi32>,
      %get3A_104 = vector.shape_cast %get3A_103 : vector<16xi32> to vector<16xi32>
      %swap3A_105 = arith.constant 0 : index
      %swap3A_106 = tpu.vector_load %arg7[%swap3A_105] {strides = array<i32>} : memref<80xi32, #tpu.memory_space<vmem>>, vector<16xi32>,
      %swap3A_107 = vector.shape_cast %swap3A_106 : vector<16xi32> to vector<16xi32>
      %swap3A_108 = vector.shape_cast %get3A_104 : vector<16xi32> to vector<16xi32>
      tpu.vector_store %arg7[%swap3A_105], %swap3A_108 {strides = array<i32>} : memref<80xi32, #tpu.memory_space<vmem>>, vector<16xi32>,
      %add3A_109 = arith.constant 16 : i32
      %add3A_110 = arith.addi %mul3A_99, %add3A_109 : i32
      %get3A_111 = arith.index_cast %add3A_110 : i32 to index
      %get3A_112 = tpu.vector_load %arg8[%get3A_111] {strides = array<i32>} : memref<10000xi32, #tpu.memory_space<vmem>>, vector<16xi32>,
      %get3A_113 = vector.shape_cast %get3A_112 : vector<16xi32> to vector<16xi32>
      %swap3A_114 = arith.constant 16 : index
      %swap3A_115 = tpu.vector_load %arg7[%swap3A_114] {strides = array<i32>} : memref<80xi32, #tpu.memory_space<vmem>>, vector<16xi32>,
      %swap3A_116 = vector.shape_cast %swap3A_115 : vector<16xi32> to vector<16xi32>
      %swap3A_117 = vector.shape_cast %get3A_113 : vector<16xi32> to vector<16xi32>
      tpu.vector_store %arg7[%swap3A_114], %swap3A_117 {strides = array<i32>} : memref<80xi32, #tpu.memory_space<vmem>>, vector<16xi32>,
      %add3A_118 = arith.constant 32 : i32
      %add3A_119 = arith.addi %mul3A_99, %add3A_118 : i32
      %get3A_120 = arith.index_cast %add3A_119 : i32 to index
      %get3A_121 = tpu.vector_load %arg8[%get3A_120] {strides = array<i32>} : memref<10000xi32, #tpu.memory_space<vmem>>, vector<16xi32>,
      %get3A_122 = vector.shape_cast %get3A_121 : vector<16xi32> to vector<16xi32>
      %swap3A_123 = arith.constant 32 : index
      %swap3A_124 = tpu.vector_load %arg7[%swap3A_123] {strides = array<i32>} : memref<80xi32, #tpu.memory_space<vmem>>, vector<16xi32>,
      %swap3A_125 = vector.shape_cast %swap3A_124 : vector<16xi32> to vector<16xi32>
      %swap3A_126 = vector.shape_cast %get3A_122 : vector<16xi32> to vector<16xi32>
      tpu.vector_store %arg7[%swap3A_123], %swap3A_126 {strides = array<i32>} : memref<80xi32, #tpu.memory_space<vmem>>, vector<16xi32>,
      %add3A_127 = arith.constant 48 : i32
      %add3A_128 = arith.addi %mul3A_99, %add3A_127 : i32
      %get3A_129 = arith.index_cast %add3A_128 : i32 to index
      %get3A_130 = tpu.vector_load %arg8[%get3A_129] {strides = array<i32>} : memref<10000xi32, #tpu.memory_space<vmem>>, vector<16xi32>,
      %get3A_131 = vector.shape_cast %get3A_130 : vector<16xi32> to vector<16xi32>
      %swap3A_132 = arith.constant 48 : index
      %swap3A_133 = tpu.vector_load %arg7[%swap3A_132] {strides = array<i32>} : memref<80xi32, #tpu.memory_space<vmem>>, vector<16xi32>,
      %swap3A_134 = vector.shape_cast %swap3A_133 : vector<16xi32> to vector<16xi32>
      %swap3A_135 = vector.shape_cast %get3A_131 : vector<16xi32> to vector<16xi32>
      tpu.vector_store %arg7[%swap3A_132], %swap3A_135 {strides = array<i32>} : memref<80xi32, #tpu.memory_space<vmem>>, vector<16xi32>,
      %add3A_136 = arith.constant 64 : i32
      %add3A_137 = arith.addi %mul3A_99, %add3A_136 : i32
      %get3A_138 = arith.index_cast %add3A_137 : i32 to index
      %get3A_139 = tpu.vector_load %arg8[%get3A_138] {strides = array<i32>} : memref<10000xi32, #tpu.memory_space<vmem>>, vector<16xi32>,
      %get3A_140 = vector.shape_cast %get3A_139 : vector<16xi32> to vector<16xi32>
      %swap3A_141 = arith.constant 64 : index
      %swap3A_142 = tpu.vector_load %arg7[%swap3A_141] {strides = array<i32>} : memref<80xi32, #tpu.memory_space<vmem>>, vector<16xi32>,
      %swap3A_143 = vector.shape_cast %swap3A_142 : vector<16xi32> to vector<16xi32>
      %swap3A_144 = vector.shape_cast %get3A_140 : vector<16xi32> to vector<16xi32>
      tpu.vector_store %arg7[%swap3A_141], %swap3A_144 {strides = array<i32>} : memref<80xi32, #tpu.memory_space<vmem>>, vector<16xi32>,
      %dma_start3A_145 = arith.constant 0 : i32
      %dma_start3A_146 = arith.constant 0 : i32
      %dma_start3A_147 = tpu.memref_slice %arg10[%dma_start3A_145, %dma_start3A_146] : memref<10240x128xf32, #tpu.memory_space<vmem_shared>> -> memref<10240x128xf32, #tpu.memory_space<vmem_shared>>
      tpu.enqueue_indirect_dma source(%arg9 : memref<80x128xf32, #tpu.memory_space<vmem>>) target(%dma_start3A_147 : memref<10240x128xf32, #tpu.memory_space<vmem_shared>>) offsets(%arg7 : memref<80xi32, #tpu.memory_space<vmem>>) semaphore(%arg12 : memref<!tpu.dma_semaphore, #tpu.memory_space<semaphore_mem>>) {add = true}
      %dma_wait3A = arith.constant 0 : i32
      %dma_wait3A_148 = arith.constant 0 : i32
      %dma_wait3A_149 = tpu.memref_slice %arg10[%dma_wait3A, %dma_wait3A_148] : memref<10240x128xf32, #tpu.memory_space<vmem_shared>> -> memref<10240x128xf32, #tpu.memory_space<vmem_shared>>
      tpu.wait_indirect_dma semaphore(%arg11 : memref<!tpu.dma_semaphore, #tpu.memory_space<semaphore_mem>>) src(%arg9 : memref<80x128xf32, #tpu.memory_space<vmem>>) dst(%dma_wait3A_149 : memref<10240x128xf32, #tpu.memory_space<vmem_shared>>)
      %dma_wait3A_150 = arith.constant 0 : i32
      %dma_wait3A_151 = arith.constant 0 : i32
      %dma_wait3A_152 = tpu.memref_slice %arg10[%dma_wait3A_150, %dma_wait3A_151] : memref<10240x128xf32, #tpu.memory_space<vmem_shared>> -> memref<10240x128xf32, #tpu.memory_space<vmem_shared>>
      tpu.wait_indirect_dma semaphore(%arg12 : memref<!tpu.dma_semaphore, #tpu.memory_space<semaphore_mem>>) src(%arg9 : memref<80x128xf32, #tpu.memory_space<vmem>>) dst(%dma_wait3A_152 : memref<10240x128xf32, #tpu.memory_space<vmem_shared>>)
    }
    %scan3A_9 = arith.constant 62 : i32
    %get3A = arith.constant 9920 : index
    %get3A_10 = tpu.vector_load %arg8[%get3A] {strides = array<i32>} : memref<10000xi32, #tpu.memory_space<vmem>>, vector<16xi32>,
    %get3A_11 = vector.shape_cast %get3A_10 : vector<16xi32> to vector<16xi32>
    %swap3A = arith.constant 0 : index
    %swap3A_12 = tpu.vector_load %arg6[%swap3A] {strides = array<i32>} : memref<80xi32, #tpu.memory_space<vmem>>, vector<16xi32>,
    %swap3A_13 = vector.shape_cast %swap3A_12 : vector<16xi32> to vector<16xi32>
    %swap3A_14 = vector.shape_cast %get3A_11 : vector<16xi32> to vector<16xi32>
    tpu.vector_store %arg6[%swap3A], %swap3A_14 {strides = array<i32>} : memref<80xi32, #tpu.memory_space<vmem>>, vector<16xi32>,
    %get3A_15 = arith.constant 9936 : index
    %get3A_16 = tpu.vector_load %arg8[%get3A_15] {strides = array<i32>} : memref<10000xi32, #tpu.memory_space<vmem>>, vector<16xi32>,
    %get3A_17 = vector.shape_cast %get3A_16 : vector<16xi32> to vector<16xi32>
    %swap3A_18 = arith.constant 16 : index
    %swap3A_19 = tpu.vector_load %arg6[%swap3A_18] {strides = array<i32>} : memref<80xi32, #tpu.memory_space<vmem>>, vector<16xi32>,
    %swap3A_20 = vector.shape_cast %swap3A_19 : vector<16xi32> to vector<16xi32>
    %swap3A_21 = vector.shape_cast %get3A_17 : vector<16xi32> to vector<16xi32>
    tpu.vector_store %arg6[%swap3A_18], %swap3A_21 {strides = array<i32>} : memref<80xi32, #tpu.memory_space<vmem>>, vector<16xi32>,
    %get3A_22 = arith.constant 9952 : index
    %get3A_23 = tpu.vector_load %arg8[%get3A_22] {strides = array<i32>} : memref<10000xi32, #tpu.memory_space<vmem>>, vector<16xi32>,
    %get3A_24 = vector.shape_cast %get3A_23 : vector<16xi32> to vector<16xi32>
    %swap3A_25 = arith.constant 32 : index
    %swap3A_26 = tpu.vector_load %arg6[%swap3A_25] {strides = array<i32>} : memref<80xi32, #tpu.memory_space<vmem>>, vector<16xi32>,
    %swap3A_27 = vector.shape_cast %swap3A_26 : vector<16xi32> to vector<16xi32>
    %swap3A_28 = vector.shape_cast %get3A_24 : vector<16xi32> to vector<16xi32>
    tpu.vector_store %arg6[%swap3A_25], %swap3A_28 {strides = array<i32>} : memref<80xi32, #tpu.memory_space<vmem>>, vector<16xi32>,
    %get3A_29 = arith.constant 9968 : index
    %get3A_30 = tpu.vector_load %arg8[%get3A_29] {strides = array<i32>} : memref<10000xi32, #tpu.memory_space<vmem>>, vector<16xi32>,
    %get3A_31 = vector.shape_cast %get3A_30 : vector<16xi32> to vector<16xi32>
    %swap3A_32 = arith.constant 48 : index
    %swap3A_33 = tpu.vector_load %arg6[%swap3A_32] {strides = array<i32>} : memref<80xi32, #tpu.memory_space<vmem>>, vector<16xi32>,
    %swap3A_34 = vector.shape_cast %swap3A_33 : vector<16xi32> to vector<16xi32>
    %swap3A_35 = vector.shape_cast %get3A_31 : vector<16xi32> to vector<16xi32>
    tpu.vector_store %arg6[%swap3A_32], %swap3A_35 {strides = array<i32>} : memref<80xi32, #tpu.memory_space<vmem>>, vector<16xi32>,
    %get3A_36 = arith.constant 9984 : index
    %get3A_37 = tpu.vector_load %arg8[%get3A_36] {strides = array<i32>} : memref<10000xi32, #tpu.memory_space<vmem>>, vector<16xi32>,
    %get3A_38 = vector.shape_cast %get3A_37 : vector<16xi32> to vector<16xi32>
    %swap3A_39 = arith.constant 64 : index
    %swap3A_40 = tpu.vector_load %arg6[%swap3A_39] {strides = array<i32>} : memref<80xi32, #tpu.memory_space<vmem>>, vector<16xi32>,
    %swap3A_41 = vector.shape_cast %swap3A_40 : vector<16xi32> to vector<16xi32>
    %swap3A_42 = vector.shape_cast %get3A_38 : vector<16xi32> to vector<16xi32>
    tpu.vector_store %arg6[%swap3A_39], %swap3A_42 {strides = array<i32>} : memref<80xi32, #tpu.memory_space<vmem>>, vector<16xi32>,
    "tpu.region"() ({
      %run_scoped3A = tpu.sem_alloc : memref<!tpu.dma_semaphore, #tpu.memory_space<semaphore_mem>>
      %dma_start3A = arith.constant 0 : i32
      %dma_start3A_44 = arith.constant 0 : i32
      %dma_start3A_45 = tpu.memref_slice %arg10[%dma_start3A, %dma_start3A_44] : memref<10240x128xf32, #tpu.memory_space<vmem_shared>> -> memref<10240x128xf32, #tpu.memory_space<vmem_shared>>
      tpu.enqueue_indirect_dma source(%arg9 : memref<80x128xf32, #tpu.memory_space<vmem>>) target(%dma_start3A_45 : memref<10240x128xf32, #tpu.memory_space<vmem_shared>>) offsets(%arg6 : memref<80xi32, #tpu.memory_space<vmem>>) semaphore(%run_scoped3A : memref<!tpu.dma_semaphore, #tpu.memory_space<semaphore_mem>>) {add = true}
      %dma_wait3A = arith.constant 0 : i32
      %dma_wait3A_46 = arith.constant 0 : i32
      %dma_wait3A_47 = tpu.memref_slice %arg10[%dma_wait3A, %dma_wait3A_46] : memref<10240x128xf32, #tpu.memory_space<vmem_shared>> -> memref<10240x128xf32, #tpu.memory_space<vmem_shared>>
      tpu.wait_indirect_dma semaphore(%run_scoped3A : memref<!tpu.dma_semaphore, #tpu.memory_space<semaphore_mem>>) src(%arg9 : memref<80x128xf32, #tpu.memory_space<vmem>>) dst(%dma_wait3A_47 : memref<10240x128xf32, #tpu.memory_space<vmem_shared>>)
      tpu.yield
    }) : () -> ()
    %barrier3A_43 = arith.constant 0 : index
    tpu.barrier barrier_id(%barrier3A_43)
    "tpu.region"() ({
      %run_scoped3A = tpu.sem_alloc : memref<!tpu.dma_semaphore, #tpu.memory_space<semaphore_mem>>
      %dma_start3A = arith.constant 0 : i32
      %dma_start3A_44 = tpu.memref_slice %arg5[%arg0, %mul3A_0, %dma_start3A] : memref<2x10240x128xf32, #tpu.memory_space<hbm>> -> memref<1x640x128xf32, #tpu.memory_space<hbm>>
      %dma_start3A_45 = tpu.memref_squeeze %dma_start3A_44 : memref<1x640x128xf32, #tpu.memory_space<hbm>> -> memref<640x128xf32, #tpu.memory_space<hbm>>
      %dma_start3A_46 = arith.constant 0 : i32
      %dma_start3A_47 = tpu.memref_slice %arg10[%mul3A_0, %dma_start3A_46] : memref<10240x128xf32, #tpu.memory_space<vmem_shared>> -> memref<640x128xf32, #tpu.memory_space<vmem_shared>>
      tpu.enqueue_dma source(%dma_start3A_47 : memref<640x128xf32, #tpu.memory_space<vmem_shared>>) target(%dma_start3A_45 : memref<640x128xf32, #tpu.memory_space<hbm>>) target_semaphore(%run_scoped3A : memref<!tpu.dma_semaphore, #tpu.memory_space<semaphore_mem>>)
      %dma_wait3A = arith.constant 0 : i32
      %dma_wait3A_48 = tpu.memref_slice %arg5[%arg0, %mul3A_0, %dma_wait3A] : memref<2x10240x128xf32, #tpu.memory_space<hbm>> -> memref<1x640x128xf32, #tpu.memory_space<hbm>>
      %dma_wait3A_49 = tpu.memref_squeeze %dma_wait3A_48 : memref<1x640x128xf32, #tpu.memory_space<hbm>> -> memref<640x128xf32, #tpu.memory_space<hbm>>
      %dma_wait3A_50 = arith.constant 0 : i32
      %dma_wait3A_51 = tpu.memref_slice %arg10[%mul3A_0, %dma_wait3A_50] : memref<10240x128xf32, #tpu.memory_space<vmem_shared>> -> memref<640x128xf32, #tpu.memory_space<vmem_shared>>
      tpu.wait_dma2 semaphore(%run_scoped3A : memref<!tpu.dma_semaphore, #tpu.memory_space<semaphore_mem>>) src(%dma_wait3A_51 : memref<640x128xf32, #tpu.memory_space<vmem_shared>>) dst(%dma_wait3A_49 : memref<640x128xf32, #tpu.memory_space<hbm>>)
      tpu.yield
    }) : () -> ()
    return
  }
}

#map = affine_map<(d0, d1) -> (0, 0)>
#map1 = affine_map<(d0, d1) -> (0)>
#map2 = affine_map<(d0, d1) -> (0, 0, 0)>
module attributes {stable_mosaic.version = 14 : i64} {
  func.func @_sc_agg(%arg0: i32, %arg1: i32, %arg2: memref<10000x128xf32, #tpu.memory_space<hbm>>, %arg3: memref<320000xi32, #tpu.memory_space<hbm>>, %arg4: memref<320000xi32, #tpu.memory_space<hbm>>, %arg5: memref<10240x128xf32, #tpu.memory_space<hbm>>, %arg6: memref<2x10240x128xf32, #tpu.memory_space<hbm>>, %arg7: memref<80xi32, #tpu.memory_space<vmem>>, %arg8: memref<80xi32, #tpu.memory_space<vmem>>, %arg9: memref<80xi32, #tpu.memory_space<vmem>>, %arg10: memref<80xi32, #tpu.memory_space<vmem>>, %arg11: memref<10000xi32, #tpu.memory_space<vmem>>, %arg12: memref<10000xi32, #tpu.memory_space<vmem>>, %arg13: memref<80x128xf32, #tpu.memory_space<vmem>>, %arg14: memref<80x128xf32, #tpu.memory_space<vmem>>, %arg15: memref<10240x128xf32, #tpu.memory_space<vmem_shared>>, %arg16: memref<!tpu.dma_semaphore, #tpu.memory_space<semaphore_mem>>, %arg17: memref<!tpu.dma_semaphore, #tpu.memory_space<semaphore_mem>>) attributes {dimension_semantics = [#tpu.dimension_semantics<core_parallel>, #tpu.dimension_semantics<subcore_parallel>], iteration_bounds = array<i64: 2, 16>, scalar_prefetch = 0 : i64, scratch_operands = 11 : i64, tpu.core_type = #tpu.core_type<sc_vector_subcore>, window_params = [{transform_indices = #map}, {transform_indices = #map1}, {transform_indices = #map1}, {transform_indices = #map}, {transform_indices = #map2}]} {
    %mul3A = arith.constant 640 : i32
    %mul3A_0 = arith.muli %arg1, %mul3A : i32
    "tpu.region"() ({
      %run_scoped3A = tpu.sem_alloc : memref<!tpu.dma_semaphore, #tpu.memory_space<semaphore_mem>>
      %dma_start3A_83 = arith.constant 0 : i32
      %dma_start3A_84 = tpu.memref_slice %arg15[%mul3A_0, %dma_start3A_83] : memref<10240x128xf32, #tpu.memory_space<vmem_shared>> -> memref<640x128xf32, #tpu.memory_space<vmem_shared>>
      %dma_start3A_85 = arith.constant 0 : i32
      %dma_start3A_86 = tpu.memref_slice %arg5[%mul3A_0, %dma_start3A_85] : memref<10240x128xf32, #tpu.memory_space<hbm>> -> memref<640x128xf32, #tpu.memory_space<hbm>>
      tpu.enqueue_dma source(%dma_start3A_86 : memref<640x128xf32, #tpu.memory_space<hbm>>) target(%dma_start3A_84 : memref<640x128xf32, #tpu.memory_space<vmem_shared>>) target_semaphore(%run_scoped3A : memref<!tpu.dma_semaphore, #tpu.memory_space<semaphore_mem>>)
      %dma_wait3A_87 = arith.constant 0 : i32
      %dma_wait3A_88 = tpu.memref_slice %arg15[%mul3A_0, %dma_wait3A_87] : memref<10240x128xf32, #tpu.memory_space<vmem_shared>> -> memref<640x128xf32, #tpu.memory_space<vmem_shared>>
      %dma_wait3A_89 = arith.constant 0 : i32
      %dma_wait3A_90 = tpu.memref_slice %arg5[%mul3A_0, %dma_wait3A_89] : memref<10240x128xf32, #tpu.memory_space<hbm>> -> memref<640x128xf32, #tpu.memory_space<hbm>>
      tpu.wait_dma2 semaphore(%run_scoped3A : memref<!tpu.dma_semaphore, #tpu.memory_space<semaphore_mem>>) src(%dma_wait3A_90 : memref<640x128xf32, #tpu.memory_space<hbm>>) dst(%dma_wait3A_88 : memref<640x128xf32, #tpu.memory_space<vmem_shared>>)
      tpu.yield
    }) : () -> ()
    %mul3A_1 = arith.constant 16 : i32
    %mul3A_2 = arith.muli %arg0, %mul3A_1 : i32
    %add3A = arith.addi %mul3A_2, %arg1 : i32
    %mul3A_3 = arith.constant 10000 : i32
    %mul3A_4 = arith.muli %add3A, %mul3A_3 : i32
    "tpu.region"() ({
      %run_scoped3A = tpu.sem_alloc : memref<!tpu.dma_semaphore, #tpu.memory_space<semaphore_mem>>
      %dma_start3A_83 = tpu.memref_slice %arg3[%mul3A_4] : memref<320000xi32, #tpu.memory_space<hbm>> -> memref<10000xi32, #tpu.memory_space<hbm>>
      %dma_start3A_84 = tpu.memref_slice %arg3[%mul3A_4] : memref<320000xi32, #tpu.memory_space<hbm>> -> memref<10000xi32, #tpu.memory_space<hbm>>
      tpu.enqueue_dma source(%dma_start3A_84 : memref<10000xi32, #tpu.memory_space<hbm>>) target(%arg11 : memref<10000xi32, #tpu.memory_space<vmem>>) target_semaphore(%run_scoped3A : memref<!tpu.dma_semaphore, #tpu.memory_space<semaphore_mem>>)
      %dma_wait3A_85 = tpu.memref_slice %arg3[%mul3A_4] : memref<320000xi32, #tpu.memory_space<hbm>> -> memref<10000xi32, #tpu.memory_space<hbm>>
      %dma_wait3A_86 = tpu.memref_slice %arg3[%mul3A_4] : memref<320000xi32, #tpu.memory_space<hbm>> -> memref<10000xi32, #tpu.memory_space<hbm>>
      tpu.wait_dma2 semaphore(%run_scoped3A : memref<!tpu.dma_semaphore, #tpu.memory_space<semaphore_mem>>) src(%dma_wait3A_86 : memref<10000xi32, #tpu.memory_space<hbm>>) dst(%arg11 : memref<10000xi32, #tpu.memory_space<vmem>>)
      tpu.yield
    }) : () -> ()
    "tpu.region"() ({
      %run_scoped3A = tpu.sem_alloc : memref<!tpu.dma_semaphore, #tpu.memory_space<semaphore_mem>>
      %dma_start3A_83 = tpu.memref_slice %arg4[%mul3A_4] : memref<320000xi32, #tpu.memory_space<hbm>> -> memref<10000xi32, #tpu.memory_space<hbm>>
      %dma_start3A_84 = tpu.memref_slice %arg4[%mul3A_4] : memref<320000xi32, #tpu.memory_space<hbm>> -> memref<10000xi32, #tpu.memory_space<hbm>>
      tpu.enqueue_dma source(%dma_start3A_84 : memref<10000xi32, #tpu.memory_space<hbm>>) target(%arg12 : memref<10000xi32, #tpu.memory_space<vmem>>) target_semaphore(%run_scoped3A : memref<!tpu.dma_semaphore, #tpu.memory_space<semaphore_mem>>)
      %dma_wait3A_85 = tpu.memref_slice %arg4[%mul3A_4] : memref<320000xi32, #tpu.memory_space<hbm>> -> memref<10000xi32, #tpu.memory_space<hbm>>
      %dma_wait3A_86 = tpu.memref_slice %arg4[%mul3A_4] : memref<320000xi32, #tpu.memory_space<hbm>> -> memref<10000xi32, #tpu.memory_space<hbm>>
      tpu.wait_dma2 semaphore(%run_scoped3A : memref<!tpu.dma_semaphore, #tpu.memory_space<semaphore_mem>>) src(%dma_wait3A_86 : memref<10000xi32, #tpu.memory_space<hbm>>) dst(%arg12 : memref<10000xi32, #tpu.memory_space<vmem>>)
      tpu.yield
    }) : () -> ()
    %barrier3A = arith.constant 0 : index
    tpu.barrier barrier_id(%barrier3A)
    %get3A = arith.constant 0 : index
    %get3A_5 = tpu.vector_load %arg11[%get3A] {strides = array<i32>} : memref<10000xi32, #tpu.memory_space<vmem>>, vector<16xi32>,
    %get3A_6 = vector.shape_cast %get3A_5 : vector<16xi32> to vector<16xi32>
    %swap3A = arith.constant 0 : index
    %swap3A_7 = tpu.vector_load %arg7[%swap3A] {strides = array<i32>} : memref<80xi32, #tpu.memory_space<vmem>>, vector<16xi32>,
    %swap3A_8 = vector.shape_cast %swap3A_7 : vector<16xi32> to vector<16xi32>
    %swap3A_9 = vector.shape_cast %get3A_6 : vector<16xi32> to vector<16xi32>
    tpu.vector_store %arg7[%swap3A], %swap3A_9 {strides = array<i32>} : memref<80xi32, #tpu.memory_space<vmem>>, vector<16xi32>,
    %get3A_10 = arith.constant 16 : index
    %get3A_11 = tpu.vector_load %arg11[%get3A_10] {strides = array<i32>} : memref<10000xi32, #tpu.memory_space<vmem>>, vector<16xi32>,
    %get3A_12 = vector.shape_cast %get3A_11 : vector<16xi32> to vector<16xi32>
    %swap3A_13 = arith.constant 16 : index
    %swap3A_14 = tpu.vector_load %arg7[%swap3A_13] {strides = array<i32>} : memref<80xi32, #tpu.memory_space<vmem>>, vector<16xi32>,
    %swap3A_15 = vector.shape_cast %swap3A_14 : vector<16xi32> to vector<16xi32>
    %swap3A_16 = vector.shape_cast %get3A_12 : vector<16xi32> to vector<16xi32>
    tpu.vector_store %arg7[%swap3A_13], %swap3A_16 {strides = array<i32>} : memref<80xi32, #tpu.memory_space<vmem>>, vector<16xi32>,
    %get3A_17 = arith.constant 32 : index
    %get3A_18 = tpu.vector_load %arg11[%get3A_17] {strides = array<i32>} : memref<10000xi32, #tpu.memory_space<vmem>>, vector<16xi32>,
    %get3A_19 = vector.shape_cast %get3A_18 : vector<16xi32> to vector<16xi32>
    %swap3A_20 = arith.constant 32 : index
    %swap3A_21 = tpu.vector_load %arg7[%swap3A_20] {strides = array<i32>} : memref<80xi32, #tpu.memory_space<vmem>>, vector<16xi32>,
    %swap3A_22 = vector.shape_cast %swap3A_21 : vector<16xi32> to vector<16xi32>
    %swap3A_23 = vector.shape_cast %get3A_19 : vector<16xi32> to vector<16xi32>
    tpu.vector_store %arg7[%swap3A_20], %swap3A_23 {strides = array<i32>} : memref<80xi32, #tpu.memory_space<vmem>>, vector<16xi32>,
    %get3A_24 = arith.constant 48 : index
    %get3A_25 = tpu.vector_load %arg11[%get3A_24] {strides = array<i32>} : memref<10000xi32, #tpu.memory_space<vmem>>, vector<16xi32>,
    %get3A_26 = vector.shape_cast %get3A_25 : vector<16xi32> to vector<16xi32>
    %swap3A_27 = arith.constant 48 : index
    %swap3A_28 = tpu.vector_load %arg7[%swap3A_27] {strides = array<i32>} : memref<80xi32, #tpu.memory_space<vmem>>, vector<16xi32>,
    %swap3A_29 = vector.shape_cast %swap3A_28 : vector<16xi32> to vector<16xi32>
    %swap3A_30 = vector.shape_cast %get3A_26 : vector<16xi32> to vector<16xi32>
    tpu.vector_store %arg7[%swap3A_27], %swap3A_30 {strides = array<i32>} : memref<80xi32, #tpu.memory_space<vmem>>, vector<16xi32>,
    %get3A_31 = arith.constant 64 : index
    %get3A_32 = tpu.vector_load %arg11[%get3A_31] {strides = array<i32>} : memref<10000xi32, #tpu.memory_space<vmem>>, vector<16xi32>,
    %get3A_33 = vector.shape_cast %get3A_32 : vector<16xi32> to vector<16xi32>
    %swap3A_34 = arith.constant 64 : index
    %swap3A_35 = tpu.vector_load %arg7[%swap3A_34] {strides = array<i32>} : memref<80xi32, #tpu.memory_space<vmem>>, vector<16xi32>,
    %swap3A_36 = vector.shape_cast %swap3A_35 : vector<16xi32> to vector<16xi32>
    %swap3A_37 = vector.shape_cast %get3A_33 : vector<16xi32> to vector<16xi32>
    tpu.vector_store %arg7[%swap3A_34], %swap3A_37 {strides = array<i32>} : memref<80xi32, #tpu.memory_space<vmem>>, vector<16xi32>,
    %get3A_38 = arith.constant 0 : index
    %get3A_39 = tpu.vector_load %arg12[%get3A_38] {strides = array<i32>} : memref<10000xi32, #tpu.memory_space<vmem>>, vector<16xi32>,
    %get3A_40 = vector.shape_cast %get3A_39 : vector<16xi32> to vector<16xi32>
    %swap3A_41 = arith.constant 0 : index
    %swap3A_42 = tpu.vector_load %arg8[%swap3A_41] {strides = array<i32>} : memref<80xi32, #tpu.memory_space<vmem>>, vector<16xi32>,
    %swap3A_43 = vector.shape_cast %swap3A_42 : vector<16xi32> to vector<16xi32>
    %swap3A_44 = vector.shape_cast %get3A_40 : vector<16xi32> to vector<16xi32>
    tpu.vector_store %arg8[%swap3A_41], %swap3A_44 {strides = array<i32>} : memref<80xi32, #tpu.memory_space<vmem>>, vector<16xi32>,
    %get3A_45 = arith.constant 16 : index
    %get3A_46 = tpu.vector_load %arg12[%get3A_45] {strides = array<i32>} : memref<10000xi32, #tpu.memory_space<vmem>>, vector<16xi32>,
    %get3A_47 = vector.shape_cast %get3A_46 : vector<16xi32> to vector<16xi32>
    %swap3A_48 = arith.constant 16 : index
    %swap3A_49 = tpu.vector_load %arg8[%swap3A_48] {strides = array<i32>} : memref<80xi32, #tpu.memory_space<vmem>>, vector<16xi32>,
    %swap3A_50 = vector.shape_cast %swap3A_49 : vector<16xi32> to vector<16xi32>
    %swap3A_51 = vector.shape_cast %get3A_47 : vector<16xi32> to vector<16xi32>
    tpu.vector_store %arg8[%swap3A_48], %swap3A_51 {strides = array<i32>} : memref<80xi32, #tpu.memory_space<vmem>>, vector<16xi32>,
    %get3A_52 = arith.constant 32 : index
    %get3A_53 = tpu.vector_load %arg12[%get3A_52] {strides = array<i32>} : memref<10000xi32, #tpu.memory_space<vmem>>, vector<16xi32>,
    %get3A_54 = vector.shape_cast %get3A_53 : vector<16xi32> to vector<16xi32>
    %swap3A_55 = arith.constant 32 : index
    %swap3A_56 = tpu.vector_load %arg8[%swap3A_55] {strides = array<i32>} : memref<80xi32, #tpu.memory_space<vmem>>, vector<16xi32>,
    %swap3A_57 = vector.shape_cast %swap3A_56 : vector<16xi32> to vector<16xi32>
    %swap3A_58 = vector.shape_cast %get3A_54 : vector<16xi32> to vector<16xi32>
    tpu.vector_store %arg8[%swap3A_55], %swap3A_58 {strides = array<i32>} : memref<80xi32, #tpu.memory_space<vmem>>, vector<16xi32>,
    %get3A_59 = arith.constant 48 : index
    %get3A_60 = tpu.vector_load %arg12[%get3A_59] {strides = array<i32>} : memref<10000xi32, #tpu.memory_space<vmem>>, vector<16xi32>,
    %get3A_61 = vector.shape_cast %get3A_60 : vector<16xi32> to vector<16xi32>
    %swap3A_62 = arith.constant 48 : index
    %swap3A_63 = tpu.vector_load %arg8[%swap3A_62] {strides = array<i32>} : memref<80xi32, #tpu.memory_space<vmem>>, vector<16xi32>,
    %swap3A_64 = vector.shape_cast %swap3A_63 : vector<16xi32> to vector<16xi32>
    %swap3A_65 = vector.shape_cast %get3A_61 : vector<16xi32> to vector<16xi32>
    tpu.vector_store %arg8[%swap3A_62], %swap3A_65 {strides = array<i32>} : memref<80xi32, #tpu.memory_space<vmem>>, vector<16xi32>,
    %get3A_66 = arith.constant 64 : index
    %get3A_67 = tpu.vector_load %arg12[%get3A_66] {strides = array<i32>} : memref<10000xi32, #tpu.memory_space<vmem>>, vector<16xi32>,
    %get3A_68 = vector.shape_cast %get3A_67 : vector<16xi32> to vector<16xi32>
    %swap3A_69 = arith.constant 64 : index
    %swap3A_70 = tpu.vector_load %arg8[%swap3A_69] {strides = array<i32>} : memref<80xi32, #tpu.memory_space<vmem>>, vector<16xi32>,
    %swap3A_71 = vector.shape_cast %swap3A_70 : vector<16xi32> to vector<16xi32>
    %swap3A_72 = vector.shape_cast %get3A_68 : vector<16xi32> to vector<16xi32>
    tpu.vector_store %arg8[%swap3A_69], %swap3A_72 {strides = array<i32>} : memref<80xi32, #tpu.memory_space<vmem>>, vector<16xi32>,
    %dma_start3A = arith.constant 0 : i32
    %dma_start3A_73 = arith.constant 0 : i32
    %dma_start3A_74 = tpu.memref_slice %arg2[%dma_start3A, %dma_start3A_73] : memref<10000x128xf32, #tpu.memory_space<hbm>> -> memref<10000x128xf32, #tpu.memory_space<hbm>>
    tpu.enqueue_indirect_dma source(%dma_start3A_74 : memref<10000x128xf32, #tpu.memory_space<hbm>>) target(%arg13 : memref<80x128xf32, #tpu.memory_space<vmem>>) offsets(%arg7 : memref<80xi32, #tpu.memory_space<vmem>>) semaphore(%arg16 : memref<!tpu.dma_semaphore, #tpu.memory_space<semaphore_mem>>)
    %dma_wait3A = arith.constant 0 : i32
    %dma_wait3A_75 = arith.constant 0 : i32
    %dma_wait3A_76 = tpu.memref_slice %arg2[%dma_wait3A, %dma_wait3A_75] : memref<10000x128xf32, #tpu.memory_space<hbm>> -> memref<10000x128xf32, #tpu.memory_space<hbm>>
    tpu.wait_indirect_dma semaphore(%arg16 : memref<!tpu.dma_semaphore, #tpu.memory_space<semaphore_mem>>) src(%dma_wait3A_76 : memref<10000x128xf32, #tpu.memory_space<hbm>>) dst(%arg13 : memref<80x128xf32, #tpu.memory_space<vmem>>)
    %scan3A = arith.constant 0 : i32
    %scan3A_77 = arith.constant 0 : i32
    %scan3A_78 = arith.constant 62 : i32
    %scan3A_79 = arith.addi %scan3A_77, %scan3A_78 : i32
    %scan3A_80 = arith.constant 1 : i32
    scf.for %scan3A_83 = %scan3A_77 to %scan3A_79 step %scan3A_80  : i32 {
      %mul3A_84 = arith.constant 2 : i32
      %mul3A_85 = arith.muli %mul3A_84, %scan3A_83 : i32
      %add3A_86 = arith.constant 1 : i32
      %add3A_87 = arith.addi %mul3A_85, %add3A_86 : i32
      %mul3A_88 = arith.constant 80 : i32
      %mul3A_89 = arith.muli %add3A_87, %mul3A_88 : i32
      %add3A_90 = arith.constant 0 : i32
      %add3A_91 = arith.addi %mul3A_89, %add3A_90 : i32
      %get3A_92 = arith.index_cast %add3A_91 : i32 to index
      %get3A_93 = tpu.vector_load %arg11[%get3A_92] {strides = array<i32>} : memref<10000xi32, #tpu.memory_space<vmem>>, vector<16xi32>,
      %get3A_94 = vector.shape_cast %get3A_93 : vector<16xi32> to vector<16xi32>
      %swap3A_95 = arith.constant 0 : index
      %swap3A_96 = tpu.vector_load %arg9[%swap3A_95] {strides = array<i32>} : memref<80xi32, #tpu.memory_space<vmem>>, vector<16xi32>,
      %swap3A_97 = vector.shape_cast %swap3A_96 : vector<16xi32> to vector<16xi32>
      %swap3A_98 = vector.shape_cast %get3A_94 : vector<16xi32> to vector<16xi32>
      tpu.vector_store %arg9[%swap3A_95], %swap3A_98 {strides = array<i32>} : memref<80xi32, #tpu.memory_space<vmem>>, vector<16xi32>,
      %add3A_99 = arith.constant 16 : i32
      %add3A_100 = arith.addi %mul3A_89, %add3A_99 : i32
      %get3A_101 = arith.index_cast %add3A_100 : i32 to index
      %get3A_102 = tpu.vector_load %arg11[%get3A_101] {strides = array<i32>} : memref<10000xi32, #tpu.memory_space<vmem>>, vector<16xi32>,
      %get3A_103 = vector.shape_cast %get3A_102 : vector<16xi32> to vector<16xi32>
      %swap3A_104 = arith.constant 16 : index
      %swap3A_105 = tpu.vector_load %arg9[%swap3A_104] {strides = array<i32>} : memref<80xi32, #tpu.memory_space<vmem>>, vector<16xi32>,
      %swap3A_106 = vector.shape_cast %swap3A_105 : vector<16xi32> to vector<16xi32>
      %swap3A_107 = vector.shape_cast %get3A_103 : vector<16xi32> to vector<16xi32>
      tpu.vector_store %arg9[%swap3A_104], %swap3A_107 {strides = array<i32>} : memref<80xi32, #tpu.memory_space<vmem>>, vector<16xi32>,
      %add3A_108 = arith.constant 32 : i32
      %add3A_109 = arith.addi %mul3A_89, %add3A_108 : i32
      %get3A_110 = arith.index_cast %add3A_109 : i32 to index
      %get3A_111 = tpu.vector_load %arg11[%get3A_110] {strides = array<i32>} : memref<10000xi32, #tpu.memory_space<vmem>>, vector<16xi32>,
      %get3A_112 = vector.shape_cast %get3A_111 : vector<16xi32> to vector<16xi32>
      %swap3A_113 = arith.constant 32 : index
      %swap3A_114 = tpu.vector_load %arg9[%swap3A_113] {strides = array<i32>} : memref<80xi32, #tpu.memory_space<vmem>>, vector<16xi32>,
      %swap3A_115 = vector.shape_cast %swap3A_114 : vector<16xi32> to vector<16xi32>
      %swap3A_116 = vector.shape_cast %get3A_112 : vector<16xi32> to vector<16xi32>
      tpu.vector_store %arg9[%swap3A_113], %swap3A_116 {strides = array<i32>} : memref<80xi32, #tpu.memory_space<vmem>>, vector<16xi32>,
      %add3A_117 = arith.constant 48 : i32
      %add3A_118 = arith.addi %mul3A_89, %add3A_117 : i32
      %get3A_119 = arith.index_cast %add3A_118 : i32 to index
      %get3A_120 = tpu.vector_load %arg11[%get3A_119] {strides = array<i32>} : memref<10000xi32, #tpu.memory_space<vmem>>, vector<16xi32>,
      %get3A_121 = vector.shape_cast %get3A_120 : vector<16xi32> to vector<16xi32>
      %swap3A_122 = arith.constant 48 : index
      %swap3A_123 = tpu.vector_load %arg9[%swap3A_122] {strides = array<i32>} : memref<80xi32, #tpu.memory_space<vmem>>, vector<16xi32>,
      %swap3A_124 = vector.shape_cast %swap3A_123 : vector<16xi32> to vector<16xi32>
      %swap3A_125 = vector.shape_cast %get3A_121 : vector<16xi32> to vector<16xi32>
      tpu.vector_store %arg9[%swap3A_122], %swap3A_125 {strides = array<i32>} : memref<80xi32, #tpu.memory_space<vmem>>, vector<16xi32>,
      %add3A_126 = arith.constant 64 : i32
      %add3A_127 = arith.addi %mul3A_89, %add3A_126 : i32
      %get3A_128 = arith.index_cast %add3A_127 : i32 to index
      %get3A_129 = tpu.vector_load %arg11[%get3A_128] {strides = array<i32>} : memref<10000xi32, #tpu.memory_space<vmem>>, vector<16xi32>,
      %get3A_130 = vector.shape_cast %get3A_129 : vector<16xi32> to vector<16xi32>
      %swap3A_131 = arith.constant 64 : index
      %swap3A_132 = tpu.vector_load %arg9[%swap3A_131] {strides = array<i32>} : memref<80xi32, #tpu.memory_space<vmem>>, vector<16xi32>,
      %swap3A_133 = vector.shape_cast %swap3A_132 : vector<16xi32> to vector<16xi32>
      %swap3A_134 = vector.shape_cast %get3A_130 : vector<16xi32> to vector<16xi32>
      tpu.vector_store %arg9[%swap3A_131], %swap3A_134 {strides = array<i32>} : memref<80xi32, #tpu.memory_space<vmem>>, vector<16xi32>,
      %mul3A_135 = arith.constant 80 : i32
      %mul3A_136 = arith.muli %add3A_87, %mul3A_135 : i32
      %add3A_137 = arith.constant 0 : i32
      %add3A_138 = arith.addi %mul3A_136, %add3A_137 : i32
      %get3A_139 = arith.index_cast %add3A_138 : i32 to index
      %get3A_140 = tpu.vector_load %arg12[%get3A_139] {strides = array<i32>} : memref<10000xi32, #tpu.memory_space<vmem>>, vector<16xi32>,
      %get3A_141 = vector.shape_cast %get3A_140 : vector<16xi32> to vector<16xi32>
      %swap3A_142 = arith.constant 0 : index
      %swap3A_143 = tpu.vector_load %arg10[%swap3A_142] {strides = array<i32>} : memref<80xi32, #tpu.memory_space<vmem>>, vector<16xi32>,
      %swap3A_144 = vector.shape_cast %swap3A_143 : vector<16xi32> to vector<16xi32>
      %swap3A_145 = vector.shape_cast %get3A_141 : vector<16xi32> to vector<16xi32>
      tpu.vector_store %arg10[%swap3A_142], %swap3A_145 {strides = array<i32>} : memref<80xi32, #tpu.memory_space<vmem>>, vector<16xi32>,
      %add3A_146 = arith.constant 16 : i32
      %add3A_147 = arith.addi %mul3A_136, %add3A_146 : i32
      %get3A_148 = arith.index_cast %add3A_147 : i32 to index
      %get3A_149 = tpu.vector_load %arg12[%get3A_148] {strides = array<i32>} : memref<10000xi32, #tpu.memory_space<vmem>>, vector<16xi32>,
      %get3A_150 = vector.shape_cast %get3A_149 : vector<16xi32> to vector<16xi32>
      %swap3A_151 = arith.constant 16 : index
      %swap3A_152 = tpu.vector_load %arg10[%swap3A_151] {strides = array<i32>} : memref<80xi32, #tpu.memory_space<vmem>>, vector<16xi32>,
      %swap3A_153 = vector.shape_cast %swap3A_152 : vector<16xi32> to vector<16xi32>
      %swap3A_154 = vector.shape_cast %get3A_150 : vector<16xi32> to vector<16xi32>
      tpu.vector_store %arg10[%swap3A_151], %swap3A_154 {strides = array<i32>} : memref<80xi32, #tpu.memory_space<vmem>>, vector<16xi32>,
      %add3A_155 = arith.constant 32 : i32
      %add3A_156 = arith.addi %mul3A_136, %add3A_155 : i32
      %get3A_157 = arith.index_cast %add3A_156 : i32 to index
      %get3A_158 = tpu.vector_load %arg12[%get3A_157] {strides = array<i32>} : memref<10000xi32, #tpu.memory_space<vmem>>, vector<16xi32>,
      %get3A_159 = vector.shape_cast %get3A_158 : vector<16xi32> to vector<16xi32>
      %swap3A_160 = arith.constant 32 : index
      %swap3A_161 = tpu.vector_load %arg10[%swap3A_160] {strides = array<i32>} : memref<80xi32, #tpu.memory_space<vmem>>, vector<16xi32>,
      %swap3A_162 = vector.shape_cast %swap3A_161 : vector<16xi32> to vector<16xi32>
      %swap3A_163 = vector.shape_cast %get3A_159 : vector<16xi32> to vector<16xi32>
      tpu.vector_store %arg10[%swap3A_160], %swap3A_163 {strides = array<i32>} : memref<80xi32, #tpu.memory_space<vmem>>, vector<16xi32>,
      %add3A_164 = arith.constant 48 : i32
      %add3A_165 = arith.addi %mul3A_136, %add3A_164 : i32
      %get3A_166 = arith.index_cast %add3A_165 : i32 to index
      %get3A_167 = tpu.vector_load %arg12[%get3A_166] {strides = array<i32>} : memref<10000xi32, #tpu.memory_space<vmem>>, vector<16xi32>,
      %get3A_168 = vector.shape_cast %get3A_167 : vector<16xi32> to vector<16xi32>
      %swap3A_169 = arith.constant 48 : index
      %swap3A_170 = tpu.vector_load %arg10[%swap3A_169] {strides = array<i32>} : memref<80xi32, #tpu.memory_space<vmem>>, vector<16xi32>,
      %swap3A_171 = vector.shape_cast %swap3A_170 : vector<16xi32> to vector<16xi32>
      %swap3A_172 = vector.shape_cast %get3A_168 : vector<16xi32> to vector<16xi32>
      tpu.vector_store %arg10[%swap3A_169], %swap3A_172 {strides = array<i32>} : memref<80xi32, #tpu.memory_space<vmem>>, vector<16xi32>,
      %add3A_173 = arith.constant 64 : i32
      %add3A_174 = arith.addi %mul3A_136, %add3A_173 : i32
      %get3A_175 = arith.index_cast %add3A_174 : i32 to index
      %get3A_176 = tpu.vector_load %arg12[%get3A_175] {strides = array<i32>} : memref<10000xi32, #tpu.memory_space<vmem>>, vector<16xi32>,
      %get3A_177 = vector.shape_cast %get3A_176 : vector<16xi32> to vector<16xi32>
      %swap3A_178 = arith.constant 64 : index
      %swap3A_179 = tpu.vector_load %arg10[%swap3A_178] {strides = array<i32>} : memref<80xi32, #tpu.memory_space<vmem>>, vector<16xi32>,
      %swap3A_180 = vector.shape_cast %swap3A_179 : vector<16xi32> to vector<16xi32>
      %swap3A_181 = vector.shape_cast %get3A_177 : vector<16xi32> to vector<16xi32>
      tpu.vector_store %arg10[%swap3A_178], %swap3A_181 {strides = array<i32>} : memref<80xi32, #tpu.memory_space<vmem>>, vector<16xi32>,
      %dma_start3A_182 = arith.constant 0 : i32
      %dma_start3A_183 = arith.constant 0 : i32
      %dma_start3A_184 = tpu.memref_slice %arg2[%dma_start3A_182, %dma_start3A_183] : memref<10000x128xf32, #tpu.memory_space<hbm>> -> memref<10000x128xf32, #tpu.memory_space<hbm>>
      tpu.enqueue_indirect_dma source(%dma_start3A_184 : memref<10000x128xf32, #tpu.memory_space<hbm>>) target(%arg14 : memref<80x128xf32, #tpu.memory_space<vmem>>) offsets(%arg9 : memref<80xi32, #tpu.memory_space<vmem>>) semaphore(%arg17 : memref<!tpu.dma_semaphore, #tpu.memory_space<semaphore_mem>>)
      "tpu.region"() ({
        %run_scoped3A = tpu.sem_alloc : memref<!tpu.dma_semaphore, #tpu.memory_space<semaphore_mem>>
        %dma_start3A_290 = arith.constant 0 : i32
        %dma_start3A_291 = arith.constant 0 : i32
        %dma_start3A_292 = tpu.memref_slice %arg15[%dma_start3A_290, %dma_start3A_291] : memref<10240x128xf32, #tpu.memory_space<vmem_shared>> -> memref<10240x128xf32, #tpu.memory_space<vmem_shared>>
        tpu.enqueue_indirect_dma source(%arg13 : memref<80x128xf32, #tpu.memory_space<vmem>>) target(%dma_start3A_292 : memref<10240x128xf32, #tpu.memory_space<vmem_shared>>) offsets(%arg8 : memref<80xi32, #tpu.memory_space<vmem>>) semaphore(%run_scoped3A : memref<!tpu.dma_semaphore, #tpu.memory_space<semaphore_mem>>) {add = true}
        %dma_wait3A_293 = arith.constant 0 : i32
        %dma_wait3A_294 = arith.constant 0 : i32
        %dma_wait3A_295 = tpu.memref_slice %arg15[%dma_wait3A_293, %dma_wait3A_294] : memref<10240x128xf32, #tpu.memory_space<vmem_shared>> -> memref<10240x128xf32, #tpu.memory_space<vmem_shared>>
        tpu.wait_indirect_dma semaphore(%run_scoped3A : memref<!tpu.dma_semaphore, #tpu.memory_space<semaphore_mem>>) src(%arg13 : memref<80x128xf32, #tpu.memory_space<vmem>>) dst(%dma_wait3A_295 : memref<10240x128xf32, #tpu.memory_space<vmem_shared>>)
        tpu.yield
      }) : () -> ()
      %dma_wait3A_185 = arith.constant 0 : i32
      %dma_wait3A_186 = arith.constant 0 : i32
      %dma_wait3A_187 = tpu.memref_slice %arg2[%dma_wait3A_185, %dma_wait3A_186] : memref<10000x128xf32, #tpu.memory_space<hbm>> -> memref<10000x128xf32, #tpu.memory_space<hbm>>
      tpu.wait_indirect_dma semaphore(%arg17 : memref<!tpu.dma_semaphore, #tpu.memory_space<semaphore_mem>>) src(%dma_wait3A_187 : memref<10000x128xf32, #tpu.memory_space<hbm>>) dst(%arg14 : memref<80x128xf32, #tpu.memory_space<vmem>>)
      %add3A_188 = arith.constant 2 : i32
      %add3A_189 = arith.addi %mul3A_85, %add3A_188 : i32
      %mul3A_190 = arith.constant 80 : i32
      %mul3A_191 = arith.muli %add3A_189, %mul3A_190 : i32
      %add3A_192 = arith.constant 0 : i32
      %add3A_193 = arith.addi %mul3A_191, %add3A_192 : i32
      %get3A_194 = arith.index_cast %add3A_193 : i32 to index
      %get3A_195 = tpu.vector_load %arg11[%get3A_194] {strides = array<i32>} : memref<10000xi32, #tpu.memory_space<vmem>>, vector<16xi32>,
      %get3A_196 = vector.shape_cast %get3A_195 : vector<16xi32> to vector<16xi32>
      %swap3A_197 = arith.constant 0 : index
      %swap3A_198 = tpu.vector_load %arg7[%swap3A_197] {strides = array<i32>} : memref<80xi32, #tpu.memory_space<vmem>>, vector<16xi32>,
      %swap3A_199 = vector.shape_cast %swap3A_198 : vector<16xi32> to vector<16xi32>
      %swap3A_200 = vector.shape_cast %get3A_196 : vector<16xi32> to vector<16xi32>
      tpu.vector_store %arg7[%swap3A_197], %swap3A_200 {strides = array<i32>} : memref<80xi32, #tpu.memory_space<vmem>>, vector<16xi32>,
      %add3A_201 = arith.constant 16 : i32
      %add3A_202 = arith.addi %mul3A_191, %add3A_201 : i32
      %get3A_203 = arith.index_cast %add3A_202 : i32 to index
      %get3A_204 = tpu.vector_load %arg11[%get3A_203] {strides = array<i32>} : memref<10000xi32, #tpu.memory_space<vmem>>, vector<16xi32>,
      %get3A_205 = vector.shape_cast %get3A_204 : vector<16xi32> to vector<16xi32>
      %swap3A_206 = arith.constant 16 : index
      %swap3A_207 = tpu.vector_load %arg7[%swap3A_206] {strides = array<i32>} : memref<80xi32, #tpu.memory_space<vmem>>, vector<16xi32>,
      %swap3A_208 = vector.shape_cast %swap3A_207 : vector<16xi32> to vector<16xi32>
      %swap3A_209 = vector.shape_cast %get3A_205 : vector<16xi32> to vector<16xi32>
      tpu.vector_store %arg7[%swap3A_206], %swap3A_209 {strides = array<i32>} : memref<80xi32, #tpu.memory_space<vmem>>, vector<16xi32>,
      %add3A_210 = arith.constant 32 : i32
      %add3A_211 = arith.addi %mul3A_191, %add3A_210 : i32
      %get3A_212 = arith.index_cast %add3A_211 : i32 to index
      %get3A_213 = tpu.vector_load %arg11[%get3A_212] {strides = array<i32>} : memref<10000xi32, #tpu.memory_space<vmem>>, vector<16xi32>,
      %get3A_214 = vector.shape_cast %get3A_213 : vector<16xi32> to vector<16xi32>
      %swap3A_215 = arith.constant 32 : index
      %swap3A_216 = tpu.vector_load %arg7[%swap3A_215] {strides = array<i32>} : memref<80xi32, #tpu.memory_space<vmem>>, vector<16xi32>,
      %swap3A_217 = vector.shape_cast %swap3A_216 : vector<16xi32> to vector<16xi32>
      %swap3A_218 = vector.shape_cast %get3A_214 : vector<16xi32> to vector<16xi32>
      tpu.vector_store %arg7[%swap3A_215], %swap3A_218 {strides = array<i32>} : memref<80xi32, #tpu.memory_space<vmem>>, vector<16xi32>,
      %add3A_219 = arith.constant 48 : i32
      %add3A_220 = arith.addi %mul3A_191, %add3A_219 : i32
      %get3A_221 = arith.index_cast %add3A_220 : i32 to index
      %get3A_222 = tpu.vector_load %arg11[%get3A_221] {strides = array<i32>} : memref<10000xi32, #tpu.memory_space<vmem>>, vector<16xi32>,
      %get3A_223 = vector.shape_cast %get3A_222 : vector<16xi32> to vector<16xi32>
      %swap3A_224 = arith.constant 48 : index
      %swap3A_225 = tpu.vector_load %arg7[%swap3A_224] {strides = array<i32>} : memref<80xi32, #tpu.memory_space<vmem>>, vector<16xi32>,
      %swap3A_226 = vector.shape_cast %swap3A_225 : vector<16xi32> to vector<16xi32>
      %swap3A_227 = vector.shape_cast %get3A_223 : vector<16xi32> to vector<16xi32>
      tpu.vector_store %arg7[%swap3A_224], %swap3A_227 {strides = array<i32>} : memref<80xi32, #tpu.memory_space<vmem>>, vector<16xi32>,
      %add3A_228 = arith.constant 64 : i32
      %add3A_229 = arith.addi %mul3A_191, %add3A_228 : i32
      %get3A_230 = arith.index_cast %add3A_229 : i32 to index
      %get3A_231 = tpu.vector_load %arg11[%get3A_230] {strides = array<i32>} : memref<10000xi32, #tpu.memory_space<vmem>>, vector<16xi32>,
      %get3A_232 = vector.shape_cast %get3A_231 : vector<16xi32> to vector<16xi32>
      %swap3A_233 = arith.constant 64 : index
      %swap3A_234 = tpu.vector_load %arg7[%swap3A_233] {strides = array<i32>} : memref<80xi32, #tpu.memory_space<vmem>>, vector<16xi32>,
      %swap3A_235 = vector.shape_cast %swap3A_234 : vector<16xi32> to vector<16xi32>
      %swap3A_236 = vector.shape_cast %get3A_232 : vector<16xi32> to vector<16xi32>
      tpu.vector_store %arg7[%swap3A_233], %swap3A_236 {strides = array<i32>} : memref<80xi32, #tpu.memory_space<vmem>>, vector<16xi32>,
      %mul3A_237 = arith.constant 80 : i32
      %mul3A_238 = arith.muli %add3A_189, %mul3A_237 : i32
      %add3A_239 = arith.constant 0 : i32
      %add3A_240 = arith.addi %mul3A_238, %add3A_239 : i32
      %get3A_241 = arith.index_cast %add3A_240 : i32 to index
      %get3A_242 = tpu.vector_load %arg12[%get3A_241] {strides = array<i32>} : memref<10000xi32, #tpu.memory_space<vmem>>, vector<16xi32>,
      %get3A_243 = vector.shape_cast %get3A_242 : vector<16xi32> to vector<16xi32>
      %swap3A_244 = arith.constant 0 : index
      %swap3A_245 = tpu.vector_load %arg8[%swap3A_244] {strides = array<i32>} : memref<80xi32, #tpu.memory_space<vmem>>, vector<16xi32>,
      %swap3A_246 = vector.shape_cast %swap3A_245 : vector<16xi32> to vector<16xi32>
      %swap3A_247 = vector.shape_cast %get3A_243 : vector<16xi32> to vector<16xi32>
      tpu.vector_store %arg8[%swap3A_244], %swap3A_247 {strides = array<i32>} : memref<80xi32, #tpu.memory_space<vmem>>, vector<16xi32>,
      %add3A_248 = arith.constant 16 : i32
      %add3A_249 = arith.addi %mul3A_238, %add3A_248 : i32
      %get3A_250 = arith.index_cast %add3A_249 : i32 to index
      %get3A_251 = tpu.vector_load %arg12[%get3A_250] {strides = array<i32>} : memref<10000xi32, #tpu.memory_space<vmem>>, vector<16xi32>,
      %get3A_252 = vector.shape_cast %get3A_251 : vector<16xi32> to vector<16xi32>
      %swap3A_253 = arith.constant 16 : index
      %swap3A_254 = tpu.vector_load %arg8[%swap3A_253] {strides = array<i32>} : memref<80xi32, #tpu.memory_space<vmem>>, vector<16xi32>,
      %swap3A_255 = vector.shape_cast %swap3A_254 : vector<16xi32> to vector<16xi32>
      %swap3A_256 = vector.shape_cast %get3A_252 : vector<16xi32> to vector<16xi32>
      tpu.vector_store %arg8[%swap3A_253], %swap3A_256 {strides = array<i32>} : memref<80xi32, #tpu.memory_space<vmem>>, vector<16xi32>,
      %add3A_257 = arith.constant 32 : i32
      %add3A_258 = arith.addi %mul3A_238, %add3A_257 : i32
      %get3A_259 = arith.index_cast %add3A_258 : i32 to index
      %get3A_260 = tpu.vector_load %arg12[%get3A_259] {strides = array<i32>} : memref<10000xi32, #tpu.memory_space<vmem>>, vector<16xi32>,
      %get3A_261 = vector.shape_cast %get3A_260 : vector<16xi32> to vector<16xi32>
      %swap3A_262 = arith.constant 32 : index
      %swap3A_263 = tpu.vector_load %arg8[%swap3A_262] {strides = array<i32>} : memref<80xi32, #tpu.memory_space<vmem>>, vector<16xi32>,
      %swap3A_264 = vector.shape_cast %swap3A_263 : vector<16xi32> to vector<16xi32>
      %swap3A_265 = vector.shape_cast %get3A_261 : vector<16xi32> to vector<16xi32>
      tpu.vector_store %arg8[%swap3A_262], %swap3A_265 {strides = array<i32>} : memref<80xi32, #tpu.memory_space<vmem>>, vector<16xi32>,
      %add3A_266 = arith.constant 48 : i32
      %add3A_267 = arith.addi %mul3A_238, %add3A_266 : i32
      %get3A_268 = arith.index_cast %add3A_267 : i32 to index
      %get3A_269 = tpu.vector_load %arg12[%get3A_268] {strides = array<i32>} : memref<10000xi32, #tpu.memory_space<vmem>>, vector<16xi32>,
      %get3A_270 = vector.shape_cast %get3A_269 : vector<16xi32> to vector<16xi32>
      %swap3A_271 = arith.constant 48 : index
      %swap3A_272 = tpu.vector_load %arg8[%swap3A_271] {strides = array<i32>} : memref<80xi32, #tpu.memory_space<vmem>>, vector<16xi32>,
      %swap3A_273 = vector.shape_cast %swap3A_272 : vector<16xi32> to vector<16xi32>
      %swap3A_274 = vector.shape_cast %get3A_270 : vector<16xi32> to vector<16xi32>
      tpu.vector_store %arg8[%swap3A_271], %swap3A_274 {strides = array<i32>} : memref<80xi32, #tpu.memory_space<vmem>>, vector<16xi32>,
      %add3A_275 = arith.constant 64 : i32
      %add3A_276 = arith.addi %mul3A_238, %add3A_275 : i32
      %get3A_277 = arith.index_cast %add3A_276 : i32 to index
      %get3A_278 = tpu.vector_load %arg12[%get3A_277] {strides = array<i32>} : memref<10000xi32, #tpu.memory_space<vmem>>, vector<16xi32>,
      %get3A_279 = vector.shape_cast %get3A_278 : vector<16xi32> to vector<16xi32>
      %swap3A_280 = arith.constant 64 : index
      %swap3A_281 = tpu.vector_load %arg8[%swap3A_280] {strides = array<i32>} : memref<80xi32, #tpu.memory_space<vmem>>, vector<16xi32>,
      %swap3A_282 = vector.shape_cast %swap3A_281 : vector<16xi32> to vector<16xi32>
      %swap3A_283 = vector.shape_cast %get3A_279 : vector<16xi32> to vector<16xi32>
      tpu.vector_store %arg8[%swap3A_280], %swap3A_283 {strides = array<i32>} : memref<80xi32, #tpu.memory_space<vmem>>, vector<16xi32>,
      %dma_start3A_284 = arith.constant 0 : i32
      %dma_start3A_285 = arith.constant 0 : i32
      %dma_start3A_286 = tpu.memref_slice %arg2[%dma_start3A_284, %dma_start3A_285] : memref<10000x128xf32, #tpu.memory_space<hbm>> -> memref<10000x128xf32, #tpu.memory_space<hbm>>
      tpu.enqueue_indirect_dma source(%dma_start3A_286 : memref<10000x128xf32, #tpu.memory_space<hbm>>) target(%arg13 : memref<80x128xf32, #tpu.memory_space<vmem>>) offsets(%arg7 : memref<80xi32, #tpu.memory_space<vmem>>) semaphore(%arg16 : memref<!tpu.dma_semaphore, #tpu.memory_space<semaphore_mem>>)
      "tpu.region"() ({
        %run_scoped3A = tpu.sem_alloc : memref<!tpu.dma_semaphore, #tpu.memory_space<semaphore_mem>>
        %dma_start3A_290 = arith.constant 0 : i32
        %dma_start3A_291 = arith.constant 0 : i32
        %dma_start3A_292 = tpu.memref_slice %arg15[%dma_start3A_290, %dma_start3A_291] : memref<10240x128xf32, #tpu.memory_space<vmem_shared>> -> memref<10240x128xf32, #tpu.memory_space<vmem_shared>>
        tpu.enqueue_indirect_dma source(%arg14 : memref<80x128xf32, #tpu.memory_space<vmem>>) target(%dma_start3A_292 : memref<10240x128xf32, #tpu.memory_space<vmem_shared>>) offsets(%arg10 : memref<80xi32, #tpu.memory_space<vmem>>) semaphore(%run_scoped3A : memref<!tpu.dma_semaphore, #tpu.memory_space<semaphore_mem>>) {add = true}
        %dma_wait3A_293 = arith.constant 0 : i32
        %dma_wait3A_294 = arith.constant 0 : i32
        %dma_wait3A_295 = tpu.memref_slice %arg15[%dma_wait3A_293, %dma_wait3A_294] : memref<10240x128xf32, #tpu.memory_space<vmem_shared>> -> memref<10240x128xf32, #tpu.memory_space<vmem_shared>>
        tpu.wait_indirect_dma semaphore(%run_scoped3A : memref<!tpu.dma_semaphore, #tpu.memory_space<semaphore_mem>>) src(%arg14 : memref<80x128xf32, #tpu.memory_space<vmem>>) dst(%dma_wait3A_295 : memref<10240x128xf32, #tpu.memory_space<vmem_shared>>)
        tpu.yield
      }) : () -> ()
      %dma_wait3A_287 = arith.constant 0 : i32
      %dma_wait3A_288 = arith.constant 0 : i32
      %dma_wait3A_289 = tpu.memref_slice %arg2[%dma_wait3A_287, %dma_wait3A_288] : memref<10000x128xf32, #tpu.memory_space<hbm>> -> memref<10000x128xf32, #tpu.memory_space<hbm>>
      tpu.wait_indirect_dma semaphore(%arg16 : memref<!tpu.dma_semaphore, #tpu.memory_space<semaphore_mem>>) src(%dma_wait3A_289 : memref<10000x128xf32, #tpu.memory_space<hbm>>) dst(%arg13 : memref<80x128xf32, #tpu.memory_space<vmem>>)
    }
    %scan3A_81 = arith.constant 62 : i32
    "tpu.region"() ({
      %run_scoped3A = tpu.sem_alloc : memref<!tpu.dma_semaphore, #tpu.memory_space<semaphore_mem>>
      %dma_start3A_83 = arith.constant 0 : i32
      %dma_start3A_84 = arith.constant 0 : i32
      %dma_start3A_85 = tpu.memref_slice %arg15[%dma_start3A_83, %dma_start3A_84] : memref<10240x128xf32, #tpu.memory_space<vmem_shared>> -> memref<10240x128xf32, #tpu.memory_space<vmem_shared>>
      tpu.enqueue_indirect_dma source(%arg13 : memref<80x128xf32, #tpu.memory_space<vmem>>) target(%dma_start3A_85 : memref<10240x128xf32, #tpu.memory_space<vmem_shared>>) offsets(%arg8 : memref<80xi32, #tpu.memory_space<vmem>>) semaphore(%run_scoped3A : memref<!tpu.dma_semaphore, #tpu.memory_space<semaphore_mem>>) {add = true}
      %dma_wait3A_86 = arith.constant 0 : i32
      %dma_wait3A_87 = arith.constant 0 : i32
      %dma_wait3A_88 = tpu.memref_slice %arg15[%dma_wait3A_86, %dma_wait3A_87] : memref<10240x128xf32, #tpu.memory_space<vmem_shared>> -> memref<10240x128xf32, #tpu.memory_space<vmem_shared>>
      tpu.wait_indirect_dma semaphore(%run_scoped3A : memref<!tpu.dma_semaphore, #tpu.memory_space<semaphore_mem>>) src(%arg13 : memref<80x128xf32, #tpu.memory_space<vmem>>) dst(%dma_wait3A_88 : memref<10240x128xf32, #tpu.memory_space<vmem_shared>>)
      tpu.yield
    }) : () -> ()
    %barrier3A_82 = arith.constant 0 : index
    tpu.barrier barrier_id(%barrier3A_82)
    "tpu.region"() ({
      %run_scoped3A = tpu.sem_alloc : memref<!tpu.dma_semaphore, #tpu.memory_space<semaphore_mem>>
      %dma_start3A_83 = arith.constant 0 : i32
      %dma_start3A_84 = tpu.memref_slice %arg6[%arg0, %mul3A_0, %dma_start3A_83] : memref<2x10240x128xf32, #tpu.memory_space<hbm>> -> memref<1x640x128xf32, #tpu.memory_space<hbm>>
      %dma_start3A_85 = tpu.memref_squeeze %dma_start3A_84 : memref<1x640x128xf32, #tpu.memory_space<hbm>> -> memref<640x128xf32, #tpu.memory_space<hbm>>
      %dma_start3A_86 = arith.constant 0 : i32
      %dma_start3A_87 = tpu.memref_slice %arg15[%mul3A_0, %dma_start3A_86] : memref<10240x128xf32, #tpu.memory_space<vmem_shared>> -> memref<640x128xf32, #tpu.memory_space<vmem_shared>>
      tpu.enqueue_dma source(%dma_start3A_87 : memref<640x128xf32, #tpu.memory_space<vmem_shared>>) target(%dma_start3A_85 : memref<640x128xf32, #tpu.memory_space<hbm>>) target_semaphore(%run_scoped3A : memref<!tpu.dma_semaphore, #tpu.memory_space<semaphore_mem>>)
      %dma_wait3A_88 = arith.constant 0 : i32
      %dma_wait3A_89 = tpu.memref_slice %arg6[%arg0, %mul3A_0, %dma_wait3A_88] : memref<2x10240x128xf32, #tpu.memory_space<hbm>> -> memref<1x640x128xf32, #tpu.memory_space<hbm>>
      %dma_wait3A_90 = tpu.memref_squeeze %dma_wait3A_89 : memref<1x640x128xf32, #tpu.memory_space<hbm>> -> memref<640x128xf32, #tpu.memory_space<hbm>>
      %dma_wait3A_91 = arith.constant 0 : i32
      %dma_wait3A_92 = tpu.memref_slice %arg15[%mul3A_0, %dma_wait3A_91] : memref<10240x128xf32, #tpu.memory_space<vmem_shared>> -> memref<640x128xf32, #tpu.memory_space<vmem_shared>>
      tpu.wait_dma2 semaphore(%run_scoped3A : memref<!tpu.dma_semaphore, #tpu.memory_space<semaphore_mem>>) src(%dma_wait3A_92 : memref<640x128xf32, #tpu.memory_space<vmem_shared>>) dst(%dma_wait3A_90 : memref<640x128xf32, #tpu.memory_space<hbm>>)
      tpu.yield
    }) : () -> ()
    return
  }
}

module attributes {stable_mosaic.version = 14 : i64} {
  func.func @_tc_prep_body(%arg0: i32, %arg1: memref<2x6400xi32, #tpu.memory_space<vmem>>, %arg2: memref<1x6400xi32, #tpu.memory_space<vmem>>) attributes {dimension_semantics = [#tpu.dimension_semantics<arbitrary>], iteration_bounds = array<i64: 50>, scalar_prefetch = 0 : i64, scratch_operands = 0 : i64, tpu.core_type = #tpu.core_type<tc>, window_params = [{transform_indices = @transform_0, window_bounds = array<i64: 2, 6400>}, {transform_indices = @transform_1, window_bounds = array<i64: 1, 6400>}]} {
    %get3A = arith.constant 0 : index
    %get3A_0 = arith.constant 0 : index
    %get3A_1 = vector.load %arg1[%get3A, %get3A_0] : memref<2x6400xi32, #tpu.memory_space<vmem>>, vector<1x6400xi32>
    %get3A_2 = arith.constant 1 : index
    %get3A_3 = arith.constant 0 : index
    %get3A_4 = vector.load %arg1[%get3A_2, %get3A_3] : memref<2x6400xi32, #tpu.memory_space<vmem>>, vector<1x6400xi32>
    %eq3A = arith.cmpi eq, %get3A_1, %get3A_4 : vector<1x6400xi32>
    %jit3A = arith.constant 10000 : i32
    %broadcast_in_dim3A = vector.broadcast %jit3A : i32 to vector<1x6400xi32>
    %select_n3A = arith.select %eq3A, %broadcast_in_dim3A, %get3A_4 : vector<1x6400xi1>, vector<1x6400xi32>
    %swap3A = arith.constant 0 : index
    %swap3A_5 = arith.constant 0 : index
    %swap3A_6 = vector.load %arg2[%swap3A, %swap3A_5] : memref<1x6400xi32, #tpu.memory_space<vmem>>, vector<1x6400xi32>
    tpu.vector_store %arg2[%swap3A, %swap3A_5], %select_n3A {strides = array<i32>} : memref<1x6400xi32, #tpu.memory_space<vmem>>, vector<1x6400xi32>,
    return
  }
  func.func @transform_0(%arg0: i32) -> (i32, i32) {
    %c0_i32 = arith.constant 0 : i32
    %c0_i32_0 = arith.constant 0 : i32
    return %c0_i32, %arg0 : i32, i32
  }
  func.func @transform_1(%arg0: i32) -> (i32, i32) {
    %c0_i32 = arith.constant 0 : i32
    %c0_i32_0 = arith.constant 0 : i32
    return %c0_i32, %arg0 : i32, i32
  }
}

module attributes {stable_mosaic.version = 14 : i64} {
  func.func @_tc_first_body(%arg0: i32, %arg1: memref<400x128xf32, #tpu.memory_space<vmem>>, %arg2: memref<128x128xf32, #tpu.memory_space<vmem>>, %arg3: memref<400x128xf32, #tpu.memory_space<vmem>>, %arg4: memref<400x128xf32, #tpu.memory_space<vmem>>, %arg5: memref<400x128xf32, #tpu.memory_space<vmem>>, %arg6: memref<400x16xf32, #tpu.memory_space<vmem>>) attributes {dimension_semantics = [#tpu.dimension_semantics<arbitrary>], iteration_bounds = array<i64: 25>, scalar_prefetch = 0 : i64, scratch_operands = 0 : i64, tpu.core_type = #tpu.core_type<tc>, window_params = [{transform_indices = @transform_0, window_bounds = array<i64: 400, 128>}, {pipeline_mode = #tpu.pipeline_mode<synchronous>, transform_indices = @transform_1, window_bounds = array<i64: 128, 128>}, {transform_indices = @transform_2, window_bounds = array<i64: 400, 128>}, {transform_indices = @transform_3, window_bounds = array<i64: 400, 128>}, {transform_indices = @transform_4, window_bounds = array<i64: 400, 128>}, {transform_indices = @transform_5, window_bounds = array<i64: 400, 16>}]} {
    %get3A = arith.constant 0 : index
    %get3A_0 = arith.constant 0 : index
    %get3A_1 = vector.load %arg3[%get3A, %get3A_0] : memref<400x128xf32, #tpu.memory_space<vmem>>, vector<400x1xf32>
    %get3A_2 = arith.constant 0 : index
    %get3A_3 = arith.constant 0 : index
    %get3A_4 = vector.load %arg4[%get3A_2, %get3A_3] : memref<400x128xf32, #tpu.memory_space<vmem>>, vector<400x1xf32>
    %add3A = arith.addf %get3A_1, %get3A_4 : vector<400x1xf32>
    %add3A_5 = arith.constant 1.000000e+00 : f32
    %add3A_6 = vector.broadcast %add3A_5 : f32 to vector<400x1xf32>
    %add3A_7 = arith.addf %add3A, %add3A_6 : vector<400x1xf32>
    %rsqrt3A = math.rsqrt %add3A_7 : vector<400x1xf32>
    %get3A_8 = arith.constant 0 : index
    %get3A_9 = arith.constant 0 : index
    %get3A_10 = vector.load %arg1[%get3A_8, %get3A_9] : memref<400x128xf32, #tpu.memory_space<vmem>>, vector<400x128xf32>
    %get3A_11 = arith.constant 0 : index
    %get3A_12 = arith.constant 0 : index
    %get3A_13 = vector.load %arg2[%get3A_11, %get3A_12] : memref<128x128xf32, #tpu.memory_space<vmem>>, vector<128x128xf32>
    %dot_general3A = arith.constant dense<0.000000e+00> : vector<400x128xf32>
    %dot_general3A_14 = tpu.matmul %get3A_10, %get3A_13, %dot_general3A {dimension_numbers = #tpu.dot_dimension_numbers<[1], [0], [0], [1], [0, 0, 1, 1], [], []>, transpose_lhs_hint = false} : vector<400x128xf32>, vector<128x128xf32>, vector<400x128xf32> -> vector<400x128xf32>
    %mul3A = vector.broadcast %rsqrt3A : vector<400x1xf32> to vector<400x128xf32>
    %mul3A_15 = arith.mulf %mul3A, %dot_general3A_14 : vector<400x128xf32>
    %swap3A = arith.constant 0 : index
    %swap3A_16 = arith.constant 0 : index
    %swap3A_17 = vector.load %arg5[%swap3A, %swap3A_16] : memref<400x128xf32, #tpu.memory_space<vmem>>, vector<400x128xf32>
    tpu.vector_store %arg5[%swap3A, %swap3A_16], %mul3A_15 {strides = array<i32>} : memref<400x128xf32, #tpu.memory_space<vmem>>, vector<400x128xf32>,
    %broadcast_in_dim3A = vector.shape_cast %rsqrt3A : vector<400x1xf32> to vector<400x1xf32>
    %broadcast_in_dim3A_18 = vector.broadcast %broadcast_in_dim3A : vector<400x1xf32> to vector<400x16xf32>
    %swap3A_19 = arith.constant 0 : index
    %swap3A_20 = arith.constant 0 : index
    %swap3A_21 = vector.load %arg6[%swap3A_19, %swap3A_20] : memref<400x16xf32, #tpu.memory_space<vmem>>, vector<400x16xf32>
    tpu.vector_store %arg6[%swap3A_19, %swap3A_20], %broadcast_in_dim3A_18 {strides = array<i32>} : memref<400x16xf32, #tpu.memory_space<vmem>>, vector<400x16xf32>,
    return
  }
  func.func @transform_0(%arg0: i32) -> (i32, i32) {
    %c0_i32 = arith.constant 0 : i32
    %c0_i32_0 = arith.constant 0 : i32
    return %arg0, %c0_i32 : i32, i32
  }
  func.func @transform_1(%arg0: i32) -> (i32, i32) {
    %c0_i32 = arith.constant 0 : i32
    %c0_i32_0 = arith.constant 0 : i32
    %c0_i32_1 = arith.constant 0 : i32
    return %c0_i32, %c0_i32_0 : i32, i32
  }
  func.func @transform_2(%arg0: i32) -> (i32, i32) {
    %c0_i32 = arith.constant 0 : i32
    %c0_i32_0 = arith.constant 0 : i32
    return %arg0, %c0_i32 : i32, i32
  }
  func.func @transform_3(%arg0: i32) -> (i32, i32) {
    %c0_i32 = arith.constant 0 : i32
    %c0_i32_0 = arith.constant 0 : i32
    return %arg0, %c0_i32 : i32, i32
  }
  func.func @transform_4(%arg0: i32) -> (i32, i32) {
    %c0_i32 = arith.constant 0 : i32
    %c0_i32_0 = arith.constant 0 : i32
    return %arg0, %c0_i32 : i32, i32
  }
  func.func @transform_5(%arg0: i32) -> (i32, i32) {
    %c0_i32 = arith.constant 0 : i32
    %c0_i32_0 = arith.constant 0 : i32
    return %arg0, %c0_i32 : i32, i32
  }
}

module attributes {stable_mosaic.version = 14 : i64} {
  func.func @_tc_mid_body(%arg0: i32, %arg1: memref<400x128xf32, #tpu.memory_space<vmem>>, %arg2: memref<400x128xf32, #tpu.memory_space<vmem>>, %arg3: memref<400x128xf32, #tpu.memory_space<vmem>>, %arg4: memref<400x16xf32, #tpu.memory_space<vmem>>, %arg5: memref<1x128xf32, #tpu.memory_space<vmem>>, %arg6: memref<128x128xf32, #tpu.memory_space<vmem>>, %arg7: memref<400x128xf32, #tpu.memory_space<vmem>>) attributes {dimension_semantics = [#tpu.dimension_semantics<arbitrary>], iteration_bounds = array<i64: 25>, scalar_prefetch = 0 : i64, scratch_operands = 0 : i64, tpu.core_type = #tpu.core_type<tc>, window_params = [{transform_indices = @transform_0, window_bounds = array<i64: 400, 128>}, {transform_indices = @transform_1, window_bounds = array<i64: 400, 128>}, {transform_indices = @transform_2, window_bounds = array<i64: 400, 128>}, {transform_indices = @transform_3, window_bounds = array<i64: 400, 16>}, {pipeline_mode = #tpu.pipeline_mode<synchronous>, transform_indices = @transform_4, window_bounds = array<i64: 1, 128>}, {pipeline_mode = #tpu.pipeline_mode<synchronous>, transform_indices = @transform_5, window_bounds = array<i64: 128, 128>}, {transform_indices = @transform_6, window_bounds = array<i64: 400, 128>}]} {
    %get3A = arith.constant 0 : index
    %get3A_0 = arith.constant 0 : index
    %get3A_1 = vector.load %arg4[%get3A, %get3A_0] : memref<400x16xf32, #tpu.memory_space<vmem>>, vector<400x1xf32>
    %get3A_2 = arith.constant 0 : index
    %get3A_3 = arith.constant 0 : index
    %get3A_4 = vector.load %arg1[%get3A_2, %get3A_3] : memref<400x128xf32, #tpu.memory_space<vmem>>, vector<400x128xf32>
    %get3A_5 = arith.constant 0 : index
    %get3A_6 = arith.constant 0 : index
    %get3A_7 = vector.load %arg2[%get3A_5, %get3A_6] : memref<400x128xf32, #tpu.memory_space<vmem>>, vector<400x128xf32>
    %add3A = arith.addf %get3A_4, %get3A_7 : vector<400x128xf32>
    %get3A_8 = arith.constant 0 : index
    %get3A_9 = arith.constant 0 : index
    %get3A_10 = vector.load %arg3[%get3A_8, %get3A_9] : memref<400x128xf32, #tpu.memory_space<vmem>>, vector<400x128xf32>
    %add3A_11 = arith.addf %add3A, %get3A_10 : vector<400x128xf32>
    %mul3A = vector.broadcast %get3A_1 : vector<400x1xf32> to vector<400x128xf32>
    %mul3A_12 = arith.mulf %mul3A, %add3A_11 : vector<400x128xf32>
    %get3A_13 = arith.constant 0 : index
    %get3A_14 = arith.constant 0 : index
    %get3A_15 = vector.load %arg5[%get3A_13, %get3A_14] : memref<1x128xf32, #tpu.memory_space<vmem>>, vector<1x128xf32>
    %add3A_16 = vector.broadcast %get3A_15 : vector<1x128xf32> to vector<400x128xf32>
    %add3A_17 = arith.addf %mul3A_12, %add3A_16 : vector<400x128xf32>
    %max3A = arith.constant 0.000000e+00 : f32
    %max3A_18 = vector.broadcast %max3A : f32 to vector<400x128xf32>
    %max3A_19 = arith.maximumf %add3A_17, %max3A_18 : vector<400x128xf32>
    %get3A_20 = arith.constant 0 : index
    %get3A_21 = arith.constant 0 : index
    %get3A_22 = vector.load %arg6[%get3A_20, %get3A_21] : memref<128x128xf32, #tpu.memory_space<vmem>>, vector<128x128xf32>
    %dot_general3A = arith.constant dense<0.000000e+00> : vector<400x128xf32>
    %dot_general3A_23 = tpu.matmul %max3A_19, %get3A_22, %dot_general3A {dimension_numbers = #tpu.dot_dimension_numbers<[1], [0], [0], [1], [0, 0, 1, 1], [], []>, transpose_lhs_hint = false} : vector<400x128xf32>, vector<128x128xf32>, vector<400x128xf32> -> vector<400x128xf32>
    %mul3A_24 = vector.broadcast %get3A_1 : vector<400x1xf32> to vector<400x128xf32>
    %mul3A_25 = arith.mulf %mul3A_24, %dot_general3A_23 : vector<400x128xf32>
    %swap3A = arith.constant 0 : index
    %swap3A_26 = arith.constant 0 : index
    %swap3A_27 = vector.load %arg7[%swap3A, %swap3A_26] : memref<400x128xf32, #tpu.memory_space<vmem>>, vector<400x128xf32>
    tpu.vector_store %arg7[%swap3A, %swap3A_26], %mul3A_25 {strides = array<i32>} : memref<400x128xf32, #tpu.memory_space<vmem>>, vector<400x128xf32>,
    return
  }
  func.func @transform_0(%arg0: i32) -> (i32, i32) {
    %c0_i32 = arith.constant 0 : i32
    %c0_i32_0 = arith.constant 0 : i32
    return %arg0, %c0_i32 : i32, i32
  }
  func.func @transform_1(%arg0: i32) -> (i32, i32) {
    %c0_i32 = arith.constant 0 : i32
    %c0_i32_0 = arith.constant 0 : i32
    return %arg0, %c0_i32 : i32, i32
  }
  func.func @transform_2(%arg0: i32) -> (i32, i32) {
    %c0_i32 = arith.constant 0 : i32
    %c0_i32_0 = arith.constant 0 : i32
    return %arg0, %c0_i32 : i32, i32
  }
  func.func @transform_3(%arg0: i32) -> (i32, i32) {
    %c0_i32 = arith.constant 0 : i32
    %c0_i32_0 = arith.constant 0 : i32
    return %arg0, %c0_i32 : i32, i32
  }
  func.func @transform_4(%arg0: i32) -> (i32, i32) {
    %c0_i32 = arith.constant 0 : i32
    %c0_i32_0 = arith.constant 0 : i32
    %c0_i32_1 = arith.constant 0 : i32
    return %c0_i32, %c0_i32_0 : i32, i32
  }
  func.func @transform_5(%arg0: i32) -> (i32, i32) {
    %c0_i32 = arith.constant 0 : i32
    %c0_i32_0 = arith.constant 0 : i32
    %c0_i32_1 = arith.constant 0 : i32
    return %c0_i32, %c0_i32_0 : i32, i32
  }
  func.func @transform_6(%arg0: i32) -> (i32, i32) {
    %c0_i32 = arith.constant 0 : i32
    %c0_i32_0 = arith.constant 0 : i32
    return %arg0, %c0_i32 : i32, i32
  }
}

module attributes {stable_mosaic.version = 14 : i64} {
  func.func @_tc_last_body(%arg0: i32, %arg1: memref<400x128xf32, #tpu.memory_space<vmem>>, %arg2: memref<400x128xf32, #tpu.memory_space<vmem>>, %arg3: memref<400x128xf32, #tpu.memory_space<vmem>>, %arg4: memref<400x16xf32, #tpu.memory_space<vmem>>, %arg5: memref<1x128xf32, #tpu.memory_space<vmem>>, %arg6: memref<400x128xf32, #tpu.memory_space<vmem>>) attributes {dimension_semantics = [#tpu.dimension_semantics<arbitrary>], iteration_bounds = array<i64: 25>, scalar_prefetch = 0 : i64, scratch_operands = 0 : i64, tpu.core_type = #tpu.core_type<tc>, window_params = [{transform_indices = @transform_0, window_bounds = array<i64: 400, 128>}, {transform_indices = @transform_1, window_bounds = array<i64: 400, 128>}, {transform_indices = @transform_2, window_bounds = array<i64: 400, 128>}, {transform_indices = @transform_3, window_bounds = array<i64: 400, 16>}, {pipeline_mode = #tpu.pipeline_mode<synchronous>, transform_indices = @transform_4, window_bounds = array<i64: 1, 128>}, {transform_indices = @transform_5, window_bounds = array<i64: 400, 128>}]} {
    %get3A = arith.constant 0 : index
    %get3A_0 = arith.constant 0 : index
    %get3A_1 = vector.load %arg4[%get3A, %get3A_0] : memref<400x16xf32, #tpu.memory_space<vmem>>, vector<400x1xf32>
    %get3A_2 = arith.constant 0 : index
    %get3A_3 = arith.constant 0 : index
    %get3A_4 = vector.load %arg1[%get3A_2, %get3A_3] : memref<400x128xf32, #tpu.memory_space<vmem>>, vector<400x128xf32>
    %get3A_5 = arith.constant 0 : index
    %get3A_6 = arith.constant 0 : index
    %get3A_7 = vector.load %arg2[%get3A_5, %get3A_6] : memref<400x128xf32, #tpu.memory_space<vmem>>, vector<400x128xf32>
    %add3A = arith.addf %get3A_4, %get3A_7 : vector<400x128xf32>
    %get3A_8 = arith.constant 0 : index
    %get3A_9 = arith.constant 0 : index
    %get3A_10 = vector.load %arg3[%get3A_8, %get3A_9] : memref<400x128xf32, #tpu.memory_space<vmem>>, vector<400x128xf32>
    %add3A_11 = arith.addf %add3A, %get3A_10 : vector<400x128xf32>
    %mul3A = vector.broadcast %get3A_1 : vector<400x1xf32> to vector<400x128xf32>
    %mul3A_12 = arith.mulf %mul3A, %add3A_11 : vector<400x128xf32>
    %get3A_13 = arith.constant 0 : index
    %get3A_14 = arith.constant 0 : index
    %get3A_15 = vector.load %arg5[%get3A_13, %get3A_14] : memref<1x128xf32, #tpu.memory_space<vmem>>, vector<1x128xf32>
    %add3A_16 = vector.broadcast %get3A_15 : vector<1x128xf32> to vector<400x128xf32>
    %add3A_17 = arith.addf %mul3A_12, %add3A_16 : vector<400x128xf32>
    %swap3A = arith.constant 0 : index
    %swap3A_18 = arith.constant 0 : index
    %swap3A_19 = vector.load %arg6[%swap3A, %swap3A_18] : memref<400x128xf32, #tpu.memory_space<vmem>>, vector<400x128xf32>
    tpu.vector_store %arg6[%swap3A, %swap3A_18], %add3A_17 {strides = array<i32>} : memref<400x128xf32, #tpu.memory_space<vmem>>, vector<400x128xf32>,
    return
  }
  func.func @transform_0(%arg0: i32) -> (i32, i32) {
    %c0_i32 = arith.constant 0 : i32
    %c0_i32_0 = arith.constant 0 : i32
    return %arg0, %c0_i32 : i32, i32
  }
  func.func @transform_1(%arg0: i32) -> (i32, i32) {
    %c0_i32 = arith.constant 0 : i32
    %c0_i32_0 = arith.constant 0 : i32
    return %arg0, %c0_i32 : i32, i32
  }
  func.func @transform_2(%arg0: i32) -> (i32, i32) {
    %c0_i32 = arith.constant 0 : i32
    %c0_i32_0 = arith.constant 0 : i32
    return %arg0, %c0_i32 : i32, i32
  }
  func.func @transform_3(%arg0: i32) -> (i32, i32) {
    %c0_i32 = arith.constant 0 : i32
    %c0_i32_0 = arith.constant 0 : i32
    return %arg0, %c0_i32 : i32, i32
  }
  func.func @transform_4(%arg0: i32) -> (i32, i32) {
    %c0_i32 = arith.constant 0 : i32
    %c0_i32_0 = arith.constant 0 : i32
    %c0_i32_1 = arith.constant 0 : i32
    return %c0_i32, %c0_i32_0 : i32, i32
  }
  func.func @transform_5(%arg0: i32) -> (i32, i32) {
    %c0_i32 = arith.constant 0 : i32
    %c0_i32_0 = arith.constant 0 : i32
    return %arg0, %c0_i32 : i32, i32
  }
}

</mosaic_0001>

<sc_bundles>
// kernel: kernel.11.cloned.1.call-start
scs
__scs_entry_jumppad:
0x0: {  	(pc) =	sbr.rel $0x88, $3  }
0x1: {  	(tag) =	ssettag $0x0;
	lr =	simm.s32 $0x1  }
0x2: {  	[smem:$0x3F99] =	sst lr;
	_ =	strace $0xD0000000  }
0x3: {  	_ = 	snop  }
0x4: {  	_ = 	snop  }
0x5: {  	_ = 	snop  }
0x6: {  	_ = 	snop  }
0x7: {  	_ = 	snop  }
__scs_overlays_trampoline_lowered:
0x8: {  	[smem:$0x3FA8] =	sst s0  }
0x9: {  	[smem:$0x3FA9] =	sst s1  }
0xa: {  	[smem:$0x3FAA] =	sst s2  }
0xb: {  	[smem:$0x3FAB] =	sst s3  }
0xc: {  	[smem:$0x3FAC] =	sst s4  }
0xd: {  	[smem:$0x3FAD] =	sst s5  }
0xe: {  	[smem:$0x3FAE] =	sst s6  }
0xf: {  	[smem:$0x3FAF] =	sst s7  }
0x10: {  	[smem:$0x3FB0] =	sst s8  }
0x11: {  	[smem:$0x3FB1] =	sst s9;
	s0 =	simm.s32 @!p0 $0x0  }
0x12: {  	s1 =	sld [smem:$0x3F97];
	s0 =	simm.s32 @p0 $0x1  }
0x13: {  	[smem:$0x3FB2] =	sst s0;
	s0 =	simm.s32 @!p1 $0x0  }
0x14: {  	s2 =	sld [smem:$0x3F96];
	s0 =	simm.s32 @p1 $0x1  }
0x15: {  	[smem:$0x3FB3] =	sst s0;
	s0 =	simm.s32 @!p2 $0x0  }
0x16: {  	s3 =	sld [smem:$0x3FDB];
	s0 =	simm.s32 @p2 $0x1  }
0x17: {  	s4 =	simm.s32 $0x1BF5;
	[smem:$0x3FB5] =	sst s0  }
0x18: {  	s0 =	sld [smem:$0x3F98];
	_ =	swait.ge [sflag:s4], $0x0  }
0x19: {  	s7 =	sld [smem:$0x3F99]  }
0x1a: {  	s8 =	sadd.s32 $0xFFFFE003, lr  }
0x1b: {  	s9 =	sadd.s32 $0xFFFFFEF7, lr;
	s5 =	simm.s32 $0xFFFFFFFF;
	p2 =	slt.u32 s8, $0xFFFFF086  }
0x1c: {  	p1 =	slt.u32 s9, $0xF7A;
	s5 =	simm.s32 @!p2 $0x0  }
0x1d: {  	s5 =	simm.s32 @p1 $0x1;
	p0 =	seq.s32 s7, s2  }
0x1e: {  	s7 =	smul.u32 @!p0 $0xF7A, s2;
	p2 =	seq.s32 @!p0 s5, $0x0  }
0x1f: {  	s9 =	smul.u32 $0xF7A, s1;
	s8 =	simm.s32 @!p0 $0x1BF5;
	p2 =	por !p2, p0  }
0x20: {  	[sflag:s8] =	ssyncset.s32 @!p0 $0xFFFFF086;
	s6 =	sadd.s32 @!p0 s3, s7;
	s7 =	simm.s32 @!p0 $0x108  }
0x21: {  	s3 =	sadd.s32 s3, s9;
	s6 =	sadd.s32 @!p0 $0x88, s6;
	s7 =	simm.s32 @p2 $0x1082  }
0x22: {  	[simem:s7], [sflag:s8] =	dma.local @!p0 [hbm:s6], $0xF7A  }
0x23: {  	s9 =	sor.u32 $0xD0000000, s2;
	s6 =	simm.s32 $0x108;
	_ =	swait.ge @!p0 [sflag:s8], $0x0  }
0x24: {  	s3 =	sadd.s32 $0x88, s3;
	s6 =	simm.s32 @!p1 $0x1082;
	[sflag:s4] =	ssyncset.s32 $0xFFFFF086  }
0x25: {  	[simem:s6], [sflag:s4] =	dma.local [hbm:s3], $0xF7A  }
0x26: {  	[smem:$0x3F99] =	sst s1;
	(tag) =	ssettag s2;
	_ =	strace s9  }
0x27: {  	s1 =	sld [smem:$0x3FA9]  }
0x28: {  	s2 =	sld [smem:$0x3FAA]  }
0x29: {  	s4 =	sld [smem:$0x3FAC]  }
0x2a: {  	p0 =	seq.s32 s5, $0x0;
	s5 =	sld [smem:$0x3FAD]  }
0x2b: {  	s6 =	sld [smem:$0x3FAE]  }
0x2c: {  	s7 =	sld [smem:$0x3FAF]  }
0x2d: {  	s3 =	simm.s32 $0x108;
	s8 =	sld [smem:$0x3FB0]  }
0x2e: {  	s3 =	simm.s32 @!p0 $0x1082;
	s9 =	sld [smem:$0x3FB1]  }
0x2f: {  	lr =	sadd.s32 s0, s3;
	s0 =	sld [smem:$0x3FA8]  }
0x30: {  	s3 =	sld [smem:$0x3FAB]  }
0x31: {  	[smem:$0x3FB4] =	sst s10  }
0x32: {  	s10 =	sld [smem:$0x3FB2];
	_ =	sdelay $0x3  }
0x33: {  	p0 =	seq.s32 s10, $0x1;
	s10 =	sld [smem:$0x3FB4];
	_ =	sdelay $0x3  }
0x34: {  	[smem:$0x3FB4] =	sst s10  }
0x35: {  	s10 =	sld [smem:$0x3FB3];
	_ =	sdelay $0x3  }
0x36: {  	p1 =	seq.s32 s10, $0x1;
	s10 =	sld [smem:$0x3FB4];
	_ =	sdelay $0x3  }
0x37: {  	[smem:$0x3FB4] =	sst s10  }
0x38: {  	s10 =	sld [smem:$0x3FB5]  }
0x39: {  	_ = 	snop;
	(pc) =	sbr.ind lr, $3  }
0x3a: {  	_ = 	snop  }
0x3b: {  	_ = 	snop  }
0x3c: {  	p2 =	seq.s32 s10, $0x1;
	s10 =	sld [smem:$0x3FB4]  }
0x3d: {  	_ =	shalt  }
0x3e: {  	_ =	shalt  }
0x3f: {  	_ =	shalt  }
0x40: {  	_ =	shalt  }
0x41: {  	_ =	shalt  }
0x42: {  	_ =	shalt  }
0x43: {  	_ =	shalt  }
0x44: {  	_ =	shalt  }
0x45: {  	_ =	shalt  }
0x46: {  	_ =	shalt  }
0x47: {  	_ =	shalt  }
0x48: {  	_ =	shalt  }
0x49: {  	_ =	shalt  }
0x4a: {  	_ =	shalt  }
0x4b: {  	_ =	shalt  }
0x4c: {  	_ =	shalt  }
0x4d: {  	_ =	shalt  }
0x4e: {  	_ =	shalt  }
0x4f: {  	_ =	shalt  }
0x50: {  	_ =	shalt  }
0x51: {  	_ =	shalt  }
0x52: {  	_ =	shalt  }
0x53: {  	_ =	shalt  }
0x54: {  	_ =	shalt  }
0x55: {  	_ =	shalt  }
0x56: {  	_ =	shalt  }
0x57: {  	_ =	shalt  }
0x58: {  	_ =	shalt  }
0x59: {  	_ =	shalt  }
0x5a: {  	_ =	shalt  }
0x5b: {  	_ =	shalt  }
0x5c: {  	_ =	shalt  }
0x5d: {  	_ =	shalt  }
0x5e: {  	_ =	shalt  }
0x5f: {  	_ =	shalt  }
0x60: {  	_ =	shalt  }
0x61: {  	_ =	shalt  }
0x62: {  	_ =	shalt  }
0x63: {  	_ =	shalt  }
0x64: {  	_ =	shalt  }
0x65: {  	_ =	shalt  }
0x66: {  	_ =	shalt  }
0x67: {  	_ =	shalt  }
0x68: {  	_ =	shalt  }
0x69: {  	_ =	shalt  }
0x6a: {  	_ =	shalt  }
0x6b: {  	_ =	shalt  }
0x6c: {  	_ =	shalt  }
0x6d: {  	_ =	shalt  }
0x6e: {  	_ =	shalt  }
0x6f: {  	_ =	shalt  }
0x70: {  	_ =	shalt  }
0x71: {  	_ =	shalt  }
0x72: {  	_ =	shalt  }
0x73: {  	_ =	shalt  }
0x74: {  	_ =	shalt  }
0x75: {  	_ =	shalt  }
0x76: {  	_ =	shalt  }
0x77: {  	_ =	shalt  }
0x78: {  	_ =	shalt  }
0x79: {  	_ =	shalt  }
0x7a: {  	_ =	shalt  }
0x7b: {  	_ =	shalt  }
0x7c: {  	_ =	shalt  }
0x7d: {  	_ =	shalt  }
0x7e: {  	_ =	shalt  }
0x7f: {  	_ =	shalt  }
0x80: {  	_ =	shalt  }
0x81: {  	_ =	shalt  }
0x82: {  	_ =	shalt  }
0x83: {  	_ =	shalt  }
0x84: {  	_ =	shalt  }
0x85: {  	_ =	shalt  }
0x86: {  	_ =	shalt  }
0x87: {  	_ =	shalt  }
.Lfunc_end0:
.L_simem_size_0:
called_computation_lowered:
.L_overlay_start_0:
0x88: {  	s2 =	sld [smem:$0x3FD9]  }
0x89: {  	s3 =	sld [smem:$0x3FFE];
	_ =	sdelay $0x1  }
0x8a: {  	s1 =	srdreg.scid  }
0x8b: {  	s0 =	sand.u32 $0x1, s1  }
0x8c: {  	s17 =	sshll.u32 s0, $0xA;
	s2 =	sadd.s32 s3, s2  }
0x8d: {  	s2 =	sadd.s32 s2, s17  }
0x8e: {  	[smem:$0x3FC0] =	sst s2  }
0x8f: {  	_ = 	snop  }
0x90: {  	s2 =	sld [smem:$0x3FD0];
	(tm) =	ssettm $0x1  }
0x91: {  	s18 =	sld [smem:$0x3FFB];
	_ =	sdelay $0x3  }
0x92: {  	_ =	strace s18  }
0x93: {  	s3 =	sld [smem:$0x3FFC];
	_ =	sdelay $0x3  }
0x94: {  	_ =	strace s3  }
0x95: {  	s3 =	sld [smem:$0x3FFD];
	_ =	sdelay $0x3  }
0x96: {  	_ =	strace s3  }
0x97: {  	_ =	strace $0x8FFFFFFF  }
0x98: {  	s19 =	sld [smem:$0x3FDB];
	_ =	sdelay $0x1  }
0x99: {  	s4 =	simm.s32 $_scs_section_size  }
0x9a: {  	s5 =	simm.s32 $_size__tile_overlayer_lowered;
	s6 =	simm.s32 $_tile_overlayer_lowered  }
0x9b: {  	s22 =	simm.s32 $0x1BFF;
	s21 =	sshll.u32 s6, $0x1;
	s3 =	sadd.s32 s4, s19  }
0x9c: {  	s7 =	simm.s32 $0x0;
	s20 =	sshll.u32 s5, $0x1;
	s5 =	sadd.s32 s21, s3  }
0x9d: {  	[timem:s7], [sflag:s22] =	dma.local [hbm:s5], s20  }
0x9e: {  	_ =	swait.ge [sflag:s22], s20  }
0x9f: {  	s4 =	ssub.s32 $0x0, s20;
	[sflag:s22] =	ssyncset.done $0x0  }
0xa0: {  	[sflag:s22] =	ssyncadd.s32 s4;
	_ =	sdelay $0x1  }
0xa1: {  	s23 =	simm.s32 $0x1B8B  }
0xa2: {  	_ =	swait.ge [sflag:s23], $0x1  }
0xa3: {  	[sflag:s23] =	ssyncset.done $0x0  }
0xa4: {  	s25 =	simm.s32 $0x1B8E;
	s24 =	sld [smem:$0x3FFE];
	[sflag:s23] =	ssyncadd.s32 $0xFFFFFFFF  }
0xa5: {  	s26 =	simm.s32 $execute0_lowered;
	[smem:$0x3FD2] =	sst s25  }
0xa6: {  	s5 =	sshll.u32 s26, $0x1;
	_ =	strace $0x80000046;
	[dreg:$0x1] =	wrdreg $0xFFFFFFFF  }
0xa7: {  	s28 =	simm.s32 $_size_execute0_lowered;
	s3 =	sadd.s32 s3, s5;
	[dreg:$0x0] =	wrdreg $0x0  }
0xa8: {  	s5 =	sshll.u32 s28, $0x1;
	[dreg:$0x2] =	wrdreg s3  }
0xa9: {  	[dreg:$0x3] =	wrdreg s5  }
0xaa: {  	[dreg:$0x4] =	wrdreg $0xC0  }
0xab: {  	_ =	task [dreg:s7], $0x5FFFF  }
0xac: {  	[dreg:$0x1] =	wrdreg $0xFFFFFFFF  }
0xad: {  	[dreg:$0x0] =	wrdreg $0x60  }
0xae: {  	[dreg:$0x2] =	wrdreg s24  }
0xaf: {  	[dreg:$0x3] =	wrdreg s2  }
0xb0: {  	[dreg:$0x4] =	wrdreg $0x50800  }
0xb1: {  	[dreg:$0x5] =	wrdreg $0x9  }
0xb2: {  	_ =	task.clear_ibuf [dreg:s7], $0x6FFFF;
	_ =	strace $0x90000046  }
0xb3: {  	s29 =	simm.s32 $0x9;
	_ =	strace $0x80000048  }
0xb4: {  	_ =	swait.ge [sflag:s29], $0x1  }
0xb5: {  	[sflag:s29] =	ssyncadd.s32 $0xFFFFFFFF  }
0xb6: {  	_ =	strace $0x90000048  }
0xb7: {  	_ =	sfence  }
0xb8: {  	s30 =	sld [smem:$0x0];
	_ =	sdelay $0x2  }
0xb9: {  	s31 =	sshll.u32 s1, $0xD;
	s1 =	sshrl.u32 s1, $0x2  }
0xba: {  	s3 =	sand.u32 $0x4000, s31;
	s1 =	sadd.s32 s1, s30  }
0xbb: {  	s0 =	sor.u32 s3, s0;
	s1 =	sshll.u32 s1, $0x11  }
0xbc: {  	s0 =	sor.u32 s1, s0  }
0xbd: {  	s0 =	sadd.s32 $0x8F2B, s0  }
0xbe: {  	[sflag:s0] =	ssyncadd.remote.s32 $0x1  }
0xbf: {  	_ =	sfence.sel $0xFFFF  }
0xc0: {  	[dreg:$0x0] =	wrdreg $0xFFFFFFFF;
	(pc) =	sbr.abs _section_cstart, $3  }
0xc1: {  	[dreg:$0x1] =	wrdreg $0xFFFFFFFF  }
0xc2: {  	_ =	task.clear_ibuf [dreg:s7], $0x2FFFF;
	_ =	strace $0x9FFFFFFF  }
0xc3: {  	(tm) =	ssettm $0x7FFFFFFF  }
tec
execute0_lowered:
.L_overlay_start_1:
0x0: {  	(tag) =	ssettag $0x1  }
0x1: {  	s6 =	rddreg [dreg:$0x0]  }
0x2: {  	s0 =	srdreg.scid;
	s2 =	rddreg [dreg:$0x1]  }
0x3: {  	s3 =	rddreg [dreg:$0x2];
	s4 =	simm.s32 $0x0;
	s13 =	simm.s32 $0x100  }
0x4: {  	s14 =	simm.s32 $0x50;
	s15 =	simm.s32 $0x80;
	s16 =	simm.s32 $0x1  }
0x5: {  	s17 =	simm.s32 $0x2;
	s5 =	sand.u32 $0x1, s0;
	s0 =	stileid.u32  }
0x6: {  	s18 =	simm.s32 $0x0;
	[smem:$0x7FF] =	sst s4;
	s8 =	smul.u32 $0x14000, s0  }
0x7: {  	s1 =	sshll.u32 s5, $0x4;
	s9 =	smul.u32 $0x140000, s5;
	s5 =	ssub.s32 $0x2, s5  }
0x8: {  	s28 =	smul.u32 $0x50000, s0;
	s31 =	sshll.u32 s0, $0x6;
	s1 =	sor.u32 s0, s1  }
0x9: {  	s29 =	sshrl.u32 s5, $0x1;
	s7 =	smul.u32 $0x4E2, s1;
	s1 =	rddreg [dreg:$0x3]  }
0xa: {  	_ =	strace $0x80000047;
	s10 =	sshrl.u32 s8, $0x3;
	s8 =	sadd.s32 s8, s9  }
0xb: {  	s11 =	ssub.s32 s5, s29;
	s30 =	sshrl.u32 s28, $0x2;
	s8 =	sshrl.u32 s8, $0x3  }
0xc: {  	s10 =	sadd.s32 s10, s6;
	s12 =	sadd.s32 s30, s3;
	s9 =	smax.u32 s11, $0x1  }
0xd: {  	s11 =	simm.s32 $0x3;
	s7 =	sadd.s32 s7, s6;
	s8 =	sadd.s32 s8, s6  }
0xe: {  	s5 =	sadd.s32 $0xE600, s10;
	s6 =	sor.u32 $0x1C03, s31;
	s10 =	sshrl.u32 s12, $0x3  }
0xf: {  	s12 =	simm.s32 $0x2880;
	s7 =	sadd.s32 $0x4800, s7;
	s8 =	sadd.s32 $0x36600, s8  }
.LBB2_1:
0x10: {  	[spmem:s10], [sflag:s6] =	dma.local [hbm:s5], $0x2800  }
0x11: {  	_ =	swait.ge [sflag:s11], $0x2800  }
0x12: {  	[sflag:s11] =	ssyncset.done $0x0  }
0x13: {  	[sflag:s11] =	ssyncadd.s32 $0xFFFFD800  }
0x14: {  	[tilespmem:s12], [sflag:$0x3] =	stream.linear.gather [hbm4b:s2+s4], $0x2800, $0x38;
	[tilespmem:$0x19080] =	vst v63  }
0x15: {  	_ =	swait.ge [sflag:s11], $0x2800  }
0x16: {  	[sflag:s11] =	ssyncset.done $0x0  }
0x17: {  	[sflag:s11] =	ssyncadd.s32 $0xFFFFD800  }
0x18: {  	[tilespmem:s13], [sflag:$0x3] =	stream.linear.gather [hbm4b:s7+s4], $0x2710, $0x38;
	[tilespmem:$0x19080] =	vst v63  }
0x19: {  	_ =	swait.ge [sflag:s11], $0x2710  }
0x1a: {  	[sflag:s11] =	ssyncset.done $0x0  }
0x1b: {  	[sflag:s11] =	ssyncadd.s32 $0xFFFFD8F0  }
0x1c: {  	s19 =	simm.s32 $0x150;
	[bflag:$0x0] =	sbarrier.arrive $0xFFFF  }
0x1d: {  	v0 =	vld [tilespmem:s19+$0xFFFFFFB0];
	_ =	sdelay $0x4  }
0x1e: {  	[tilespmem:$0x0] =	vst v0  }
0x1f: {  	v0 =	vld [tilespmem:s19+$0xFFFFFFC0];
	_ =	sdelay $0x4  }
0x20: {  	[tilespmem:$0x10] =	vst v0  }
0x21: {  	v0 =	vld [tilespmem:s19+$0xFFFFFFD0];
	_ =	sdelay $0x4  }
0x22: {  	[tilespmem:$0x20] =	vst v0  }
0x23: {  	v0 =	vld [tilespmem:s19+$0xFFFFFFE0];
	_ =	sdelay $0x4  }
0x24: {  	[tilespmem:$0x30] =	vst v0  }
0x25: {  	v0 =	vld [tilespmem:s19+$0xFFFFFFF0];
	_ =	sdelay $0x4  }
0x26: {  	[tilespmem:$0x40] =	vst v0  }
0x27: {  	[spmem:s3] =	stream.indirect.scatter.add.f32 [tilespmem:s12], [sflag:$0x1], $0x80, s4, s14, $0xb8;
	[tilespmem:$0x19080] =	vst v63  }
0x28: {  	v0 =	vld [tilespmem:s19+$0x0];
	_ =	sdelay $0x4  }
0x29: {  	[tilespmem:$0x80] =	vst v0  }
0x2a: {  	v0 =	vld [tilespmem:s19+$0x10];
	_ =	sdelay $0x4  }
0x2b: {  	[tilespmem:$0x90] =	vst v0  }
0x2c: {  	v0 =	vld [tilespmem:s19+$0x20];
	_ =	sdelay $0x4  }
0x2d: {  	s20 =	sand.u32 $0x3FE0, s4;
	[tilespmem:$0xA0] =	vst v0  }
0x2e: {  	v0 =	vld [tilespmem:s20+$0x180];
	_ =	sdelay $0x4  }
0x2f: {  	[tilespmem:$0xB0] =	vst v0  }
0x30: {  	v0 =	vld [tilespmem:s19+$0x40];
	_ =	sdelay $0x4  }
0x31: {  	[tilespmem:$0xC0] =	vst v0  }
0x32: {  	[spmem:s3] =	stream.indirect.scatter.add.f32 [tilespmem:s12], [sflag:$0x2], $0x80, s15, s14, $0xb8;
	[tilespmem:$0x19080] =	vst v63  }
0x33: {  	_ =	swait.ge [sflag:s16], $0x2800  }
0x34: {  	[sflag:s16] =	ssyncset.done $0x0  }
0x35: {  	[sflag:s16] =	ssyncadd.s32 $0xFFFFD800  }
0x36: {  	_ =	swait.ge [sflag:s17], $0x2800  }
0x37: {  	s20 =	simm.s32 $0xA0;
	[sflag:s17] =	ssyncset.done $0x0  }
.LBB2_2:
0x38: {  	p0 =	sne.s32 s20, $0x2620;
	[sflag:s17] =	ssyncadd.s32 $0xFFFFD800;
	s19 =	sadd.s32 $0xA0, s19  }
0x39: {  	s21 =	smov.u32 s20;
	s20 =	sadd.s32 $0xA0, s20;
	v0 =	vld [tilespmem:s19+$0xFFFFFFB0];
	_ =	sdelay $0x4  }
0x3a: {  	[tilespmem:$0x0] =	vst v0  }
0x3b: {  	v0 =	vld [tilespmem:s19+$0xFFFFFFC0];
	_ =	sdelay $0x4  }
0x3c: {  	[tilespmem:$0x10] =	vst v0  }
0x3d: {  	v0 =	vld [tilespmem:s19+$0xFFFFFFD0];
	_ =	sdelay $0x4  }
0x3e: {  	[tilespmem:$0x20] =	vst v0  }
0x3f: {  	v0 =	vld [tilespmem:s19+$0xFFFFFFE0];
	_ =	sdelay $0x4  }
0x40: {  	[tilespmem:$0x30] =	vst v0  }
0x41: {  	v0 =	vld [tilespmem:s19+$0xFFFFFFF0];
	_ =	sdelay $0x4  }
0x42: {  	[tilespmem:$0x40] =	vst v0  }
0x43: {  	[spmem:s3] =	stream.indirect.scatter.add.f32 [tilespmem:s12], [sflag:$0x1], $0x80, s4, s14, $0xb8;
	[tilespmem:$0x19080] =	vst v63  }
0x44: {  	v0 =	vld [tilespmem:s19+$0x0];
	_ =	sdelay $0x4  }
0x45: {  	[tilespmem:$0x80] =	vst v0  }
0x46: {  	v0 =	vld [tilespmem:s19+$0x10];
	_ =	sdelay $0x4  }
0x47: {  	[tilespmem:$0x90] =	vst v0  }
0x48: {  	v0 =	vld [tilespmem:s19+$0x20];
	_ =	sdelay $0x4  }
0x49: {  	s21 =	sand.u32 $0x3FE0, s21;
	[tilespmem:$0xA0] =	vst v0  }
0x4a: {  	v0 =	vld [tilespmem:s21+$0x180];
	_ =	sdelay $0x4  }
0x4b: {  	[tilespmem:$0xB0] =	vst v0  }
0x4c: {  	v0 =	vld [tilespmem:s19+$0x40];
	_ =	sdelay $0x4  }
0x4d: {  	[tilespmem:$0xC0] =	vst v0  }
0x4e: {  	[spmem:s3] =	stream.indirect.scatter.add.f32 [tilespmem:s12], [sflag:$0x2], $0x80, s15, s14, $0xb8;
	[tilespmem:$0x19080] =	vst v63  }
.Ltmp0:
0x4f: {  	_ =	swait.ge [sflag:s16], $0x2800;
	(pc) =	sbr.rel @p0 .LBB2_2-.Ltmp0, $4  }
0x50: {  	[sflag:s16] =	ssyncset.done $0x0  }
0x51: {  	[sflag:s16] =	ssyncadd.s32 $0xFFFFD800  }
0x52: {  	_ =	swait.ge [sflag:s17], $0x2800  }
0x53: {  	[sflag:s17] =	ssyncset.done $0x0  }
0x54: {  	[sflag:s17] =	ssyncadd.s32 $0xFFFFD800  }
0x55: {  	v0 =	vld [tilespmem:$0x27C0]  }
0x56: {  	v1 =	vld [tilespmem:$0x27D0]  }
0x57: {  	v2 =	vld [tilespmem:$0x27E0]  }
0x58: {  	v3 =	vld [tilespmem:$0x27F0]  }
0x59: {  	v4 =	vld [tilespmem:$0x2800]  }
0x5a: {  	[tilespmem:$0x0] =	vst v0  }
0x5b: {  	[tilespmem:$0x10] =	vst v1  }
0x5c: {  	[tilespmem:$0x20] =	vst v2  }
0x5d: {  	[tilespmem:$0x30] =	vst v3  }
0x5e: {  	[tilespmem:$0x40] =	vst v4  }
0x5f: {  	[spmem:s3] =	stream.indirect.scatter.add.f32 [tilespmem:s12], [sflag:$0x3], $0x80, s4, s14, $0xb8;
	[tilespmem:$0x19080] =	vst v63  }
0x60: {  	_ =	swait.ge [sflag:s11], $0x2800  }
0x61: {  	s18 =	sadd.s32 $0x1, s18;
	[sflag:s11] =	ssyncset.done $0x0  }
0x62: {  	p0 =	sne.s32 s18, s9;
	[sflag:s11] =	ssyncadd.s32 $0xFFFFD800  }
.Ltmp1:
0x63: {  	[bflag:$0x0] =	sbarrier.arrive $0xFFFF;
	(pc) =	sbr.rel @p0 .LBB2_1-.Ltmp1, $4  }
0x64: {  	[hbm:s8], [sflag:s6] =	dma.local [spmem:s10], $0x2800  }
0x65: {  	_ =	swait.ge [sflag:s11], $0x2800  }
0x66: {  	[sflag:s11] =	ssyncset.done $0x0  }
0x67: {  	[sflag:s11] =	ssyncadd.s32 $0xFFFFD800  }
0x68: {  	_ =	sfence.sel $0x180000  }
0x69: {  	[bflag:$0x0] =	sbarrier.arrive $0xFFFF  }
0x6a: {  	p0 =	sne.s32 s0, $0x0;
	_ =	strace $0x90000047  }
0x6b: {  	s0 =	sadd.s32 @!p0 $0x100000, s1;
	[bflag:$0x2] =	sbarrier.arrive $0xFFFF  }
0x6c: {  	[sflag:s0] =	ssyncadd.tile.s32 @!p0 $0x1;
	_ =	shalt  }
.Lfunc_end2:
_tile_overlayer_lowered:
.L_overlay_start_2:
0x6d: {  	(tag) =	ssettag $0x2  }
0x6e: {  	s0 =	rddreg [dreg:$0x0];
	s2 =	stileid.u32  }
0x6f: {  	s1 =	rddreg [dreg:$0x1];
	p0 =	sne.s32 s2, $0x0  }
0x70: {  	s3 =	rddreg [dreg:$0x2];
	[bflag:$0x3] =	sbarrier.arrive $0xFFFF;
	s2 =	simm.s32 @!p0 $0x1C03  }
0x71: {  	[timem:s3], [sflag:s2] =	dma.local @!p0 [hbm:s0], s1  }
0x72: {  	s0 =	simm.s32 @!p0 $0x3  }
0x73: {  	_ =	swait.ge @!p0 [sflag:s0], s1  }
0x74: {  	s1 =	ssub.s32 @!p0 $0x0, s1;
	[sflag:s0] =	ssyncset.done @!p0 $0x0  }
0x75: {  	[sflag:s0] =	ssyncadd.s32 @!p0 s1  }
0x76: {  	[bflag:$0x3] =	sbarrier.arrive $0xFFFF  }
0x77: {  	_ =	shalt  }

// kernel: kernel.14.cloned.1.call-start
scs
__scs_entry_jumppad:
0x0: {  	(pc) =	sbr.rel $0x88, $3  }
0x1: {  	(tag) =	ssettag $0x0;
	lr =	simm.s32 $0x1  }
0x2: {  	[smem:$0x3F99] =	sst lr;
	_ =	strace $0xD0000000  }
0x3: {  	_ = 	snop  }
0x4: {  	_ = 	snop  }
0x5: {  	_ = 	snop  }
0x6: {  	_ = 	snop  }
0x7: {  	_ = 	snop  }
__scs_overlays_trampoline_lowered:
0x8: {  	[smem:$0x3FA8] =	sst s0  }
0x9: {  	[smem:$0x3FA9] =	sst s1  }
0xa: {  	[smem:$0x3FAA] =	sst s2  }
0xb: {  	[smem:$0x3FAB] =	sst s3  }
0xc: {  	[smem:$0x3FAC] =	sst s4  }
0xd: {  	[smem:$0x3FAD] =	sst s5  }
0xe: {  	[smem:$0x3FAE] =	sst s6  }
0xf: {  	[smem:$0x3FAF] =	sst s7  }
0x10: {  	[smem:$0x3FB0] =	sst s8  }
0x11: {  	[smem:$0x3FB1] =	sst s9;
	s0 =	simm.s32 @!p0 $0x0  }
0x12: {  	s1 =	sld [smem:$0x3F97];
	s0 =	simm.s32 @p0 $0x1  }
0x13: {  	[smem:$0x3FB2] =	sst s0;
	s0 =	simm.s32 @!p1 $0x0  }
0x14: {  	s2 =	sld [smem:$0x3F96];
	s0 =	simm.s32 @p1 $0x1  }
0x15: {  	[smem:$0x3FB3] =	sst s0;
	s0 =	simm.s32 @!p2 $0x0  }
0x16: {  	s3 =	sld [smem:$0x3FDB];
	s0 =	simm.s32 @p2 $0x1  }
0x17: {  	s4 =	simm.s32 $0x1BF5;
	[smem:$0x3FB5] =	sst s0  }
0x18: {  	s0 =	sld [smem:$0x3F98];
	_ =	swait.ge [sflag:s4], $0x0  }
0x19: {  	s7 =	sld [smem:$0x3F99]  }
0x1a: {  	s8 =	sadd.s32 $0xFFFFE003, lr  }
0x1b: {  	s9 =	sadd.s32 $0xFFFFFEF7, lr;
	s5 =	simm.s32 $0xFFFFFFFF;
	p2 =	slt.u32 s8, $0xFFFFF086  }
0x1c: {  	p1 =	slt.u32 s9, $0xF7A;
	s5 =	simm.s32 @!p2 $0x0  }
0x1d: {  	s5 =	simm.s32 @p1 $0x1;
	p0 =	seq.s32 s7, s2  }
0x1e: {  	s7 =	smul.u32 @!p0 $0xF7A, s2;
	p2 =	seq.s32 @!p0 s5, $0x0  }
0x1f: {  	s9 =	smul.u32 $0xF7A, s1;
	s8 =	simm.s32 @!p0 $0x1BF5;
	p2 =	por !p2, p0  }
0x20: {  	[sflag:s8] =	ssyncset.s32 @!p0 $0xFFFFF086;
	s6 =	sadd.s32 @!p0 s3, s7;
	s7 =	simm.s32 @!p0 $0x108  }
0x21: {  	s3 =	sadd.s32 s3, s9;
	s6 =	sadd.s32 @!p0 $0x88, s6;
	s7 =	simm.s32 @p2 $0x1082  }
0x22: {  	[simem:s7], [sflag:s8] =	dma.local @!p0 [hbm:s6], $0xF7A  }
0x23: {  	s9 =	sor.u32 $0xD0000000, s2;
	s6 =	simm.s32 $0x108;
	_ =	swait.ge @!p0 [sflag:s8], $0x0  }
0x24: {  	s3 =	sadd.s32 $0x88, s3;
	s6 =	simm.s32 @!p1 $0x1082;
	[sflag:s4] =	ssyncset.s32 $0xFFFFF086  }
0x25: {  	[simem:s6], [sflag:s4] =	dma.local [hbm:s3], $0xF7A  }
0x26: {  	[smem:$0x3F99] =	sst s1;
	(tag) =	ssettag s2;
	_ =	strace s9  }
0x27: {  	s1 =	sld [smem:$0x3FA9]  }
0x28: {  	s2 =	sld [smem:$0x3FAA]  }
0x29: {  	s4 =	sld [smem:$0x3FAC]  }
0x2a: {  	p0 =	seq.s32 s5, $0x0;
	s5 =	sld [smem:$0x3FAD]  }
0x2b: {  	s6 =	sld [smem:$0x3FAE]  }
0x2c: {  	s7 =	sld [smem:$0x3FAF]  }
0x2d: {  	s3 =	simm.s32 $0x108;
	s8 =	sld [smem:$0x3FB0]  }
0x2e: {  	s3 =	simm.s32 @!p0 $0x1082;
	s9 =	sld [smem:$0x3FB1]  }
0x2f: {  	lr =	sadd.s32 s0, s3;
	s0 =	sld [smem:$0x3FA8]  }
0x30: {  	s3 =	sld [smem:$0x3FAB]  }
0x31: {  	[smem:$0x3FB4] =	sst s10  }
0x32: {  	s10 =	sld [smem:$0x3FB2];
	_ =	sdelay $0x3  }
0x33: {  	p0 =	seq.s32 s10, $0x1;
	s10 =	sld [smem:$0x3FB4];
	_ =	sdelay $0x3  }
0x34: {  	[smem:$0x3FB4] =	sst s10  }
0x35: {  	s10 =	sld [smem:$0x3FB3];
	_ =	sdelay $0x3  }
0x36: {  	p1 =	seq.s32 s10, $0x1;
	s10 =	sld [smem:$0x3FB4];
	_ =	sdelay $0x3  }
0x37: {  	[smem:$0x3FB4] =	sst s10  }
0x38: {  	s10 =	sld [smem:$0x3FB5]  }
0x39: {  	_ = 	snop;
	(pc) =	sbr.ind lr, $3  }
0x3a: {  	_ = 	snop  }
0x3b: {  	_ = 	snop  }
0x3c: {  	p2 =	seq.s32 s10, $0x1;
	s10 =	sld [smem:$0x3FB4]  }
0x3d: {  	_ =	shalt  }
0x3e: {  	_ =	shalt  }
0x3f: {  	_ =	shalt  }
0x40: {  	_ =	shalt  }
0x41: {  	_ =	shalt  }
0x42: {  	_ =	shalt  }
0x43: {  	_ =	shalt  }
0x44: {  	_ =	shalt  }
0x45: {  	_ =	shalt  }
0x46: {  	_ =	shalt  }
0x47: {  	_ =	shalt  }
0x48: {  	_ =	shalt  }
0x49: {  	_ =	shalt  }
0x4a: {  	_ =	shalt  }
0x4b: {  	_ =	shalt  }
0x4c: {  	_ =	shalt  }
0x4d: {  	_ =	shalt  }
0x4e: {  	_ =	shalt  }
0x4f: {  	_ =	shalt  }
0x50: {  	_ =	shalt  }
0x51: {  	_ =	shalt  }
0x52: {  	_ =	shalt  }
0x53: {  	_ =	shalt  }
0x54: {  	_ =	shalt  }
0x55: {  	_ =	shalt  }
0x56: {  	_ =	shalt  }
0x57: {  	_ =	shalt  }
0x58: {  	_ =	shalt  }
0x59: {  	_ =	shalt  }
0x5a: {  	_ =	shalt  }
0x5b: {  	_ =	shalt  }
0x5c: {  	_ =	shalt  }
0x5d: {  	_ =	shalt  }
0x5e: {  	_ =	shalt  }
0x5f: {  	_ =	shalt  }
0x60: {  	_ =	shalt  }
0x61: {  	_ =	shalt  }
0x62: {  	_ =	shalt  }
0x63: {  	_ =	shalt  }
0x64: {  	_ =	shalt  }
0x65: {  	_ =	shalt  }
0x66: {  	_ =	shalt  }
0x67: {  	_ =	shalt  }
0x68: {  	_ =	shalt  }
0x69: {  	_ =	shalt  }
0x6a: {  	_ =	shalt  }
0x6b: {  	_ =	shalt  }
0x6c: {  	_ =	shalt  }
0x6d: {  	_ =	shalt  }
0x6e: {  	_ =	shalt  }
0x6f: {  	_ =	shalt  }
0x70: {  	_ =	shalt  }
0x71: {  	_ =	shalt  }
0x72: {  	_ =	shalt  }
0x73: {  	_ =	shalt  }
0x74: {  	_ =	shalt  }
0x75: {  	_ =	shalt  }
0x76: {  	_ =	shalt  }
0x77: {  	_ =	shalt  }
0x78: {  	_ =	shalt  }
0x79: {  	_ =	shalt  }
0x7a: {  	_ =	shalt  }
0x7b: {  	_ =	shalt  }
0x7c: {  	_ =	shalt  }
0x7d: {  	_ =	shalt  }
0x7e: {  	_ =	shalt  }
0x7f: {  	_ =	shalt  }
0x80: {  	_ =	shalt  }
0x81: {  	_ =	shalt  }
0x82: {  	_ =	shalt  }
0x83: {  	_ =	shalt  }
0x84: {  	_ =	shalt  }
0x85: {  	_ =	shalt  }
0x86: {  	_ =	shalt  }
0x87: {  	_ =	shalt  }
.Lfunc_end0:
.L_simem_size_0:
called_computation.1_lowered:
.L_overlay_start_0:
0x88: {  	s2 =	sld [smem:$0x3FD9]  }
0x89: {  	s3 =	sld [smem:$0x3FFE];
	_ =	sdelay $0x1  }
0x8a: {  	s1 =	srdreg.scid  }
0x8b: {  	s0 =	sand.u32 $0x1, s1  }
0x8c: {  	s17 =	sshll.u32 s0, $0xA;
	s2 =	sadd.s32 s3, s2  }
0x8d: {  	s2 =	sadd.s32 s2, s17  }
0x8e: {  	[smem:$0x3FC0] =	sst s2  }
0x8f: {  	_ = 	snop  }
0x90: {  	s2 =	sld [smem:$0x3FD0];
	(tm) =	ssettm $0x1  }
0x91: {  	s18 =	sld [smem:$0x3FFB];
	_ =	sdelay $0x3  }
0x92: {  	_ =	strace s18  }
0x93: {  	s3 =	sld [smem:$0x3FFC];
	_ =	sdelay $0x3  }
0x94: {  	_ =	strace s3  }
0x95: {  	s3 =	sld [smem:$0x3FFD];
	_ =	sdelay $0x3  }
0x96: {  	_ =	strace s3  }
0x97: {  	_ =	strace $0x8FFFFFFF  }
0x98: {  	s19 =	sld [smem:$0x3FDB];
	_ =	sdelay $0x1  }
0x99: {  	s4 =	simm.s32 $_scs_section_size  }
0x9a: {  	s5 =	simm.s32 $_size__tile_overlayer_lowered;
	s6 =	simm.s32 $_tile_overlayer_lowered  }
0x9b: {  	s22 =	simm.s32 $0x1BFF;
	s21 =	sshll.u32 s6, $0x1;
	s3 =	sadd.s32 s4, s19  }
0x9c: {  	s7 =	simm.s32 $0x0;
	s20 =	sshll.u32 s5, $0x1;
	s5 =	sadd.s32 s21, s3  }
0x9d: {  	[timem:s7], [sflag:s22] =	dma.local [hbm:s5], s20  }
0x9e: {  	_ =	swait.ge [sflag:s22], s20  }
0x9f: {  	s4 =	ssub.s32 $0x0, s20;
	[sflag:s22] =	ssyncset.done $0x0  }
0xa0: {  	[sflag:s22] =	ssyncadd.s32 s4;
	_ =	sdelay $0x1  }
0xa1: {  	s23 =	simm.s32 $0x1B8B  }
0xa2: {  	_ =	swait.ge [sflag:s23], $0x1  }
0xa3: {  	[sflag:s23] =	ssyncset.done $0x0  }
0xa4: {  	s25 =	simm.s32 $0x1B8E;
	s24 =	sld [smem:$0x3FFE];
	[sflag:s23] =	ssyncadd.s32 $0xFFFFFFFF  }
0xa5: {  	s26 =	simm.s32 $execute0_lowered;
	[smem:$0x3FD2] =	sst s25  }
0xa6: {  	s5 =	sshll.u32 s26, $0x1;
	_ =	strace $0x80000049;
	[dreg:$0x1] =	wrdreg $0xFFFFFFFF  }
0xa7: {  	s28 =	simm.s32 $_size_execute0_lowered;
	s3 =	sadd.s32 s3, s5;
	[dreg:$0x0] =	wrdreg $0x0  }
0xa8: {  	s5 =	sshll.u32 s28, $0x1;
	[dreg:$0x2] =	wrdreg s3  }
0xa9: {  	[dreg:$0x3] =	wrdreg s5  }
0xaa: {  	[dreg:$0x4] =	wrdreg $0xC0  }
0xab: {  	_ =	task [dreg:s7], $0x5FFFF  }
0xac: {  	[dreg:$0x1] =	wrdreg $0xFFFFFFFF  }
0xad: {  	[dreg:$0x0] =	wrdreg $0x60  }
0xae: {  	[dreg:$0x2] =	wrdreg s2  }
0xaf: {  	[dreg:$0x3] =	wrdreg s24  }
0xb0: {  	[dreg:$0x4] =	wrdreg $0xA1000  }
0xb1: {  	[dreg:$0x5] =	wrdreg $0x9  }
0xb2: {  	_ =	task.clear_ibuf [dreg:s7], $0x6FFFF;
	_ =	strace $0x90000049  }
0xb3: {  	s29 =	simm.s32 $0x9;
	_ =	strace $0x8000004B  }
0xb4: {  	_ =	swait.ge [sflag:s29], $0x1  }
0xb5: {  	[sflag:s29] =	ssyncadd.s32 $0xFFFFFFFF  }
0xb6: {  	_ =	strace $0x9000004B  }
0xb7: {  	_ =	sfence  }
0xb8: {  	s30 =	sld [smem:$0x0];
	_ =	sdelay $0x2  }
0xb9: {  	s31 =	sshll.u32 s1, $0xD;
	s1 =	sshrl.u32 s1, $0x2  }
0xba: {  	s3 =	sand.u32 $0x4000, s31;
	s1 =	sadd.s32 s1, s30  }
0xbb: {  	s0 =	sor.u32 s3, s0;
	s1 =	sshll.u32 s1, $0x11  }
0xbc: {  	s0 =	sor.u32 s1, s0  }
0xbd: {  	s0 =	sadd.s32 $0x8F2B, s0  }
0xbe: {  	[sflag:s0] =	ssyncadd.remote.s32 $0x1  }
0xbf: {  	_ =	sfence.sel $0xFFFF  }
0xc0: {  	[dreg:$0x0] =	wrdreg $0xFFFFFFFF;
	(pc) =	sbr.abs _section_cstart, $3  }
0xc1: {  	[dreg:$0x1] =	wrdreg $0xFFFFFFFF  }
0xc2: {  	_ =	task.clear_ibuf [dreg:s7], $0x2FFFF;
	_ =	strace $0x9FFFFFFF  }
0xc3: {  	(tm) =	ssettm $0x7FFFFFFF  }
tec
execute0_lowered:
.L_overlay_start_1:
0x0: {  	(tag) =	ssettag $0x1  }
0x1: {  	s1 =	rddreg [dreg:$0x0]  }
0x2: {  	s6 =	rddreg [dreg:$0x1]  }
0x3: {  	s0 =	srdreg.scid;
	s3 =	rddreg [dreg:$0x2];
	s4 =	simm.s32 $0x0  }
0x4: {  	s14 =	simm.s32 $0x2980;
	s15 =	simm.s32 $0x50;
	s16 =	simm.s32 $0x5100  }
0x5: {  	s17 =	simm.s32 $0x1;
	s18 =	simm.s32 $0x100;
	s19 =	simm.s32 $0x7900  }
0x6: {  	s20 =	simm.s32 $0x80;
	s5 =	sand.u32 $0x1, s0;
	s0 =	stileid.u32  }
0x7: {  	s21 =	simm.s32 $0x2;
	s22 =	simm.s32 $0x180;
	s8 =	smul.u32 $0x14000, s0  }
0x8: {  	s23 =	simm.s32 $0x0;
	[smem:$0x7FF] =	sst s4;
	s9 =	smul.u32 $0x140000, s5  }
0x9: {  	s2 =	sshll.u32 s5, $0x4;
	s5 =	ssub.s32 $0x2, s5;
	s29 =	smul.u32 $0x50000, s0  }
0xa: {  	s31 =	sshll.u32 s0, $0x6;
	s2 =	sor.u32 s0, s2;
	s11 =	sshrl.u32 s5, $0x1  }
0xb: {  	s7 =	smul.u32 $0x4E2, s2;
	s2 =	rddreg [dreg:$0x3];
	_ =	strace $0x8000004A  }
0xc: {  	s28 =	sshrl.u32 s8, $0x3;
	s8 =	sadd.s32 s8, s9;
	s30 =	sshrl.u32 s29, $0x2  }
0xd: {  	s11 =	ssub.s32 s5, s11;
	s8 =	sshrl.u32 s8, $0x3;
	s13 =	sadd.s32 s30, s3  }
0xe: {  	s10 =	sadd.s32 s7, s6;
	s7 =	sadd.s32 s28, s6;
	s12 =	sadd.s32 s8, s6  }
0xf: {  	s6 =	sor.u32 $0x1C03, s31;
	s5 =	sadd.s32 $0xE600, s7;
	s7 =	sadd.s32 $0x86600, s10  }
0x10: {  	s8 =	sadd.s32 $0x4800, s10;
	s9 =	sadd.s32 $0x90400, s12;
	s10 =	smax.u32 s11, $0x1  }
0x11: {  	s11 =	sshrl.u32 s13, $0x3;
	s12 =	simm.s32 $0x3;
	s13 =	simm.s32 $0x200  }
.LBB2_1:
0x12: {  	[spmem:s11], [sflag:s6] =	dma.local [hbm:s5], $0x2800  }
0x13: {  	_ =	swait.ge [sflag:s12], $0x2800  }
0x14: {  	[sflag:s12] =	ssyncset.done $0x0  }
0x15: {  	[sflag:s12] =	ssyncadd.s32 $0xFFFFD800  }
0x16: {  	[tilespmem:s13], [sflag:$0x3] =	stream.linear.gather [hbm4b:s7+s4], $0x2710, $0x38;
	[tilespmem:$0x1E100] =	vst v63  }
0x17: {  	_ =	swait.ge [sflag:s12], $0x2710  }
0x18: {  	[sflag:s12] =	ssyncset.done $0x0  }
0x19: {  	[sflag:s12] =	ssyncadd.s32 $0xFFFFD8F0  }
0x1a: {  	[tilespmem:s14], [sflag:$0x3] =	stream.linear.gather [hbm4b:s8+s4], $0x2710, $0x38;
	[tilespmem:$0x1E100] =	vst v63  }
0x1b: {  	_ =	swait.ge [sflag:s12], $0x2710  }
0x1c: {  	[sflag:s12] =	ssyncset.done $0x0  }
0x1d: {  	[sflag:s12] =	ssyncadd.s32 $0xFFFFD8F0  }
0x1e: {  	[bflag:$0x0] =	sbarrier.arrive $0xFFFF  }
0x1f: {  	v0 =	vld [tilespmem:$0x200]  }
0x20: {  	v1 =	vld [tilespmem:$0x210]  }
0x21: {  	v2 =	vld [tilespmem:$0x220]  }
0x22: {  	v3 =	vld [tilespmem:$0x230]  }
0x23: {  	v4 =	vld [tilespmem:$0x240]  }
0x24: {  	v57 =	vld [tilespmem:$0x2980];
	[tilespmem:$0x0] =	vst v0  }
0x25: {  	v58 =	vld [tilespmem:$0x2990];
	[tilespmem:$0x10] =	vst v1  }
0x26: {  	v59 =	vld [tilespmem:$0x29A0];
	[tilespmem:$0x20] =	vst v2  }
0x27: {  	v60 =	vld [tilespmem:$0x29B0];
	[tilespmem:$0x30] =	vst v3  }
0x28: {  	v61 =	vld [tilespmem:$0x29C0];
	[tilespmem:$0x40] =	vst v4  }
0x29: {  	[tilespmem:$0x80] =	vst v57  }
0x2a: {  	[tilespmem:$0x90] =	vst v58  }
0x2b: {  	[tilespmem:$0xA0] =	vst v59  }
0x2c: {  	[tilespmem:$0xB0] =	vst v60  }
0x2d: {  	[tilespmem:$0xC0] =	vst v61  }
0x2e: {  	[tilespmem:s16], [sflag:$0x1] =	stream.indirect.gather [hbm4b:s1+s15], $0x80, s4, s15, $0xb8;
	[tilespmem:$0x1E100] =	vst v63  }
0x2f: {  	_ =	swait.ge [sflag:s17], $0x2800  }
0x30: {  	[sflag:s17] =	ssyncset.done $0x0  }
0x31: {  	s24 =	simm.s32 $0x270;
	[sflag:s17] =	ssyncadd.s32 $0xFFFFD800  }
0x32: {  	v62 =	vld [tilespmem:s24+$0xFFFFFFE0];
	_ =	sdelay $0x4  }
0x33: {  	[tilespmem:$0x100] =	vst v62  }
0x34: {  	v0 =	vld [tilespmem:s24+$0xFFFFFFF0];
	_ =	sdelay $0x4  }
0x35: {  	[tilespmem:$0x110] =	vst v0  }
0x36: {  	v0 =	vld [tilespmem:s24+$0x0];
	_ =	sdelay $0x4  }
0x37: {  	s26 =	sand.u32 $0x3FE0, s4;
	[tilespmem:$0x120] =	vst v0  }
0x38: {  	v0 =	vld [tilespmem:s26+$0x280];
	_ =	sdelay $0x4  }
0x39: {  	[tilespmem:$0x130] =	vst v0  }
0x3a: {  	v0 =	vld [tilespmem:s24+$0x20];
	_ =	sdelay $0x4  }
0x3b: {  	s25 =	simm.s32 $0x29F0;
	[tilespmem:$0x140] =	vst v0  }
0x3c: {  	v0 =	vld [tilespmem:s25+$0xFFFFFFE0];
	_ =	sdelay $0x4  }
0x3d: {  	[tilespmem:$0x180] =	vst v0  }
0x3e: {  	v0 =	vld [tilespmem:s25+$0xFFFFFFF0];
	_ =	sdelay $0x4  }
0x3f: {  	[tilespmem:$0x190] =	vst v0  }
0x40: {  	v0 =	vld [tilespmem:s25+$0x0];
	_ =	sdelay $0x4  }
0x41: {  	[tilespmem:$0x1A0] =	vst v0  }
0x42: {  	v0 =	vld [tilespmem:s26+$0x2A00];
	_ =	sdelay $0x4  }
0x43: {  	[tilespmem:$0x1B0] =	vst v0  }
0x44: {  	v0 =	vld [tilespmem:s25+$0x20];
	_ =	sdelay $0x4  }
0x45: {  	[tilespmem:$0x1C0] =	vst v0  }
0x46: {  	[tilespmem:s19], [sflag:$0x2] =	stream.indirect.gather [hbm4b:s1+s15], $0x80, s18, s15, $0xb8;
	[tilespmem:$0x1E100] =	vst v63  }
0x47: {  	_ = 	snop  }
0x48: {  	[spmem:s3] =	stream.indirect.scatter.add.f32 [tilespmem:s16], [sflag:$0x3], $0x80, s20, s15, $0xb8;
	[tilespmem:$0x1E100] =	vst v63  }
0x49: {  	_ =	swait.ge [sflag:s12], $0x2800  }
0x4a: {  	[sflag:s12] =	ssyncset.done $0x0  }
0x4b: {  	[sflag:s12] =	ssyncadd.s32 $0xFFFFD800  }
0x4c: {  	_ =	swait.ge [sflag:s21], $0x2800  }
0x4d: {  	[sflag:s21] =	ssyncset.done $0x0  }
0x4e: {  	[sflag:s21] =	ssyncadd.s32 $0xFFFFD800  }
0x4f: {  	v63 =	vld [tilespmem:s24+$0x30];
	_ =	sdelay $0x4  }
0x50: {  	[tilespmem:$0x0] =	vst v63  }
0x51: {  	v0 =	vld [tilespmem:s24+$0x40];
	_ =	sdelay $0x4  }
0x52: {  	[tilespmem:$0x10] =	vst v0  }
0x53: {  	v0 =	vld [tilespmem:s24+$0x50];
	_ =	sdelay $0x4  }
0x54: {  	[tilespmem:$0x20] =	vst v0  }
0x55: {  	v0 =	vld [tilespmem:s24+$0x60];
	_ =	sdelay $0x4  }
0x56: {  	[tilespmem:$0x30] =	vst v0  }
0x57: {  	v0 =	vld [tilespmem:s24+$0x70];
	_ =	sdelay $0x4  }
0x58: {  	[tilespmem:$0x40] =	vst v0  }
0x59: {  	v0 =	vld [tilespmem:s25+$0x30];
	_ =	sdelay $0x4  }
0x5a: {  	[tilespmem:$0x80] =	vst v0  }
0x5b: {  	v0 =	vld [tilespmem:s25+$0x40];
	_ =	sdelay $0x4  }
0x5c: {  	[tilespmem:$0x90] =	vst v0  }
0x5d: {  	v0 =	vld [tilespmem:s25+$0x50];
	_ =	sdelay $0x4  }
0x5e: {  	[tilespmem:$0xA0] =	vst v0  }
0x5f: {  	v0 =	vld [tilespmem:s25+$0x60];
	_ =	sdelay $0x4  }
0x60: {  	[tilespmem:$0xB0] =	vst v0  }
0x61: {  	v0 =	vld [tilespmem:s25+$0x70];
	_ =	sdelay $0x4  }
0x62: {  	[tilespmem:$0xC0] =	vst v0  }
0x63: {  	[tilespmem:s16], [sflag:$0x1] =	stream.indirect.gather [hbm4b:s1+s15], $0x80, s4, s15, $0xb8;
	[tilespmem:$0x1E100] =	vst v63  }
0x64: {  	_ = 	snop  }
0x65: {  	[spmem:s3] =	stream.indirect.scatter.add.f32 [tilespmem:s19], [sflag:$0x3], $0x80, s22, s15, $0xb8;
	[tilespmem:$0x1E100] =	vst v63  }
0x66: {  	_ =	swait.ge [sflag:s12], $0x2800  }
0x67: {  	[sflag:s12] =	ssyncset.done $0x0  }
0x68: {  	[sflag:s12] =	ssyncadd.s32 $0xFFFFD800  }
0x69: {  	_ =	swait.ge [sflag:s17], $0x2800  }
0x6a: {  	s26 =	simm.s32 $0xA0;
	[sflag:s17] =	ssyncset.done $0x0  }
.LBB2_2:
0x6b: {  	[sflag:s17] =	ssyncadd.s32 $0xFFFFD800;
	s25 =	sadd.s32 $0xA0, s25;
	s24 =	sadd.s32 $0xA0, s24  }
0x6c: {  	p0 =	sne.s32 s26, $0x2620;
	s28 =	smov.u32 s26;
	s26 =	sadd.s32 $0xA0, s26;
	v0 =	vld [tilespmem:s24+$0xFFFFFFE0]  }
0x6d: {  	_ =	sdelay $0x3  }
0x6e: {  	[tilespmem:$0x100] =	vst v0  }
0x6f: {  	v0 =	vld [tilespmem:s24+$0xFFFFFFF0];
	_ =	sdelay $0x4  }
0x70: {  	[tilespmem:$0x110] =	vst v0  }
0x71: {  	v0 =	vld [tilespmem:s24+$0x0];
	_ =	sdelay $0x4  }
0x72: {  	s28 =	sand.u32 $0x3FE0, s28;
	[tilespmem:$0x120] =	vst v0  }
0x73: {  	v0 =	vld [tilespmem:s28+$0x280];
	_ =	sdelay $0x4  }
0x74: {  	[tilespmem:$0x130] =	vst v0  }
0x75: {  	v0 =	vld [tilespmem:s24+$0x20];
	_ =	sdelay $0x4  }
0x76: {  	[tilespmem:$0x140] =	vst v0  }
0x77: {  	v0 =	vld [tilespmem:s25+$0xFFFFFFE0];
	_ =	sdelay $0x4  }
0x78: {  	[tilespmem:$0x180] =	vst v0  }
0x79: {  	v0 =	vld [tilespmem:s25+$0xFFFFFFF0];
	_ =	sdelay $0x4  }
0x7a: {  	[tilespmem:$0x190] =	vst v0  }
0x7b: {  	v0 =	vld [tilespmem:s25+$0x0];
	_ =	sdelay $0x4  }
0x7c: {  	[tilespmem:$0x1A0] =	vst v0  }
0x7d: {  	v0 =	vld [tilespmem:s28+$0x2A00];
	_ =	sdelay $0x4  }
0x7e: {  	[tilespmem:$0x1B0] =	vst v0  }
0x7f: {  	v0 =	vld [tilespmem:s25+$0x20];
	_ =	sdelay $0x4  }
0x80: {  	[tilespmem:$0x1C0] =	vst v0  }
0x81: {  	[tilespmem:s19], [sflag:$0x2] =	stream.indirect.gather [hbm4b:s1+s15], $0x80, s18, s15, $0xb8;
	[tilespmem:$0x1E100] =	vst v63  }
0x82: {  	_ = 	snop  }
0x83: {  	[spmem:s3] =	stream.indirect.scatter.add.f32 [tilespmem:s16], [sflag:$0x3], $0x80, s20, s15, $0xb8;
	[tilespmem:$0x1E100] =	vst v63  }
0x84: {  	_ =	swait.ge [sflag:s12], $0x2800  }
0x85: {  	[sflag:s12] =	ssyncset.done $0x0  }
0x86: {  	[sflag:s12] =	ssyncadd.s32 $0xFFFFD800  }
0x87: {  	_ =	swait.ge [sflag:s21], $0x2800  }
0x88: {  	[sflag:s21] =	ssyncset.done $0x0  }
0x89: {  	[sflag:s21] =	ssyncadd.s32 $0xFFFFD800  }
0x8a: {  	v0 =	vld [tilespmem:s24+$0x30];
	_ =	sdelay $0x4  }
0x8b: {  	[tilespmem:$0x0] =	vst v0  }
0x8c: {  	v0 =	vld [tilespmem:s24+$0x40];
	_ =	sdelay $0x4  }
0x8d: {  	[tilespmem:$0x10] =	vst v0  }
0x8e: {  	v0 =	vld [tilespmem:s24+$0x50];
	_ =	sdelay $0x4  }
0x8f: {  	[tilespmem:$0x20] =	vst v0  }
0x90: {  	v0 =	vld [tilespmem:s24+$0x60];
	_ =	sdelay $0x4  }
0x91: {  	[tilespmem:$0x30] =	vst v0  }
0x92: {  	v0 =	vld [tilespmem:s24+$0x70];
	_ =	sdelay $0x4  }
0x93: {  	[tilespmem:$0x40] =	vst v0  }
0x94: {  	v0 =	vld [tilespmem:s25+$0x30];
	_ =	sdelay $0x4  }
0x95: {  	[tilespmem:$0x80] =	vst v0  }
0x96: {  	v0 =	vld [tilespmem:s25+$0x40];
	_ =	sdelay $0x4  }
0x97: {  	[tilespmem:$0x90] =	vst v0  }
0x98: {  	v0 =	vld [tilespmem:s25+$0x50];
	_ =	sdelay $0x4  }
0x99: {  	[tilespmem:$0xA0] =	vst v0  }
0x9a: {  	v0 =	vld [tilespmem:s25+$0x60];
	_ =	sdelay $0x4  }
0x9b: {  	[tilespmem:$0xB0] =	vst v0  }
0x9c: {  	v0 =	vld [tilespmem:s25+$0x70];
	_ =	sdelay $0x4  }
0x9d: {  	[tilespmem:$0xC0] =	vst v0  }
0x9e: {  	[tilespmem:s16], [sflag:$0x1] =	stream.indirect.gather [hbm4b:s1+s15], $0x80, s4, s15, $0xb8;
	[tilespmem:$0x1E100] =	vst v63  }
0x9f: {  	_ = 	snop  }
0xa0: {  	[spmem:s3] =	stream.indirect.scatter.add.f32 [tilespmem:s19], [sflag:$0x3], $0x80, s22, s15, $0xb8;
	[tilespmem:$0x1E100] =	vst v63  }
.Ltmp0:
0xa1: {  	_ =	swait.ge [sflag:s12], $0x2800;
	(pc) =	sbr.rel @p0 .LBB2_2-.Ltmp0, $4  }
0xa2: {  	[sflag:s12] =	ssyncset.done $0x0  }
0xa3: {  	[sflag:s12] =	ssyncadd.s32 $0xFFFFD800  }
0xa4: {  	_ =	swait.ge [sflag:s17], $0x2800  }
0xa5: {  	[sflag:s17] =	ssyncset.done $0x0  }
0xa6: {  	[sflag:s17] =	ssyncadd.s32 $0xFFFFD800  }
0xa7: {  	[spmem:s3] =	stream.indirect.scatter.add.f32 [tilespmem:s16], [sflag:$0x3], $0x80, s20, s15, $0xb8;
	[tilespmem:$0x1E100] =	vst v63  }
0xa8: {  	_ =	swait.ge [sflag:s12], $0x2800  }
0xa9: {  	s23 =	sadd.s32 $0x1, s23;
	[sflag:s12] =	ssyncset.done $0x0  }
0xaa: {  	p0 =	sne.s32 s23, s10;
	[sflag:s12] =	ssyncadd.s32 $0xFFFFD800  }
.Ltmp1:
0xab: {  	[bflag:$0x0] =	sbarrier.arrive $0xFFFF;
	(pc) =	sbr.rel @p0 .LBB2_1-.Ltmp1, $4  }
0xac: {  	[hbm:s9], [sflag:s6] =	dma.local [spmem:s11], $0x2800  }
0xad: {  	_ =	swait.ge [sflag:s12], $0x2800  }
0xae: {  	[sflag:s12] =	ssyncset.done $0x0  }
0xaf: {  	[sflag:s12] =	ssyncadd.s32 $0xFFFFD800  }
0xb0: {  	_ =	sfence.sel $0x180000  }
0xb1: {  	[bflag:$0x0] =	sbarrier.arrive $0xFFFF  }
0xb2: {  	p0 =	sne.s32 s0, $0x0;
	_ =	strace $0x9000004A  }
0xb3: {  	s0 =	sadd.s32 @!p0 $0x100000, s2;
	[bflag:$0x2] =	sbarrier.arrive $0xFFFF  }
0xb4: {  	[sflag:s0] =	ssyncadd.tile.s32 @!p0 $0x1;
	_ =	shalt  }
.Lfunc_end2:
_tile_overlayer_lowered:
.L_overlay_start_2:
0xb5: {  	(tag) =	ssettag $0x2  }
0xb6: {  	s0 =	rddreg [dreg:$0x0];
	s2 =	stileid.u32  }
0xb7: {  	s1 =	rddreg [dreg:$0x1];
	p0 =	sne.s32 s2, $0x0  }
0xb8: {  	s3 =	rddreg [dreg:$0x2];
	[bflag:$0x3] =	sbarrier.arrive $0xFFFF;
	s2 =	simm.s32 @!p0 $0x1C03  }
0xb9: {  	[timem:s3], [sflag:s2] =	dma.local @!p0 [hbm:s0], s1  }
0xba: {  	s0 =	simm.s32 @!p0 $0x3  }
0xbb: {  	_ =	swait.ge @!p0 [sflag:s0], s1  }
0xbc: {  	s1 =	ssub.s32 @!p0 $0x0, s1;
	[sflag:s0] =	ssyncset.done @!p0 $0x0  }
0xbd: {  	[sflag:s0] =	ssyncadd.s32 @!p0 s1  }
0xbe: {  	[bflag:$0x3] =	sbarrier.arrive $0xFFFF  }
0xbf: {  	_ =	shalt  }

// kernel: kernel.17.cloned.1.call-start
scs
__scs_entry_jumppad:
0x0: {  	(pc) =	sbr.rel $0x88, $3  }
0x1: {  	(tag) =	ssettag $0x0;
	lr =	simm.s32 $0x1  }
0x2: {  	[smem:$0x3F99] =	sst lr;
	_ =	strace $0xD0000000  }
0x3: {  	_ = 	snop  }
0x4: {  	_ = 	snop  }
0x5: {  	_ = 	snop  }
0x6: {  	_ = 	snop  }
0x7: {  	_ = 	snop  }
__scs_overlays_trampoline_lowered:
0x8: {  	[smem:$0x3FA8] =	sst s0  }
0x9: {  	[smem:$0x3FA9] =	sst s1  }
0xa: {  	[smem:$0x3FAA] =	sst s2  }
0xb: {  	[smem:$0x3FAB] =	sst s3  }
0xc: {  	[smem:$0x3FAC] =	sst s4  }
0xd: {  	[smem:$0x3FAD] =	sst s5  }
0xe: {  	[smem:$0x3FAE] =	sst s6  }
0xf: {  	[smem:$0x3FAF] =	sst s7  }
0x10: {  	[smem:$0x3FB0] =	sst s8  }
0x11: {  	[smem:$0x3FB1] =	sst s9;
	s0 =	simm.s32 @!p0 $0x0  }
0x12: {  	s1 =	sld [smem:$0x3F97];
	s0 =	simm.s32 @p0 $0x1  }
0x13: {  	[smem:$0x3FB2] =	sst s0;
	s0 =	simm.s32 @!p1 $0x0  }
0x14: {  	s2 =	sld [smem:$0x3F96];
	s0 =	simm.s32 @p1 $0x1  }
0x15: {  	[smem:$0x3FB3] =	sst s0;
	s0 =	simm.s32 @!p2 $0x0  }
0x16: {  	s3 =	sld [smem:$0x3FDB];
	s0 =	simm.s32 @p2 $0x1  }
0x17: {  	s4 =	simm.s32 $0x1BF5;
	[smem:$0x3FB5] =	sst s0  }
0x18: {  	s0 =	sld [smem:$0x3F98];
	_ =	swait.ge [sflag:s4], $0x0  }
0x19: {  	s7 =	sld [smem:$0x3F99]  }
0x1a: {  	s8 =	sadd.s32 $0xFFFFE003, lr  }
0x1b: {  	s9 =	sadd.s32 $0xFFFFFEF7, lr;
	s5 =	simm.s32 $0xFFFFFFFF;
	p2 =	slt.u32 s8, $0xFFFFF086  }
0x1c: {  	p1 =	slt.u32 s9, $0xF7A;
	s5 =	simm.s32 @!p2 $0x0  }
0x1d: {  	s5 =	simm.s32 @p1 $0x1;
	p0 =	seq.s32 s7, s2  }
0x1e: {  	s7 =	smul.u32 @!p0 $0xF7A, s2;
	p2 =	seq.s32 @!p0 s5, $0x0  }
0x1f: {  	s9 =	smul.u32 $0xF7A, s1;
	s8 =	simm.s32 @!p0 $0x1BF5;
	p2 =	por !p2, p0  }
0x20: {  	[sflag:s8] =	ssyncset.s32 @!p0 $0xFFFFF086;
	s6 =	sadd.s32 @!p0 s3, s7;
	s7 =	simm.s32 @!p0 $0x108  }
0x21: {  	s3 =	sadd.s32 s3, s9;
	s6 =	sadd.s32 @!p0 $0x88, s6;
	s7 =	simm.s32 @p2 $0x1082  }
0x22: {  	[simem:s7], [sflag:s8] =	dma.local @!p0 [hbm:s6], $0xF7A  }
0x23: {  	s9 =	sor.u32 $0xD0000000, s2;
	s6 =	simm.s32 $0x108;
	_ =	swait.ge @!p0 [sflag:s8], $0x0  }
0x24: {  	s3 =	sadd.s32 $0x88, s3;
	s6 =	simm.s32 @!p1 $0x1082;
	[sflag:s4] =	ssyncset.s32 $0xFFFFF086  }
0x25: {  	[simem:s6], [sflag:s4] =	dma.local [hbm:s3], $0xF7A  }
0x26: {  	[smem:$0x3F99] =	sst s1;
	(tag) =	ssettag s2;
	_ =	strace s9  }
0x27: {  	s1 =	sld [smem:$0x3FA9]  }
0x28: {  	s2 =	sld [smem:$0x3FAA]  }
0x29: {  	s4 =	sld [smem:$0x3FAC]  }
0x2a: {  	p0 =	seq.s32 s5, $0x0;
	s5 =	sld [smem:$0x3FAD]  }
0x2b: {  	s6 =	sld [smem:$0x3FAE]  }
0x2c: {  	s7 =	sld [smem:$0x3FAF]  }
0x2d: {  	s3 =	simm.s32 $0x108;
	s8 =	sld [smem:$0x3FB0]  }
0x2e: {  	s3 =	simm.s32 @!p0 $0x1082;
	s9 =	sld [smem:$0x3FB1]  }
0x2f: {  	lr =	sadd.s32 s0, s3;
	s0 =	sld [smem:$0x3FA8]  }
0x30: {  	s3 =	sld [smem:$0x3FAB]  }
0x31: {  	[smem:$0x3FB4] =	sst s10  }
0x32: {  	s10 =	sld [smem:$0x3FB2];
	_ =	sdelay $0x3  }
0x33: {  	p0 =	seq.s32 s10, $0x1;
	s10 =	sld [smem:$0x3FB4];
	_ =	sdelay $0x3  }
0x34: {  	[smem:$0x3FB4] =	sst s10  }
0x35: {  	s10 =	sld [smem:$0x3FB3];
	_ =	sdelay $0x3  }
0x36: {  	p1 =	seq.s32 s10, $0x1;
	s10 =	sld [smem:$0x3FB4];
	_ =	sdelay $0x3  }
0x37: {  	[smem:$0x3FB4] =	sst s10  }
0x38: {  	s10 =	sld [smem:$0x3FB5]  }
0x39: {  	_ = 	snop;
	(pc) =	sbr.ind lr, $3  }
0x3a: {  	_ = 	snop  }
0x3b: {  	_ = 	snop  }
0x3c: {  	p2 =	seq.s32 s10, $0x1;
	s10 =	sld [smem:$0x3FB4]  }
0x3d: {  	_ =	shalt  }
0x3e: {  	_ =	shalt  }
0x3f: {  	_ =	shalt  }
0x40: {  	_ =	shalt  }
0x41: {  	_ =	shalt  }
0x42: {  	_ =	shalt  }
0x43: {  	_ =	shalt  }
0x44: {  	_ =	shalt  }
0x45: {  	_ =	shalt  }
0x46: {  	_ =	shalt  }
0x47: {  	_ =	shalt  }
0x48: {  	_ =	shalt  }
0x49: {  	_ =	shalt  }
0x4a: {  	_ =	shalt  }
0x4b: {  	_ =	shalt  }
0x4c: {  	_ =	shalt  }
0x4d: {  	_ =	shalt  }
0x4e: {  	_ =	shalt  }
0x4f: {  	_ =	shalt  }
0x50: {  	_ =	shalt  }
0x51: {  	_ =	shalt  }
0x52: {  	_ =	shalt  }
0x53: {  	_ =	shalt  }
0x54: {  	_ =	shalt  }
0x55: {  	_ =	shalt  }
0x56: {  	_ =	shalt  }
0x57: {  	_ =	shalt  }
0x58: {  	_ =	shalt  }
0x59: {  	_ =	shalt  }
0x5a: {  	_ =	shalt  }
0x5b: {  	_ =	shalt  }
0x5c: {  	_ =	shalt  }
0x5d: {  	_ =	shalt  }
0x5e: {  	_ =	shalt  }
0x5f: {  	_ =	shalt  }
0x60: {  	_ =	shalt  }
0x61: {  	_ =	shalt  }
0x62: {  	_ =	shalt  }
0x63: {  	_ =	shalt  }
0x64: {  	_ =	shalt  }
0x65: {  	_ =	shalt  }
0x66: {  	_ =	shalt  }
0x67: {  	_ =	shalt  }
0x68: {  	_ =	shalt  }
0x69: {  	_ =	shalt  }
0x6a: {  	_ =	shalt  }
0x6b: {  	_ =	shalt  }
0x6c: {  	_ =	shalt  }
0x6d: {  	_ =	shalt  }
0x6e: {  	_ =	shalt  }
0x6f: {  	_ =	shalt  }
0x70: {  	_ =	shalt  }
0x71: {  	_ =	shalt  }
0x72: {  	_ =	shalt  }
0x73: {  	_ =	shalt  }
0x74: {  	_ =	shalt  }
0x75: {  	_ =	shalt  }
0x76: {  	_ =	shalt  }
0x77: {  	_ =	shalt  }
0x78: {  	_ =	shalt  }
0x79: {  	_ =	shalt  }
0x7a: {  	_ =	shalt  }
0x7b: {  	_ =	shalt  }
0x7c: {  	_ =	shalt  }
0x7d: {  	_ =	shalt  }
0x7e: {  	_ =	shalt  }
0x7f: {  	_ =	shalt  }
0x80: {  	_ =	shalt  }
0x81: {  	_ =	shalt  }
0x82: {  	_ =	shalt  }
0x83: {  	_ =	shalt  }
0x84: {  	_ =	shalt  }
0x85: {  	_ =	shalt  }
0x86: {  	_ =	shalt  }
0x87: {  	_ =	shalt  }
.Lfunc_end0:
.L_simem_size_0:
called_computation.2_lowered:
.L_overlay_start_0:
0x88: {  	s2 =	sld [smem:$0x3FD9]  }
0x89: {  	s3 =	sld [smem:$0x3FFE];
	_ =	sdelay $0x1  }
0x8a: {  	s1 =	srdreg.scid  }
0x8b: {  	s0 =	sand.u32 $0x1, s1  }
0x8c: {  	s17 =	sshll.u32 s0, $0xA;
	s2 =	sadd.s32 s3, s2  }
0x8d: {  	s2 =	sadd.s32 s2, s17  }
0x8e: {  	[smem:$0x3FC0] =	sst s2  }
0x8f: {  	_ = 	snop  }
0x90: {  	s2 =	sld [smem:$0x3FD0];
	(tm) =	ssettm $0x1  }
0x91: {  	s18 =	sld [smem:$0x3FFB];
	_ =	sdelay $0x3  }
0x92: {  	_ =	strace s18  }
0x93: {  	s3 =	sld [smem:$0x3FFC];
	_ =	sdelay $0x3  }
0x94: {  	_ =	strace s3  }
0x95: {  	s3 =	sld [smem:$0x3FFD];
	_ =	sdelay $0x3  }
0x96: {  	_ =	strace s3  }
0x97: {  	_ =	strace $0x8FFFFFFF  }
0x98: {  	s19 =	sld [smem:$0x3FDB];
	_ =	sdelay $0x1  }
0x99: {  	s4 =	simm.s32 $_scs_section_size  }
0x9a: {  	s5 =	simm.s32 $_size__tile_overlayer_lowered;
	s6 =	simm.s32 $_tile_overlayer_lowered  }
0x9b: {  	s22 =	simm.s32 $0x1BFF;
	s21 =	sshll.u32 s6, $0x1;
	s3 =	sadd.s32 s4, s19  }
0x9c: {  	s7 =	simm.s32 $0x0;
	s20 =	sshll.u32 s5, $0x1;
	s5 =	sadd.s32 s21, s3  }
0x9d: {  	[timem:s7], [sflag:s22] =	dma.local [hbm:s5], s20  }
0x9e: {  	_ =	swait.ge [sflag:s22], s20  }
0x9f: {  	s4 =	ssub.s32 $0x0, s20;
	[sflag:s22] =	ssyncset.done $0x0  }
0xa0: {  	[sflag:s22] =	ssyncadd.s32 s4;
	_ =	sdelay $0x1  }
0xa1: {  	s23 =	simm.s32 $0x1B8B  }
0xa2: {  	_ =	swait.ge [sflag:s23], $0x1  }
0xa3: {  	[sflag:s23] =	ssyncset.done $0x0  }
0xa4: {  	s25 =	simm.s32 $0x1B8E;
	s24 =	sld [smem:$0x3FFE];
	[sflag:s23] =	ssyncadd.s32 $0xFFFFFFFF  }
0xa5: {  	s26 =	simm.s32 $execute0_lowered;
	[smem:$0x3FD2] =	sst s25  }
0xa6: {  	s5 =	sshll.u32 s26, $0x1;
	_ =	strace $0x8000004C;
	[dreg:$0x1] =	wrdreg $0xFFFFFFFF  }
0xa7: {  	s28 =	simm.s32 $_size_execute0_lowered;
	s3 =	sadd.s32 s3, s5;
	[dreg:$0x0] =	wrdreg $0x0  }
0xa8: {  	s5 =	sshll.u32 s28, $0x1;
	[dreg:$0x2] =	wrdreg s3  }
0xa9: {  	[dreg:$0x3] =	wrdreg s5  }
0xaa: {  	[dreg:$0x4] =	wrdreg $0xC0  }
0xab: {  	_ =	task [dreg:s7], $0x5FFFF  }
0xac: {  	[dreg:$0x1] =	wrdreg $0xFFFFFFFF  }
0xad: {  	[dreg:$0x0] =	wrdreg $0x60  }
0xae: {  	[dreg:$0x2] =	wrdreg s2  }
0xaf: {  	[dreg:$0x3] =	wrdreg s24  }
0xb0: {  	[dreg:$0x4] =	wrdreg $0xA1000  }
0xb1: {  	[dreg:$0x5] =	wrdreg $0x9  }
0xb2: {  	_ =	task.clear_ibuf [dreg:s7], $0x6FFFF;
	_ =	strace $0x9000004C  }
0xb3: {  	s29 =	simm.s32 $0x9;
	_ =	strace $0x8000004E  }
0xb4: {  	_ =	swait.ge [sflag:s29], $0x1  }
0xb5: {  	[sflag:s29] =	ssyncadd.s32 $0xFFFFFFFF  }
0xb6: {  	_ =	strace $0x9000004E  }
0xb7: {  	_ =	sfence  }
0xb8: {  	s30 =	sld [smem:$0x0];
	_ =	sdelay $0x2  }
0xb9: {  	s31 =	sshll.u32 s1, $0xD;
	s1 =	sshrl.u32 s1, $0x2  }
0xba: {  	s3 =	sand.u32 $0x4000, s31;
	s1 =	sadd.s32 s1, s30  }
0xbb: {  	s0 =	sor.u32 s3, s0;
	s1 =	sshll.u32 s1, $0x11  }
0xbc: {  	s0 =	sor.u32 s1, s0  }
0xbd: {  	s0 =	sadd.s32 $0x8F2B, s0  }
0xbe: {  	[sflag:s0] =	ssyncadd.remote.s32 $0x1  }
0xbf: {  	_ =	sfence.sel $0xFFFF  }
0xc0: {  	[dreg:$0x0] =	wrdreg $0xFFFFFFFF;
	(pc) =	sbr.abs _section_cstart, $3  }
0xc1: {  	[dreg:$0x1] =	wrdreg $0xFFFFFFFF  }
0xc2: {  	_ =	task.clear_ibuf [dreg:s7], $0x2FFFF;
	_ =	strace $0x9FFFFFFF  }
0xc3: {  	(tm) =	ssettm $0x7FFFFFFF  }
tec
execute0_lowered:
.L_overlay_start_1:
0x0: {  	(tag) =	ssettag $0x1  }
0x1: {  	s1 =	rddreg [dreg:$0x0]  }
0x2: {  	s6 =	rddreg [dreg:$0x1]  }
0x3: {  	s0 =	srdreg.scid;
	s3 =	rddreg [dreg:$0x2];
	s4 =	simm.s32 $0x0  }
0x4: {  	s14 =	simm.s32 $0x2980;
	s15 =	simm.s32 $0x50;
	s16 =	simm.s32 $0x5100  }
0x5: {  	s17 =	simm.s32 $0x1;
	s18 =	simm.s32 $0x100;
	s19 =	simm.s32 $0x7900  }
0x6: {  	s20 =	simm.s32 $0x80;
	s5 =	sand.u32 $0x1, s0;
	s0 =	stileid.u32  }
0x7: {  	s21 =	simm.s32 $0x2;
	s22 =	simm.s32 $0x180;
	s8 =	smul.u32 $0x14000, s0  }
0x8: {  	s23 =	simm.s32 $0x0;
	[smem:$0x7FF] =	sst s4;
	s9 =	smul.u32 $0x140000, s5  }
0x9: {  	s2 =	sshll.u32 s5, $0x4;
	s5 =	ssub.s32 $0x2, s5;
	s29 =	smul.u32 $0x50000, s0  }
0xa: {  	s31 =	sshll.u32 s0, $0x6;
	s2 =	sor.u32 s0, s2;
	s11 =	sshrl.u32 s5, $0x1  }
0xb: {  	s7 =	smul.u32 $0x4E2, s2;
	s2 =	rddreg [dreg:$0x3];
	_ =	strace $0x8000004D  }
0xc: {  	s28 =	sshrl.u32 s8, $0x3;
	s8 =	sadd.s32 s8, s9;
	s30 =	sshrl.u32 s29, $0x2  }
0xd: {  	s11 =	ssub.s32 s5, s11;
	s8 =	sshrl.u32 s8, $0x3;
	s13 =	sadd.s32 s30, s3  }
0xe: {  	s10 =	sadd.s32 s7, s6;
	s7 =	sadd.s32 s28, s6;
	s12 =	sadd.s32 s8, s6  }
0xf: {  	s6 =	sor.u32 $0x1C03, s31;
	s5 =	sadd.s32 $0xE600, s7;
	s7 =	sadd.s32 $0x86600, s10  }
0x10: {  	s8 =	sadd.s32 $0x4800, s10;
	s9 =	sadd.s32 $0x90400, s12;
	s10 =	smax.u32 s11, $0x1  }
0x11: {  	s11 =	sshrl.u32 s13, $0x3;
	s12 =	simm.s32 $0x3;
	s13 =	simm.s32 $0x200  }
.LBB2_1:
0x12: {  	[spmem:s11], [sflag:s6] =	dma.local [hbm:s5], $0x2800  }
0x13: {  	_ =	swait.ge [sflag:s12], $0x2800  }
0x14: {  	[sflag:s12] =	ssyncset.done $0x0  }
0x15: {  	[sflag:s12] =	ssyncadd.s32 $0xFFFFD800  }
0x16: {  	[tilespmem:s13], [sflag:$0x3] =	stream.linear.gather [hbm4b:s7+s4], $0x2710, $0x38;
	[tilespmem:$0x1E100] =	vst v63  }
0x17: {  	_ =	swait.ge [sflag:s12], $0x2710  }
0x18: {  	[sflag:s12] =	ssyncset.done $0x0  }
0x19: {  	[sflag:s12] =	ssyncadd.s32 $0xFFFFD8F0  }
0x1a: {  	[tilespmem:s14], [sflag:$0x3] =	stream.linear.gather [hbm4b:s8+s4], $0x2710, $0x38;
	[tilespmem:$0x1E100] =	vst v63  }
0x1b: {  	_ =	swait.ge [sflag:s12], $0x2710  }
0x1c: {  	[sflag:s12] =	ssyncset.done $0x0  }
0x1d: {  	[sflag:s12] =	ssyncadd.s32 $0xFFFFD8F0  }
0x1e: {  	[bflag:$0x0] =	sbarrier.arrive $0xFFFF  }
0x1f: {  	v0 =	vld [tilespmem:$0x200]  }
0x20: {  	v1 =	vld [tilespmem:$0x210]  }
0x21: {  	v2 =	vld [tilespmem:$0x220]  }
0x22: {  	v3 =	vld [tilespmem:$0x230]  }
0x23: {  	v4 =	vld [tilespmem:$0x240]  }
0x24: {  	v57 =	vld [tilespmem:$0x2980];
	[tilespmem:$0x0] =	vst v0  }
0x25: {  	v58 =	vld [tilespmem:$0x2990];
	[tilespmem:$0x10] =	vst v1  }
0x26: {  	v59 =	vld [tilespmem:$0x29A0];
	[tilespmem:$0x20] =	vst v2  }
0x27: {  	v60 =	vld [tilespmem:$0x29B0];
	[tilespmem:$0x30] =	vst v3  }
0x28: {  	v61 =	vld [tilespmem:$0x29C0];
	[tilespmem:$0x40] =	vst v4  }
0x29: {  	[tilespmem:$0x80] =	vst v57  }
0x2a: {  	[tilespmem:$0x90] =	vst v58  }
0x2b: {  	[tilespmem:$0xA0] =	vst v59  }
0x2c: {  	[tilespmem:$0xB0] =	vst v60  }
0x2d: {  	[tilespmem:$0xC0] =	vst v61  }
0x2e: {  	[tilespmem:s16], [sflag:$0x1] =	stream.indirect.gather [hbm4b:s1+s15], $0x80, s4, s15, $0xb8;
	[tilespmem:$0x1E100] =	vst v63  }
0x2f: {  	_ =	swait.ge [sflag:s17], $0x2800  }
0x30: {  	[sflag:s17] =	ssyncset.done $0x0  }
0x31: {  	s24 =	simm.s32 $0x270;
	[sflag:s17] =	ssyncadd.s32 $0xFFFFD800  }
0x32: {  	v62 =	vld [tilespmem:s24+$0xFFFFFFE0];
	_ =	sdelay $0x4  }
0x33: {  	[tilespmem:$0x100] =	vst v62  }
0x34: {  	v0 =	vld [tilespmem:s24+$0xFFFFFFF0];
	_ =	sdelay $0x4  }
0x35: {  	[tilespmem:$0x110] =	vst v0  }
0x36: {  	v0 =	vld [tilespmem:s24+$0x0];
	_ =	sdelay $0x4  }
0x37: {  	s26 =	sand.u32 $0x3FE0, s4;
	[tilespmem:$0x120] =	vst v0  }
0x38: {  	v0 =	vld [tilespmem:s26+$0x280];
	_ =	sdelay $0x4  }
0x39: {  	[tilespmem:$0x130] =	vst v0  }
0x3a: {  	v0 =	vld [tilespmem:s24+$0x20];
	_ =	sdelay $0x4  }
0x3b: {  	s25 =	simm.s32 $0x29F0;
	[tilespmem:$0x140] =	vst v0  }
0x3c: {  	v0 =	vld [tilespmem:s25+$0xFFFFFFE0];
	_ =	sdelay $0x4  }
0x3d: {  	[tilespmem:$0x180] =	vst v0  }
0x3e: {  	v0 =	vld [tilespmem:s25+$0xFFFFFFF0];
	_ =	sdelay $0x4  }
0x3f: {  	[tilespmem:$0x190] =	vst v0  }
0x40: {  	v0 =	vld [tilespmem:s25+$0x0];
	_ =	sdelay $0x4  }
0x41: {  	[tilespmem:$0x1A0] =	vst v0  }
0x42: {  	v0 =	vld [tilespmem:s26+$0x2A00];
	_ =	sdelay $0x4  }
0x43: {  	[tilespmem:$0x1B0] =	vst v0  }
0x44: {  	v0 =	vld [tilespmem:s25+$0x20];
	_ =	sdelay $0x4  }
0x45: {  	[tilespmem:$0x1C0] =	vst v0  }
0x46: {  	[tilespmem:s19], [sflag:$0x2] =	stream.indirect.gather [hbm4b:s1+s15], $0x80, s18, s15, $0xb8;
	[tilespmem:$0x1E100] =	vst v63  }
0x47: {  	_ = 	snop  }
0x48: {  	[spmem:s3] =	stream.indirect.scatter.add.f32 [tilespmem:s16], [sflag:$0x3], $0x80, s20, s15, $0xb8;
	[tilespmem:$0x1E100] =	vst v63  }
0x49: {  	_ =	swait.ge [sflag:s12], $0x2800  }
0x4a: {  	[sflag:s12] =	ssyncset.done $0x0  }
0x4b: {  	[sflag:s12] =	ssyncadd.s32 $0xFFFFD800  }
0x4c: {  	_ =	swait.ge [sflag:s21], $0x2800  }
0x4d: {  	[sflag:s21] =	ssyncset.done $0x0  }
0x4e: {  	[sflag:s21] =	ssyncadd.s32 $0xFFFFD800  }
0x4f: {  	v63 =	vld [tilespmem:s24+$0x30];
	_ =	sdelay $0x4  }
0x50: {  	[tilespmem:$0x0] =	vst v63  }
0x51: {  	v0 =	vld [tilespmem:s24+$0x40];
	_ =	sdelay $0x4  }
0x52: {  	[tilespmem:$0x10] =	vst v0  }
0x53: {  	v0 =	vld [tilespmem:s24+$0x50];
	_ =	sdelay $0x4  }
0x54: {  	[tilespmem:$0x20] =	vst v0  }
0x55: {  	v0 =	vld [tilespmem:s24+$0x60];
	_ =	sdelay $0x4  }
0x56: {  	[tilespmem:$0x30] =	vst v0  }
0x57: {  	v0 =	vld [tilespmem:s24+$0x70];
	_ =	sdelay $0x4  }
0x58: {  	[tilespmem:$0x40] =	vst v0  }
0x59: {  	v0 =	vld [tilespmem:s25+$0x30];
	_ =	sdelay $0x4  }
0x5a: {  	[tilespmem:$0x80] =	vst v0  }
0x5b: {  	v0 =	vld [tilespmem:s25+$0x40];
	_ =	sdelay $0x4  }
0x5c: {  	[tilespmem:$0x90] =	vst v0  }
0x5d: {  	v0 =	vld [tilespmem:s25+$0x50];
	_ =	sdelay $0x4  }
0x5e: {  	[tilespmem:$0xA0] =	vst v0  }
0x5f: {  	v0 =	vld [tilespmem:s25+$0x60];
	_ =	sdelay $0x4  }
0x60: {  	[tilespmem:$0xB0] =	vst v0  }
0x61: {  	v0 =	vld [tilespmem:s25+$0x70];
	_ =	sdelay $0x4  }
0x62: {  	[tilespmem:$0xC0] =	vst v0  }
0x63: {  	[tilespmem:s16], [sflag:$0x1] =	stream.indirect.gather [hbm4b:s1+s15], $0x80, s4, s15, $0xb8;
	[tilespmem:$0x1E100] =	vst v63  }
0x64: {  	_ = 	snop  }
0x65: {  	[spmem:s3] =	stream.indirect.scatter.add.f32 [tilespmem:s19], [sflag:$0x3], $0x80, s22, s15, $0xb8;
	[tilespmem:$0x1E100] =	vst v63  }
0x66: {  	_ =	swait.ge [sflag:s12], $0x2800  }
0x67: {  	[sflag:s12] =	ssyncset.done $0x0  }
0x68: {  	[sflag:s12] =	ssyncadd.s32 $0xFFFFD800  }
0x69: {  	_ =	swait.ge [sflag:s17], $0x2800  }
0x6a: {  	s26 =	simm.s32 $0xA0;
	[sflag:s17] =	ssyncset.done $0x0  }
.LBB2_2:
0x6b: {  	[sflag:s17] =	ssyncadd.s32 $0xFFFFD800;
	s25 =	sadd.s32 $0xA0, s25;
	s24 =	sadd.s32 $0xA0, s24  }
0x6c: {  	p0 =	sne.s32 s26, $0x2620;
	s28 =	smov.u32 s26;
	s26 =	sadd.s32 $0xA0, s26;
	v0 =	vld [tilespmem:s24+$0xFFFFFFE0]  }
0x6d: {  	_ =	sdelay $0x3  }
0x6e: {  	[tilespmem:$0x100] =	vst v0  }
0x6f: {  	v0 =	vld [tilespmem:s24+$0xFFFFFFF0];
	_ =	sdelay $0x4  }
0x70: {  	[tilespmem:$0x110] =	vst v0  }
0x71: {  	v0 =	vld [tilespmem:s24+$0x0];
	_ =	sdelay $0x4  }
0x72: {  	s28 =	sand.u32 $0x3FE0, s28;
	[tilespmem:$0x120] =	vst v0  }
0x73: {  	v0 =	vld [tilespmem:s28+$0x280];
	_ =	sdelay $0x4  }
0x74: {  	[tilespmem:$0x130] =	vst v0  }
0x75: {  	v0 =	vld [tilespmem:s24+$0x20];
	_ =	sdelay $0x4  }
0x76: {  	[tilespmem:$0x140] =	vst v0  }
0x77: {  	v0 =	vld [tilespmem:s25+$0xFFFFFFE0];
	_ =	sdelay $0x4  }
0x78: {  	[tilespmem:$0x180] =	vst v0  }
0x79: {  	v0 =	vld [tilespmem:s25+$0xFFFFFFF0];
	_ =	sdelay $0x4  }
0x7a: {  	[tilespmem:$0x190] =	vst v0  }
0x7b: {  	v0 =	vld [tilespmem:s25+$0x0];
	_ =	sdelay $0x4  }
0x7c: {  	[tilespmem:$0x1A0] =	vst v0  }
0x7d: {  	v0 =	vld [tilespmem:s28+$0x2A00];
	_ =	sdelay $0x4  }
0x7e: {  	[tilespmem:$0x1B0] =	vst v0  }
0x7f: {  	v0 =	vld [tilespmem:s25+$0x20];
	_ =	sdelay $0x4  }
0x80: {  	[tilespmem:$0x1C0] =	vst v0  }
0x81: {  	[tilespmem:s19], [sflag:$0x2] =	stream.indirect.gather [hbm4b:s1+s15], $0x80, s18, s15, $0xb8;
	[tilespmem:$0x1E100] =	vst v63  }
0x82: {  	_ = 	snop  }
0x83: {  	[spmem:s3] =	stream.indirect.scatter.add.f32 [tilespmem:s16], [sflag:$0x3], $0x80, s20, s15, $0xb8;
	[tilespmem:$0x1E100] =	vst v63  }
0x84: {  	_ =	swait.ge [sflag:s12], $0x2800  }
0x85: {  	[sflag:s12] =	ssyncset.done $0x0  }
0x86: {  	[sflag:s12] =	ssyncadd.s32 $0xFFFFD800  }
0x87: {  	_ =	swait.ge [sflag:s21], $0x2800  }
0x88: {  	[sflag:s21] =	ssyncset.done $0x0  }
0x89: {  	[sflag:s21] =	ssyncadd.s32 $0xFFFFD800  }
0x8a: {  	v0 =	vld [tilespmem:s24+$0x30];
	_ =	sdelay $0x4  }
0x8b: {  	[tilespmem:$0x0] =	vst v0  }
0x8c: {  	v0 =	vld [tilespmem:s24+$0x40];
	_ =	sdelay $0x4  }
0x8d: {  	[tilespmem:$0x10] =	vst v0  }
0x8e: {  	v0 =	vld [tilespmem:s24+$0x50];
	_ =	sdelay $0x4  }
0x8f: {  	[tilespmem:$0x20] =	vst v0  }
0x90: {  	v0 =	vld [tilespmem:s24+$0x60];
	_ =	sdelay $0x4  }
0x91: {  	[tilespmem:$0x30] =	vst v0  }
0x92: {  	v0 =	vld [tilespmem:s24+$0x70];
	_ =	sdelay $0x4  }
0x93: {  	[tilespmem:$0x40] =	vst v0  }
0x94: {  	v0 =	vld [tilespmem:s25+$0x30];
	_ =	sdelay $0x4  }
0x95: {  	[tilespmem:$0x80] =	vst v0  }
0x96: {  	v0 =	vld [tilespmem:s25+$0x40];
	_ =	sdelay $0x4  }
0x97: {  	[tilespmem:$0x90] =	vst v0  }
0x98: {  	v0 =	vld [tilespmem:s25+$0x50];
	_ =	sdelay $0x4  }
0x99: {  	[tilespmem:$0xA0] =	vst v0  }
0x9a: {  	v0 =	vld [tilespmem:s25+$0x60];
	_ =	sdelay $0x4  }
0x9b: {  	[tilespmem:$0xB0] =	vst v0  }
0x9c: {  	v0 =	vld [tilespmem:s25+$0x70];
	_ =	sdelay $0x4  }
0x9d: {  	[tilespmem:$0xC0] =	vst v0  }
0x9e: {  	[tilespmem:s16], [sflag:$0x1] =	stream.indirect.gather [hbm4b:s1+s15], $0x80, s4, s15, $0xb8;
	[tilespmem:$0x1E100] =	vst v63  }
0x9f: {  	_ = 	snop  }
0xa0: {  	[spmem:s3] =	stream.indirect.scatter.add.f32 [tilespmem:s19], [sflag:$0x3], $0x80, s22, s15, $0xb8;
	[tilespmem:$0x1E100] =	vst v63  }
.Ltmp0:
0xa1: {  	_ =	swait.ge [sflag:s12], $0x2800;
	(pc) =	sbr.rel @p0 .LBB2_2-.Ltmp0, $4  }
0xa2: {  	[sflag:s12] =	ssyncset.done $0x0  }
0xa3: {  	[sflag:s12] =	ssyncadd.s32 $0xFFFFD800  }
0xa4: {  	_ =	swait.ge [sflag:s17], $0x2800  }
0xa5: {  	[sflag:s17] =	ssyncset.done $0x0  }
0xa6: {  	[sflag:s17] =	ssyncadd.s32 $0xFFFFD800  }
0xa7: {  	[spmem:s3] =	stream.indirect.scatter.add.f32 [tilespmem:s16], [sflag:$0x3], $0x80, s20, s15, $0xb8;
	[tilespmem:$0x1E100] =	vst v63  }
0xa8: {  	_ =	swait.ge [sflag:s12], $0x2800  }
0xa9: {  	s23 =	sadd.s32 $0x1, s23;
	[sflag:s12] =	ssyncset.done $0x0  }
0xaa: {  	p0 =	sne.s32 s23, s10;
	[sflag:s12] =	ssyncadd.s32 $0xFFFFD800  }
.Ltmp1:
0xab: {  	[bflag:$0x0] =	sbarrier.arrive $0xFFFF;
	(pc) =	sbr.rel @p0 .LBB2_1-.Ltmp1, $4  }
0xac: {  	[hbm:s9], [sflag:s6] =	dma.local [spmem:s11], $0x2800  }
0xad: {  	_ =	swait.ge [sflag:s12], $0x2800  }
0xae: {  	[sflag:s12] =	ssyncset.done $0x0  }
0xaf: {  	[sflag:s12] =	ssyncadd.s32 $0xFFFFD800  }
0xb0: {  	_ =	sfence.sel $0x180000  }
0xb1: {  	[bflag:$0x0] =	sbarrier.arrive $0xFFFF  }
0xb2: {  	p0 =	sne.s32 s0, $0x0;
	_ =	strace $0x9000004D  }
0xb3: {  	s0 =	sadd.s32 @!p0 $0x100000, s2;
	[bflag:$0x2] =	sbarrier.arrive $0xFFFF  }
0xb4: {  	[sflag:s0] =	ssyncadd.tile.s32 @!p0 $0x1;
	_ =	shalt  }
.Lfunc_end2:
_tile_overlayer_lowered:
.L_overlay_start_2:
0xb5: {  	(tag) =	ssettag $0x2  }
0xb6: {  	s0 =	rddreg [dreg:$0x0];
	s2 =	stileid.u32  }
0xb7: {  	s1 =	rddreg [dreg:$0x1];
	p0 =	sne.s32 s2, $0x0  }
0xb8: {  	s3 =	rddreg [dreg:$0x2];
	[bflag:$0x3] =	sbarrier.arrive $0xFFFF;
	s2 =	simm.s32 @!p0 $0x1C03  }
0xb9: {  	[timem:s3], [sflag:s2] =	dma.local @!p0 [hbm:s0], s1  }
0xba: {  	s0 =	simm.s32 @!p0 $0x3  }
0xbb: {  	_ =	swait.ge @!p0 [sflag:s0], s1  }
0xbc: {  	s1 =	ssub.s32 @!p0 $0x0, s1;
	[sflag:s0] =	ssyncset.done @!p0 $0x0  }
0xbd: {  	[sflag:s0] =	ssyncadd.s32 @!p0 s1  }
0xbe: {  	[bflag:$0x3] =	sbarrier.arrive $0xFFFF  }
0xbf: {  	_ =	shalt  }

// kernel: kernel.20.cloned.1.call-start
scs
__scs_entry_jumppad:
0x0: {  	(pc) =	sbr.rel $0x88, $3  }
0x1: {  	(tag) =	ssettag $0x0;
	lr =	simm.s32 $0x1  }
0x2: {  	[smem:$0x3F99] =	sst lr;
	_ =	strace $0xD0000000  }
0x3: {  	_ = 	snop  }
0x4: {  	_ = 	snop  }
0x5: {  	_ = 	snop  }
0x6: {  	_ = 	snop  }
0x7: {  	_ = 	snop  }
__scs_overlays_trampoline_lowered:
0x8: {  	[smem:$0x3FA8] =	sst s0  }
0x9: {  	[smem:$0x3FA9] =	sst s1  }
0xa: {  	[smem:$0x3FAA] =	sst s2  }
0xb: {  	[smem:$0x3FAB] =	sst s3  }
0xc: {  	[smem:$0x3FAC] =	sst s4  }
0xd: {  	[smem:$0x3FAD] =	sst s5  }
0xe: {  	[smem:$0x3FAE] =	sst s6  }
0xf: {  	[smem:$0x3FAF] =	sst s7  }
0x10: {  	[smem:$0x3FB0] =	sst s8  }
0x11: {  	[smem:$0x3FB1] =	sst s9;
	s0 =	simm.s32 @!p0 $0x0  }
0x12: {  	s1 =	sld [smem:$0x3F97];
	s0 =	simm.s32 @p0 $0x1  }
0x13: {  	[smem:$0x3FB2] =	sst s0;
	s0 =	simm.s32 @!p1 $0x0  }
0x14: {  	s2 =	sld [smem:$0x3F96];
	s0 =	simm.s32 @p1 $0x1  }
0x15: {  	[smem:$0x3FB3] =	sst s0;
	s0 =	simm.s32 @!p2 $0x0  }
0x16: {  	s3 =	sld [smem:$0x3FDB];
	s0 =	simm.s32 @p2 $0x1  }
0x17: {  	s4 =	simm.s32 $0x1BF5;
	[smem:$0x3FB5] =	sst s0  }
0x18: {  	s0 =	sld [smem:$0x3F98];
	_ =	swait.ge [sflag:s4], $0x0  }
0x19: {  	s7 =	sld [smem:$0x3F99]  }
0x1a: {  	s8 =	sadd.s32 $0xFFFFE003, lr  }
0x1b: {  	s9 =	sadd.s32 $0xFFFFFEF7, lr;
	s5 =	simm.s32 $0xFFFFFFFF;
	p2 =	slt.u32 s8, $0xFFFFF086  }
0x1c: {  	p1 =	slt.u32 s9, $0xF7A;
	s5 =	simm.s32 @!p2 $0x0  }
0x1d: {  	s5 =	simm.s32 @p1 $0x1;
	p0 =	seq.s32 s7, s2  }
0x1e: {  	s7 =	smul.u32 @!p0 $0xF7A, s2;
	p2 =	seq.s32 @!p0 s5, $0x0  }
0x1f: {  	s9 =	smul.u32 $0xF7A, s1;
	s8 =	simm.s32 @!p0 $0x1BF5;
	p2 =	por !p2, p0  }
0x20: {  	[sflag:s8] =	ssyncset.s32 @!p0 $0xFFFFF086;
	s6 =	sadd.s32 @!p0 s3, s7;
	s7 =	simm.s32 @!p0 $0x108  }
0x21: {  	s3 =	sadd.s32 s3, s9;
	s6 =	sadd.s32 @!p0 $0x88, s6;
	s7 =	simm.s32 @p2 $0x1082  }
0x22: {  	[simem:s7], [sflag:s8] =	dma.local @!p0 [hbm:s6], $0xF7A  }
0x23: {  	s9 =	sor.u32 $0xD0000000, s2;
	s6 =	simm.s32 $0x108;
	_ =	swait.ge @!p0 [sflag:s8], $0x0  }
0x24: {  	s3 =	sadd.s32 $0x88, s3;
	s6 =	simm.s32 @!p1 $0x1082;
	[sflag:s4] =	ssyncset.s32 $0xFFFFF086  }
0x25: {  	[simem:s6], [sflag:s4] =	dma.local [hbm:s3], $0xF7A  }
0x26: {  	[smem:$0x3F99] =	sst s1;
	(tag) =	ssettag s2;
	_ =	strace s9  }
0x27: {  	s1 =	sld [smem:$0x3FA9]  }
0x28: {  	s2 =	sld [smem:$0x3FAA]  }
0x29: {  	s4 =	sld [smem:$0x3FAC]  }
0x2a: {  	p0 =	seq.s32 s5, $0x0;
	s5 =	sld [smem:$0x3FAD]  }
0x2b: {  	s6 =	sld [smem:$0x3FAE]  }
0x2c: {  	s7 =	sld [smem:$0x3FAF]  }
0x2d: {  	s3 =	simm.s32 $0x108;
	s8 =	sld [smem:$0x3FB0]  }
0x2e: {  	s3 =	simm.s32 @!p0 $0x1082;
	s9 =	sld [smem:$0x3FB1]  }
0x2f: {  	lr =	sadd.s32 s0, s3;
	s0 =	sld [smem:$0x3FA8]  }
0x30: {  	s3 =	sld [smem:$0x3FAB]  }
0x31: {  	[smem:$0x3FB4] =	sst s10  }
0x32: {  	s10 =	sld [smem:$0x3FB2];
	_ =	sdelay $0x3  }
0x33: {  	p0 =	seq.s32 s10, $0x1;
	s10 =	sld [smem:$0x3FB4];
	_ =	sdelay $0x3  }
0x34: {  	[smem:$0x3FB4] =	sst s10  }
0x35: {  	s10 =	sld [smem:$0x3FB3];
	_ =	sdelay $0x3  }
0x36: {  	p1 =	seq.s32 s10, $0x1;
	s10 =	sld [smem:$0x3FB4];
	_ =	sdelay $0x3  }
0x37: {  	[smem:$0x3FB4] =	sst s10  }
0x38: {  	s10 =	sld [smem:$0x3FB5]  }
0x39: {  	_ = 	snop;
	(pc) =	sbr.ind lr, $3  }
0x3a: {  	_ = 	snop  }
0x3b: {  	_ = 	snop  }
0x3c: {  	p2 =	seq.s32 s10, $0x1;
	s10 =	sld [smem:$0x3FB4]  }
0x3d: {  	_ =	shalt  }
0x3e: {  	_ =	shalt  }
0x3f: {  	_ =	shalt  }
0x40: {  	_ =	shalt  }
0x41: {  	_ =	shalt  }
0x42: {  	_ =	shalt  }
0x43: {  	_ =	shalt  }
0x44: {  	_ =	shalt  }
0x45: {  	_ =	shalt  }
0x46: {  	_ =	shalt  }
0x47: {  	_ =	shalt  }
0x48: {  	_ =	shalt  }
0x49: {  	_ =	shalt  }
0x4a: {  	_ =	shalt  }
0x4b: {  	_ =	shalt  }
0x4c: {  	_ =	shalt  }
0x4d: {  	_ =	shalt  }
0x4e: {  	_ =	shalt  }
0x4f: {  	_ =	shalt  }
0x50: {  	_ =	shalt  }
0x51: {  	_ =	shalt  }
0x52: {  	_ =	shalt  }
0x53: {  	_ =	shalt  }
0x54: {  	_ =	shalt  }
0x55: {  	_ =	shalt  }
0x56: {  	_ =	shalt  }
0x57: {  	_ =	shalt  }
0x58: {  	_ =	shalt  }
0x59: {  	_ =	shalt  }
0x5a: {  	_ =	shalt  }
0x5b: {  	_ =	shalt  }
0x5c: {  	_ =	shalt  }
0x5d: {  	_ =	shalt  }
0x5e: {  	_ =	shalt  }
0x5f: {  	_ =	shalt  }
0x60: {  	_ =	shalt  }
0x61: {  	_ =	shalt  }
0x62: {  	_ =	shalt  }
0x63: {  	_ =	shalt  }
0x64: {  	_ =	shalt  }
0x65: {  	_ =	shalt  }
0x66: {  	_ =	shalt  }
0x67: {  	_ =	shalt  }
0x68: {  	_ =	shalt  }
0x69: {  	_ =	shalt  }
0x6a: {  	_ =	shalt  }
0x6b: {  	_ =	shalt  }
0x6c: {  	_ =	shalt  }
0x6d: {  	_ =	shalt  }
0x6e: {  	_ =	shalt  }
0x6f: {  	_ =	shalt  }
0x70: {  	_ =	shalt  }
0x71: {  	_ =	shalt  }
0x72: {  	_ =	shalt  }
0x73: {  	_ =	shalt  }
0x74: {  	_ =	shalt  }
0x75: {  	_ =	shalt  }
0x76: {  	_ =	shalt  }
0x77: {  	_ =	shalt  }
0x78: {  	_ =	shalt  }
0x79: {  	_ =	shalt  }
0x7a: {  	_ =	shalt  }
0x7b: {  	_ =	shalt  }
0x7c: {  	_ =	shalt  }
0x7d: {  	_ =	shalt  }
0x7e: {  	_ =	shalt  }
0x7f: {  	_ =	shalt  }
0x80: {  	_ =	shalt  }
0x81: {  	_ =	shalt  }
0x82: {  	_ =	shalt  }
0x83: {  	_ =	shalt  }
0x84: {  	_ =	shalt  }
0x85: {  	_ =	shalt  }
0x86: {  	_ =	shalt  }
0x87: {  	_ =	shalt  }
.Lfunc_end0:
.L_simem_size_0:
called_computation.3_lowered:
.L_overlay_start_0:
0x88: {  	s2 =	sld [smem:$0x3FD9]  }
0x89: {  	s3 =	sld [smem:$0x3FFE];
	_ =	sdelay $0x1  }
0x8a: {  	s1 =	srdreg.scid  }
0x8b: {  	s0 =	sand.u32 $0x1, s1  }
0x8c: {  	s17 =	sshll.u32 s0, $0xA;
	s2 =	sadd.s32 s3, s2  }
0x8d: {  	s2 =	sadd.s32 s2, s17  }
0x8e: {  	[smem:$0x3FC0] =	sst s2  }
0x8f: {  	_ = 	snop  }
0x90: {  	s2 =	sld [smem:$0x3FD0];
	(tm) =	ssettm $0x1  }
0x91: {  	s18 =	sld [smem:$0x3FFB];
	_ =	sdelay $0x3  }
0x92: {  	_ =	strace s18  }
0x93: {  	s3 =	sld [smem:$0x3FFC];
	_ =	sdelay $0x3  }
0x94: {  	_ =	strace s3  }
0x95: {  	s3 =	sld [smem:$0x3FFD];
	_ =	sdelay $0x3  }
0x96: {  	_ =	strace s3  }
0x97: {  	_ =	strace $0x8FFFFFFF  }
0x98: {  	s19 =	sld [smem:$0x3FDB];
	_ =	sdelay $0x1  }
0x99: {  	s4 =	simm.s32 $_scs_section_size  }
0x9a: {  	s5 =	simm.s32 $_size__tile_overlayer_lowered;
	s6 =	simm.s32 $_tile_overlayer_lowered  }
0x9b: {  	s22 =	simm.s32 $0x1BFF;
	s21 =	sshll.u32 s6, $0x1;
	s3 =	sadd.s32 s4, s19  }
0x9c: {  	s7 =	simm.s32 $0x0;
	s20 =	sshll.u32 s5, $0x1;
	s5 =	sadd.s32 s21, s3  }
0x9d: {  	[timem:s7], [sflag:s22] =	dma.local [hbm:s5], s20  }
0x9e: {  	_ =	swait.ge [sflag:s22], s20  }
0x9f: {  	s4 =	ssub.s32 $0x0, s20;
	[sflag:s22] =	ssyncset.done $0x0  }
0xa0: {  	[sflag:s22] =	ssyncadd.s32 s4;
	_ =	sdelay $0x1  }
0xa1: {  	s23 =	simm.s32 $0x1B8B  }
0xa2: {  	_ =	swait.ge [sflag:s23], $0x1  }
0xa3: {  	[sflag:s23] =	ssyncset.done $0x0  }
0xa4: {  	s25 =	simm.s32 $0x1B8E;
	s24 =	sld [smem:$0x3FFE];
	[sflag:s23] =	ssyncadd.s32 $0xFFFFFFFF  }
0xa5: {  	s26 =	simm.s32 $execute0_lowered;
	[smem:$0x3FD2] =	sst s25  }
0xa6: {  	s5 =	sshll.u32 s26, $0x1;
	_ =	strace $0x8000004F;
	[dreg:$0x1] =	wrdreg $0xFFFFFFFF  }
0xa7: {  	s28 =	simm.s32 $_size_execute0_lowered;
	s3 =	sadd.s32 s3, s5;
	[dreg:$0x0] =	wrdreg $0x0  }
0xa8: {  	s5 =	sshll.u32 s28, $0x1;
	[dreg:$0x2] =	wrdreg s3  }
0xa9: {  	[dreg:$0x3] =	wrdreg s5  }
0xaa: {  	[dreg:$0x4] =	wrdreg $0xC0  }
0xab: {  	_ =	task [dreg:s7], $0x5FFFF  }
0xac: {  	[dreg:$0x1] =	wrdreg $0xFFFFFFFF  }
0xad: {  	[dreg:$0x0] =	wrdreg $0x60  }
0xae: {  	[dreg:$0x2] =	wrdreg s2  }
0xaf: {  	[dreg:$0x3] =	wrdreg s24  }
0xb0: {  	[dreg:$0x4] =	wrdreg $0xA1000  }
0xb1: {  	[dreg:$0x5] =	wrdreg $0x9  }
0xb2: {  	_ =	task.clear_ibuf [dreg:s7], $0x6FFFF;
	_ =	strace $0x9000004F  }
0xb3: {  	s29 =	simm.s32 $0x9;
	_ =	strace $0x80000051  }
0xb4: {  	_ =	swait.ge [sflag:s29], $0x1  }
0xb5: {  	[sflag:s29] =	ssyncadd.s32 $0xFFFFFFFF  }
0xb6: {  	_ =	strace $0x90000051  }
0xb7: {  	_ =	sfence  }
0xb8: {  	s30 =	sld [smem:$0x0];
	_ =	sdelay $0x2  }
0xb9: {  	s31 =	sshll.u32 s1, $0xD;
	s1 =	sshrl.u32 s1, $0x2  }
0xba: {  	s3 =	sand.u32 $0x4000, s31;
	s1 =	sadd.s32 s1, s30  }
0xbb: {  	s0 =	sor.u32 s3, s0;
	s1 =	sshll.u32 s1, $0x11  }
0xbc: {  	s0 =	sor.u32 s1, s0  }
0xbd: {  	s0 =	sadd.s32 $0x8F2B, s0  }
0xbe: {  	[sflag:s0] =	ssyncadd.remote.s32 $0x1  }
0xbf: {  	_ =	sfence.sel $0xFFFF  }
0xc0: {  	[dreg:$0x0] =	wrdreg $0xFFFFFFFF;
	(pc) =	sbr.abs _section_cstart, $3  }
0xc1: {  	[dreg:$0x1] =	wrdreg $0xFFFFFFFF  }
0xc2: {  	_ =	task.clear_ibuf [dreg:s7], $0x2FFFF;
	_ =	strace $0x9FFFFFFF  }
0xc3: {  	(tm) =	ssettm $0x7FFFFFFF  }
tec
execute0_lowered:
.L_overlay_start_1:
0x0: {  	(tag) =	ssettag $0x1  }
0x1: {  	s1 =	rddreg [dreg:$0x0]  }
0x2: {  	s6 =	rddreg [dreg:$0x1]  }
0x3: {  	s0 =	srdreg.scid;
	s3 =	rddreg [dreg:$0x2];
	s4 =	simm.s32 $0x0  }
0x4: {  	s14 =	simm.s32 $0x2980;
	s15 =	simm.s32 $0x50;
	s16 =	simm.s32 $0x5100  }
0x5: {  	s17 =	simm.s32 $0x1;
	s18 =	simm.s32 $0x100;
	s19 =	simm.s32 $0x7900  }
0x6: {  	s20 =	simm.s32 $0x80;
	s5 =	sand.u32 $0x1, s0;
	s0 =	stileid.u32  }
0x7: {  	s21 =	simm.s32 $0x2;
	s22 =	simm.s32 $0x180;
	s8 =	smul.u32 $0x14000, s0  }
0x8: {  	s23 =	simm.s32 $0x0;
	[smem:$0x7FF] =	sst s4;
	s9 =	smul.u32 $0x140000, s5  }
0x9: {  	s2 =	sshll.u32 s5, $0x4;
	s5 =	ssub.s32 $0x2, s5;
	s29 =	smul.u32 $0x50000, s0  }
0xa: {  	s31 =	sshll.u32 s0, $0x6;
	s2 =	sor.u32 s0, s2;
	s11 =	sshrl.u32 s5, $0x1  }
0xb: {  	s7 =	smul.u32 $0x4E2, s2;
	s2 =	rddreg [dreg:$0x3];
	_ =	strace $0x80000050  }
0xc: {  	s28 =	sshrl.u32 s8, $0x3;
	s8 =	sadd.s32 s8, s9;
	s30 =	sshrl.u32 s29, $0x2  }
0xd: {  	s11 =	ssub.s32 s5, s11;
	s8 =	sshrl.u32 s8, $0x3;
	s13 =	sadd.s32 s30, s3  }
0xe: {  	s10 =	sadd.s32 s7, s6;
	s7 =	sadd.s32 s28, s6;
	s12 =	sadd.s32 s8, s6  }
0xf: {  	s6 =	sor.u32 $0x1C03, s31;
	s5 =	sadd.s32 $0xE600, s7;
	s7 =	sadd.s32 $0x86600, s10  }
0x10: {  	s8 =	sadd.s32 $0x4800, s10;
	s9 =	sadd.s32 $0x90400, s12;
	s10 =	smax.u32 s11, $0x1  }
0x11: {  	s11 =	sshrl.u32 s13, $0x3;
	s12 =	simm.s32 $0x3;
	s13 =	simm.s32 $0x200  }
.LBB2_1:
0x12: {  	[spmem:s11], [sflag:s6] =	dma.local [hbm:s5], $0x2800  }
0x13: {  	_ =	swait.ge [sflag:s12], $0x2800  }
0x14: {  	[sflag:s12] =	ssyncset.done $0x0  }
0x15: {  	[sflag:s12] =	ssyncadd.s32 $0xFFFFD800  }
0x16: {  	[tilespmem:s13], [sflag:$0x3] =	stream.linear.gather [hbm4b:s7+s4], $0x2710, $0x38;
	[tilespmem:$0x1E100] =	vst v63  }
0x17: {  	_ =	swait.ge [sflag:s12], $0x2710  }
0x18: {  	[sflag:s12] =	ssyncset.done $0x0  }
0x19: {  	[sflag:s12] =	ssyncadd.s32 $0xFFFFD8F0  }
0x1a: {  	[tilespmem:s14], [sflag:$0x3] =	stream.linear.gather [hbm4b:s8+s4], $0x2710, $0x38;
	[tilespmem:$0x1E100] =	vst v63  }
0x1b: {  	_ =	swait.ge [sflag:s12], $0x2710  }
0x1c: {  	[sflag:s12] =	ssyncset.done $0x0  }
0x1d: {  	[sflag:s12] =	ssyncadd.s32 $0xFFFFD8F0  }
0x1e: {  	[bflag:$0x0] =	sbarrier.arrive $0xFFFF  }
0x1f: {  	v0 =	vld [tilespmem:$0x200]  }
0x20: {  	v1 =	vld [tilespmem:$0x210]  }
0x21: {  	v2 =	vld [tilespmem:$0x220]  }
0x22: {  	v3 =	vld [tilespmem:$0x230]  }
0x23: {  	v4 =	vld [tilespmem:$0x240]  }
0x24: {  	v57 =	vld [tilespmem:$0x2980];
	[tilespmem:$0x0] =	vst v0  }
0x25: {  	v58 =	vld [tilespmem:$0x2990];
	[tilespmem:$0x10] =	vst v1  }
0x26: {  	v59 =	vld [tilespmem:$0x29A0];
	[tilespmem:$0x20] =	vst v2  }
0x27: {  	v60 =	vld [tilespmem:$0x29B0];
	[tilespmem:$0x30] =	vst v3  }
0x28: {  	v61 =	vld [tilespmem:$0x29C0];
	[tilespmem:$0x40] =	vst v4  }
0x29: {  	[tilespmem:$0x80] =	vst v57  }
0x2a: {  	[tilespmem:$0x90] =	vst v58  }
0x2b: {  	[tilespmem:$0xA0] =	vst v59  }
0x2c: {  	[tilespmem:$0xB0] =	vst v60  }
0x2d: {  	[tilespmem:$0xC0] =	vst v61  }
0x2e: {  	[tilespmem:s16], [sflag:$0x1] =	stream.indirect.gather [hbm4b:s1+s15], $0x80, s4, s15, $0xb8;
	[tilespmem:$0x1E100] =	vst v63  }
0x2f: {  	_ =	swait.ge [sflag:s17], $0x2800  }
0x30: {  	[sflag:s17] =	ssyncset.done $0x0  }
0x31: {  	s24 =	simm.s32 $0x270;
	[sflag:s17] =	ssyncadd.s32 $0xFFFFD800  }
0x32: {  	v62 =	vld [tilespmem:s24+$0xFFFFFFE0];
	_ =	sdelay $0x4  }
0x33: {  	[tilespmem:$0x100] =	vst v62  }
0x34: {  	v0 =	vld [tilespmem:s24+$0xFFFFFFF0];
	_ =	sdelay $0x4  }
0x35: {  	[tilespmem:$0x110] =	vst v0  }
0x36: {  	v0 =	vld [tilespmem:s24+$0x0];
	_ =	sdelay $0x4  }
0x37: {  	s26 =	sand.u32 $0x3FE0, s4;
	[tilespmem:$0x120] =	vst v0  }
0x38: {  	v0 =	vld [tilespmem:s26+$0x280];
	_ =	sdelay $0x4  }
0x39: {  	[tilespmem:$0x130] =	vst v0  }
0x3a: {  	v0 =	vld [tilespmem:s24+$0x20];
	_ =	sdelay $0x4  }
0x3b: {  	s25 =	simm.s32 $0x29F0;
	[tilespmem:$0x140] =	vst v0  }
0x3c: {  	v0 =	vld [tilespmem:s25+$0xFFFFFFE0];
	_ =	sdelay $0x4  }
0x3d: {  	[tilespmem:$0x180] =	vst v0  }
0x3e: {  	v0 =	vld [tilespmem:s25+$0xFFFFFFF0];
	_ =	sdelay $0x4  }
0x3f: {  	[tilespmem:$0x190] =	vst v0  }
0x40: {  	v0 =	vld [tilespmem:s25+$0x0];
	_ =	sdelay $0x4  }
0x41: {  	[tilespmem:$0x1A0] =	vst v0  }
0x42: {  	v0 =	vld [tilespmem:s26+$0x2A00];
	_ =	sdelay $0x4  }
0x43: {  	[tilespmem:$0x1B0] =	vst v0  }
0x44: {  	v0 =	vld [tilespmem:s25+$0x20];
	_ =	sdelay $0x4  }
0x45: {  	[tilespmem:$0x1C0] =	vst v0  }
0x46: {  	[tilespmem:s19], [sflag:$0x2] =	stream.indirect.gather [hbm4b:s1+s15], $0x80, s18, s15, $0xb8;
	[tilespmem:$0x1E100] =	vst v63  }
0x47: {  	_ = 	snop  }
0x48: {  	[spmem:s3] =	stream.indirect.scatter.add.f32 [tilespmem:s16], [sflag:$0x3], $0x80, s20, s15, $0xb8;
	[tilespmem:$0x1E100] =	vst v63  }
0x49: {  	_ =	swait.ge [sflag:s12], $0x2800  }
0x4a: {  	[sflag:s12] =	ssyncset.done $0x0  }
0x4b: {  	[sflag:s12] =	ssyncadd.s32 $0xFFFFD800  }
0x4c: {  	_ =	swait.ge [sflag:s21], $0x2800  }
0x4d: {  	[sflag:s21] =	ssyncset.done $0x0  }
0x4e: {  	[sflag:s21] =	ssyncadd.s32 $0xFFFFD800  }
0x4f: {  	v63 =	vld [tilespmem:s24+$0x30];
	_ =	sdelay $0x4  }
0x50: {  	[tilespmem:$0x0] =	vst v63  }
0x51: {  	v0 =	vld [tilespmem:s24+$0x40];
	_ =	sdelay $0x4  }
0x52: {  	[tilespmem:$0x10] =	vst v0  }
0x53: {  	v0 =	vld [tilespmem:s24+$0x50];
	_ =	sdelay $0x4  }
0x54: {  	[tilespmem:$0x20] =	vst v0  }
0x55: {  	v0 =	vld [tilespmem:s24+$0x60];
	_ =	sdelay $0x4  }
0x56: {  	[tilespmem:$0x30] =	vst v0  }
0x57: {  	v0 =	vld [tilespmem:s24+$0x70];
	_ =	sdelay $0x4  }
0x58: {  	[tilespmem:$0x40] =	vst v0  }
0x59: {  	v0 =	vld [tilespmem:s25+$0x30];
	_ =	sdelay $0x4  }
0x5a: {  	[tilespmem:$0x80] =	vst v0  }
0x5b: {  	v0 =	vld [tilespmem:s25+$0x40];
	_ =	sdelay $0x4  }
0x5c: {  	[tilespmem:$0x90] =	vst v0  }
0x5d: {  	v0 =	vld [tilespmem:s25+$0x50];
	_ =	sdelay $0x4  }
0x5e: {  	[tilespmem:$0xA0] =	vst v0  }
0x5f: {  	v0 =	vld [tilespmem:s25+$0x60];
	_ =	sdelay $0x4  }
0x60: {  	[tilespmem:$0xB0] =	vst v0  }
0x61: {  	v0 =	vld [tilespmem:s25+$0x70];
	_ =	sdelay $0x4  }
0x62: {  	[tilespmem:$0xC0] =	vst v0  }
0x63: {  	[tilespmem:s16], [sflag:$0x1] =	stream.indirect.gather [hbm4b:s1+s15], $0x80, s4, s15, $0xb8;
	[tilespmem:$0x1E100] =	vst v63  }
0x64: {  	_ = 	snop  }
0x65: {  	[spmem:s3] =	stream.indirect.scatter.add.f32 [tilespmem:s19], [sflag:$0x3], $0x80, s22, s15, $0xb8;
	[tilespmem:$0x1E100] =	vst v63  }
0x66: {  	_ =	swait.ge [sflag:s12], $0x2800  }
0x67: {  	[sflag:s12] =	ssyncset.done $0x0  }
0x68: {  	[sflag:s12] =	ssyncadd.s32 $0xFFFFD800  }
0x69: {  	_ =	swait.ge [sflag:s17], $0x2800  }
0x6a: {  	s26 =	simm.s32 $0xA0;
	[sflag:s17] =	ssyncset.done $0x0  }
.LBB2_2:
0x6b: {  	[sflag:s17] =	ssyncadd.s32 $0xFFFFD800;
	s25 =	sadd.s32 $0xA0, s25;
	s24 =	sadd.s32 $0xA0, s24  }
0x6c: {  	p0 =	sne.s32 s26, $0x2620;
	s28 =	smov.u32 s26;
	s26 =	sadd.s32 $0xA0, s26;
	v0 =	vld [tilespmem:s24+$0xFFFFFFE0]  }
0x6d: {  	_ =	sdelay $0x3  }
0x6e: {  	[tilespmem:$0x100] =	vst v0  }
0x6f: {  	v0 =	vld [tilespmem:s24+$0xFFFFFFF0];
	_ =	sdelay $0x4  }
0x70: {  	[tilespmem:$0x110] =	vst v0  }
0x71: {  	v0 =	vld [tilespmem:s24+$0x0];
	_ =	sdelay $0x4  }
0x72: {  	s28 =	sand.u32 $0x3FE0, s28;
	[tilespmem:$0x120] =	vst v0  }
0x73: {  	v0 =	vld [tilespmem:s28+$0x280];
	_ =	sdelay $0x4  }
0x74: {  	[tilespmem:$0x130] =	vst v0  }
0x75: {  	v0 =	vld [tilespmem:s24+$0x20];
	_ =	sdelay $0x4  }
0x76: {  	[tilespmem:$0x140] =	vst v0  }
0x77: {  	v0 =	vld [tilespmem:s25+$0xFFFFFFE0];
	_ =	sdelay $0x4  }
0x78: {  	[tilespmem:$0x180] =	vst v0  }
0x79: {  	v0 =	vld [tilespmem:s25+$0xFFFFFFF0];
	_ =	sdelay $0x4  }
0x7a: {  	[tilespmem:$0x190] =	vst v0  }
0x7b: {  	v0 =	vld [tilespmem:s25+$0x0];
	_ =	sdelay $0x4  }
0x7c: {  	[tilespmem:$0x1A0] =	vst v0  }
0x7d: {  	v0 =	vld [tilespmem:s28+$0x2A00];
	_ =	sdelay $0x4  }
0x7e: {  	[tilespmem:$0x1B0] =	vst v0  }
0x7f: {  	v0 =	vld [tilespmem:s25+$0x20];
	_ =	sdelay $0x4  }
0x80: {  	[tilespmem:$0x1C0] =	vst v0  }
0x81: {  	[tilespmem:s19], [sflag:$0x2] =	stream.indirect.gather [hbm4b:s1+s15], $0x80, s18, s15, $0xb8;
	[tilespmem:$0x1E100] =	vst v63  }
0x82: {  	_ = 	snop  }
0x83: {  	[spmem:s3] =	stream.indirect.scatter.add.f32 [tilespmem:s16], [sflag:$0x3], $0x80, s20, s15, $0xb8;
	[tilespmem:$0x1E100] =	vst v63  }
0x84: {  	_ =	swait.ge [sflag:s12], $0x2800  }
0x85: {  	[sflag:s12] =	ssyncset.done $0x0  }
0x86: {  	[sflag:s12] =	ssyncadd.s32 $0xFFFFD800  }
0x87: {  	_ =	swait.ge [sflag:s21], $0x2800  }
0x88: {  	[sflag:s21] =	ssyncset.done $0x0  }
0x89: {  	[sflag:s21] =	ssyncadd.s32 $0xFFFFD800  }
0x8a: {  	v0 =	vld [tilespmem:s24+$0x30];
	_ =	sdelay $0x4  }
0x8b: {  	[tilespmem:$0x0] =	vst v0  }
0x8c: {  	v0 =	vld [tilespmem:s24+$0x40];
	_ =	sdelay $0x4  }
0x8d: {  	[tilespmem:$0x10] =	vst v0  }
0x8e: {  	v0 =	vld [tilespmem:s24+$0x50];
	_ =	sdelay $0x4  }
0x8f: {  	[tilespmem:$0x20] =	vst v0  }
0x90: {  	v0 =	vld [tilespmem:s24+$0x60];
	_ =	sdelay $0x4  }
0x91: {  	[tilespmem:$0x30] =	vst v0  }
0x92: {  	v0 =	vld [tilespmem:s24+$0x70];
	_ =	sdelay $0x4  }
0x93: {  	[tilespmem:$0x40] =	vst v0  }
0x94: {  	v0 =	vld [tilespmem:s25+$0x30];
	_ =	sdelay $0x4  }
0x95: {  	[tilespmem:$0x80] =	vst v0  }
0x96: {  	v0 =	vld [tilespmem:s25+$0x40];
	_ =	sdelay $0x4  }
0x97: {  	[tilespmem:$0x90] =	vst v0  }
0x98: {  	v0 =	vld [tilespmem:s25+$0x50];
	_ =	sdelay $0x4  }
0x99: {  	[tilespmem:$0xA0] =	vst v0  }
0x9a: {  	v0 =	vld [tilespmem:s25+$0x60];
	_ =	sdelay $0x4  }
0x9b: {  	[tilespmem:$0xB0] =	vst v0  }
0x9c: {  	v0 =	vld [tilespmem:s25+$0x70];
	_ =	sdelay $0x4  }
0x9d: {  	[tilespmem:$0xC0] =	vst v0  }
0x9e: {  	[tilespmem:s16], [sflag:$0x1] =	stream.indirect.gather [hbm4b:s1+s15], $0x80, s4, s15, $0xb8;
	[tilespmem:$0x1E100] =	vst v63  }
0x9f: {  	_ = 	snop  }
0xa0: {  	[spmem:s3] =	stream.indirect.scatter.add.f32 [tilespmem:s19], [sflag:$0x3], $0x80, s22, s15, $0xb8;
	[tilespmem:$0x1E100] =	vst v63  }
.Ltmp0:
0xa1: {  	_ =	swait.ge [sflag:s12], $0x2800;
	(pc) =	sbr.rel @p0 .LBB2_2-.Ltmp0, $4  }
0xa2: {  	[sflag:s12] =	ssyncset.done $0x0  }
0xa3: {  	[sflag:s12] =	ssyncadd.s32 $0xFFFFD800  }
0xa4: {  	_ =	swait.ge [sflag:s17], $0x2800  }
0xa5: {  	[sflag:s17] =	ssyncset.done $0x0  }
0xa6: {  	[sflag:s17] =	ssyncadd.s32 $0xFFFFD800  }
0xa7: {  	[spmem:s3] =	stream.indirect.scatter.add.f32 [tilespmem:s16], [sflag:$0x3], $0x80, s20, s15, $0xb8;
	[tilespmem:$0x1E100] =	vst v63  }
0xa8: {  	_ =	swait.ge [sflag:s12], $0x2800  }
0xa9: {  	s23 =	sadd.s32 $0x1, s23;
	[sflag:s12] =	ssyncset.done $0x0  }
0xaa: {  	p0 =	sne.s32 s23, s10;
	[sflag:s12] =	ssyncadd.s32 $0xFFFFD800  }
.Ltmp1:
0xab: {  	[bflag:$0x0] =	sbarrier.arrive $0xFFFF;
	(pc) =	sbr.rel @p0 .LBB2_1-.Ltmp1, $4  }
0xac: {  	[hbm:s9], [sflag:s6] =	dma.local [spmem:s11], $0x2800  }
0xad: {  	_ =	swait.ge [sflag:s12], $0x2800  }
0xae: {  	[sflag:s12] =	ssyncset.done $0x0  }
0xaf: {  	[sflag:s12] =	ssyncadd.s32 $0xFFFFD800  }
0xb0: {  	_ =	sfence.sel $0x180000  }
0xb1: {  	[bflag:$0x0] =	sbarrier.arrive $0xFFFF  }
0xb2: {  	p0 =	sne.s32 s0, $0x0;
	_ =	strace $0x90000050  }
0xb3: {  	s0 =	sadd.s32 @!p0 $0x100000, s2;
	[bflag:$0x2] =	sbarrier.arrive $0xFFFF  }
0xb4: {  	[sflag:s0] =	ssyncadd.tile.s32 @!p0 $0x1;
	_ =	shalt  }
.Lfunc_end2:
_tile_overlayer_lowered:
.L_overlay_start_2:
0xb5: {  	(tag) =	ssettag $0x2  }
0xb6: {  	s0 =	rddreg [dreg:$0x0];
	s2 =	stileid.u32  }
0xb7: {  	s1 =	rddreg [dreg:$0x1];
	p0 =	sne.s32 s2, $0x0  }
0xb8: {  	s3 =	rddreg [dreg:$0x2];
	[bflag:$0x3] =	sbarrier.arrive $0xFFFF;
	s2 =	simm.s32 @!p0 $0x1C03  }
0xb9: {  	[timem:s3], [sflag:s2] =	dma.local @!p0 [hbm:s0], s1  }
0xba: {  	s0 =	simm.s32 @!p0 $0x3  }
0xbb: {  	_ =	swait.ge @!p0 [sflag:s0], s1  }
0xbc: {  	s1 =	ssub.s32 @!p0 $0x0, s1;
	[sflag:s0] =	ssyncset.done @!p0 $0x0  }
0xbd: {  	[sflag:s0] =	ssyncadd.s32 @!p0 s1  }
0xbe: {  	[bflag:$0x3] =	sbarrier.arrive $0xFFFF  }
0xbf: {  	_ =	shalt  }

</sc_bundles>
